<compile_context>
chip_gen: v7x
topology: tpu7x:2x2x1
jax: 0.10.2.dev20260603
libtpu: 0.0.44.dev20260713+nightly
codegen_flags: <defaults>
</compile_context>

<pallas_src>
import functools

import jax
import jax.numpy as jnp
from jax import lax
from jax.experimental import pallas as pl
from jax.experimental.pallas import tpu as pltpu
from jax.experimental.pallas import tpu_sc as plsc

B = 1024
F = 25
C = 16
D = 1536
EPS = 1e-5

_info = plsc.get_sparse_core_info()
NC = _info.num_cores
NS = _info.num_subcores
L = _info.num_lanes
NW = NC * NS

CAT_ROWS = F * B
ROWS_PER_W = CAT_ROWS // NW
BN_PER_W = B // NW

G = 16
NCHUNKS = ROWS_PER_W // G
NBUF = 4


def _sc_body(idx_hbm, numx_hbm, table_hbm, emb_hbm, out_hbm,
             idx_v, buf, bn_buf, emb_v, numx_v, *sems):
    gsems = sems[:NBUF]
    ssems = sems[NBUF:]
    sid = lax.axis_index("s")
    w = sid * NC + lax.axis_index("c")
    base = w * ROWS_PER_W

    pltpu.sync_copy(idx_hbm.at[w], idx_v)
    pltpu.sync_copy(emb_hbm, emb_v)
    pltpu.sync_copy(numx_hbm, numx_v)

    def _idx_slice(m):
        return idx_v.at[pl.ds(pl.multiple_of(m * G, 8), G)]

    def _buf_at(p):
        return buf.at[pl.ds(pl.multiple_of(p * G, 8), G)]

    def _out_at(m):
        return out_hbm.at[pl.ds(pl.multiple_of(base + m * G, 8), G)]

    def _start_gather(m, p):
        pltpu.async_copy(table_hbm.at[_idx_slice(m)], _buf_at(p), gsems[p])

    def _wait_gather(m, p):
        pltpu.make_async_copy(table_hbm.at[_idx_slice(m)], _buf_at(p),
                              gsems[p]).wait()

    def _start_scatter(m, p):
        pltpu.async_copy(_buf_at(p), _out_at(m), ssems[p])

    def _wait_scatter(m, p):
        pltpu.make_async_copy(_buf_at(p), _out_at(m), ssems[p]).wait()

    for m in range(NBUF - 1):
        _start_gather(m, m)

    def chunk_body(m, _):
        for p in range(NBUF):
            @pl.when(lax.rem(m, NBUF) == p)
            def _():
                _wait_gather(m, p)
                _start_scatter(m, p)

            @pl.when((m + NBUF - 1 < NCHUNKS)
                     & (lax.rem(m + NBUF - 1, NBUF) == p))
            def _():
                @pl.when(m >= 1)
                def _():
                    _wait_scatter(m - 1, p)

                _start_gather(m + NBUF - 1, p)
        return 0

    lax.fori_loop(0, NCHUNKS, chunk_body, 0)
    for m in range(NCHUNKS - NBUF, NCHUNKS):
        _wait_scatter(m, m % NBUF)

    def stat_body(i, carry):
        s, sq = carry
        x = numx_v[pl.ds(i * L, L)]
        return s + x, sq + x * x

    zero = jnp.zeros((L,), jnp.float32)
    s, sq = lax.fori_loop(0, B // L, stat_body, (zero, zero))

    lanes = lax.iota(jnp.int32, L)
    _dnums = lax.GatherDimensionNumbers(
        offset_dims=(), collapsed_slice_dims=(0,), start_index_map=(0,))

    def _shuffle(x, idx):
        return lax.gather(x, idx[:, None], _dnums, (1,),
                          mode=lax.GatherScatterMode.PROMISE_IN_BOUNDS)

    def _splat_sum(x):
        for k in (8, 4, 2, 1):
            x = x + _shuffle(x, lanes ^ k)
        return x

    mv = _splat_sum(s) * (1.0 / B)
    ex2 = _splat_sum(sq) * (1.0 / B)
    vv = ex2 - mv * mv + EPS
    iv = plsc.bitcast(vv, jnp.int32)
    y = plsc.bitcast(jnp.full((L,), 0x5F3759DF, jnp.int32) - (iv >> 1),
                     jnp.float32)
    for _ in range(4):
        y = y * (1.5 - 0.5 * vv * y * y)

    half = BN_PER_W // 2
    for h in range(2):
        def row_body(i, _):
            bidx = w * BN_PER_W + h * half + i
            xb = plsc.load_gather(numx_v, [jnp.full((L,), bidx, jnp.int32)])
            xn = (xb - mv) * y
            for c in range(D // L):
                bn_buf[i, pl.ds(c * L, L)] = xn * emb_v[pl.ds(c * L, L)]
            return 0

        lax.fori_loop(0, half, row_body, 0)
        pltpu.sync_copy(
            bn_buf,
            out_hbm.at[pl.ds(CAT_ROWS + w * BN_PER_W + h * half, half)])


@jax.jit
def _emb_layer(idx_flat, numx_flat, table_flat, num_emb):
    mesh = plsc.VectorSubcoreMesh(core_axis_name="c", subcore_axis_name="s")
    call = pl.kernel(
        _sc_body,
        out_type=jax.ShapeDtypeStruct(((F + 1) * B, D), jnp.float32),
        mesh=mesh,
        scratch_types=[
            pltpu.VMEM((ROWS_PER_W,), jnp.int32),
            pltpu.VMEM((NBUF * G, D), jnp.float32),
            pltpu.VMEM((BN_PER_W // 2, D), jnp.float32),
            pltpu.VMEM((D,), jnp.float32),
            pltpu.VMEM((B,), jnp.float32),
        ] + [pltpu.SemaphoreType.DMA] * (2 * NBUF),
        compiler_params=pltpu.CompilerParams(needs_layout_passes=False),
    )
    return call(idx_flat, numx_flat, table_flat, num_emb)


def kernel(indices, num_x, tables, num_emb):
    idx = indices.astype(jnp.int32)
    idx_flat = (idx.T + (jnp.arange(F, dtype=jnp.int32) * C)[:, None])
    idx_flat = idx_flat.reshape(NW, ROWS_PER_W)
    table_flat = tables.reshape(F * C, D)
    numx_flat = num_x.reshape(B)
    return _emb_layer(idx_flat, numx_flat, table_flat,
                      num_emb.astype(jnp.float32))

# --- scband reference (transcript-rebuilt; emitter-appended) ---
"""Pipeline reference for scband-general-emb-layer-54546084659797 (READ-ONLY COPY).

The authoritative reference and input builder live on the scoring server;
editing this copy changes nothing except your own understanding.
"""

import jax, jax.numpy as jnp
import numpy as np

B = 1024   # batch size
F = 25     # number of categorical (binary/multiple) features
C = 16     # categories per feature
D = 1536   # GPT embedding dimension (in_dim)
EPS = 1e-5

def setup_inputs(seed: int = 0) -> dict:
    key = jax.random.key(seed)
    k1, k2, k3, k4 = jax.random.split(key, 4)
    indices = jax.random.randint(k1, (B, F), 0, C)                     # category ids per feature
    num_x = jax.random.normal(k2, (B, 1), dtype=jnp.float32)           # numerical feature
    tables = jax.random.normal(k3, (F, C, D), dtype=jnp.float32) * 0.02  # per-feature emb_dict embedding tables
    num_emb = jax.random.normal(k4, (D,), dtype=jnp.float32) * 0.02      # emb_dict embedding for numerical feature
    return {"indices": indices, "num_x": num_x, "tables": tables, "num_emb": num_emb}

def reference(indices, num_x, tables, num_emb):
    # Binary / multiple features: torch.index_select(emb_dict[fea]['embedding'], 0, indices)
    # vmap over the F features; each is a row-gather from that feature's table.
    cat_out = jax.vmap(lambda tab, ix: jnp.take(tab, ix, axis=0), in_axes=(0, 1))(tables, indices)  # [F, B, D]
    # Numerical feature: BatchNorm1d(num_features=1, affine=False, track_running_stats=False)
    # -> normalize over the batch with biased variance, then scale by the feature's embedding vector.
    mean = jnp.mean(num_x, axis=0, keepdims=True)
    var = jnp.var(num_x, axis=0, keepdims=True)
    xn = (num_x - mean) / jnp.sqrt(var + EPS)                          # [B, 1]
    num_out = xn * num_emb[None, :]                                    # [B, D]
    # The torch module returns a dict {fea: Tensor}; we return the same values
    # concatenated into one array: 25 categorical outputs [F*B, D] then the numerical output [B, D].
    out = jnp.concatenate([cat_out.reshape(F * B, D), num_out], axis=0)  # [(F+1)*B, D]
    return out

if __name__ == "__main__":
    import jax
    _d = setup_inputs()
    print(jax.jit(kernel)(*tuple(_d.values())))

</pallas_src>

<mosaic_0001>
#map = affine_map<(d0, d1) -> (0, 0)>
#map1 = affine_map<(d0, d1) -> (0)>
module attributes {stable_mosaic.version = 14 : i64} {
  func.func @_sc_body(%arg0: i32, %arg1: i32, %arg2: memref<32x800xi32, #tpu.memory_space<hbm>>, %arg3: memref<1024xf32, #tpu.memory_space<hbm>>, %arg4: memref<400x1536xf32, #tpu.memory_space<hbm>>, %arg5: memref<1536xf32, #tpu.memory_space<hbm>>, %arg6: memref<26624x1536xf32, #tpu.memory_space<hbm>>, %arg7: memref<800xi32, #tpu.memory_space<vmem>>, %arg8: memref<64x1536xf32, #tpu.memory_space<vmem>>, %arg9: memref<16x1536xf32, #tpu.memory_space<vmem>>, %arg10: memref<1536xf32, #tpu.memory_space<vmem>>, %arg11: memref<1024xf32, #tpu.memory_space<vmem>>, %arg12: memref<!tpu.dma_semaphore, #tpu.memory_space<semaphore_mem>>, %arg13: memref<!tpu.dma_semaphore, #tpu.memory_space<semaphore_mem>>, %arg14: memref<!tpu.dma_semaphore, #tpu.memory_space<semaphore_mem>>, %arg15: memref<!tpu.dma_semaphore, #tpu.memory_space<semaphore_mem>>, %arg16: memref<!tpu.dma_semaphore, #tpu.memory_space<semaphore_mem>>, %arg17: memref<!tpu.dma_semaphore, #tpu.memory_space<semaphore_mem>>, %arg18: memref<!tpu.dma_semaphore, #tpu.memory_space<semaphore_mem>>, %arg19: memref<!tpu.dma_semaphore, #tpu.memory_space<semaphore_mem>>) attributes {dimension_semantics = [#tpu.dimension_semantics<core_parallel>, #tpu.dimension_semantics<subcore_parallel>], iteration_bounds = array<i64: 2, 16>, scalar_prefetch = 0 : i64, scratch_operands = 13 : i64, tpu.core_type = #tpu.core_type<sc_vector_subcore>, window_params = [{transform_indices = #map}, {transform_indices = #map1}, {transform_indices = #map}, {transform_indices = #map1}, {transform_indices = #map}]} {
    %mul3A = arith.constant 2 : i32
    %mul3A_0 = arith.muli %arg1, %mul3A : i32
    %add3A = arith.addi %mul3A_0, %arg0 : i32
    %mul3A_1 = arith.constant 800 : i32
    %mul3A_2 = arith.muli %add3A, %mul3A_1 : i32
    "tpu.region"() ({
      %run_scoped3A = tpu.sem_alloc : memref<!tpu.dma_semaphore, #tpu.memory_space<semaphore_mem>>
      %dma_start3A_227 = arith.constant 0 : i32
      %dma_start3A_228 = tpu.memref_slice %arg2[%add3A, %dma_start3A_227] : memref<32x800xi32, #tpu.memory_space<hbm>> -> memref<1x800xi32, #tpu.memory_space<hbm>>
      %dma_start3A_229 = tpu.memref_squeeze %dma_start3A_228 : memref<1x800xi32, #tpu.memory_space<hbm>> -> memref<800xi32, #tpu.memory_space<hbm>>
      %dma_start3A_230 = arith.constant 0 : i32
      %dma_start3A_231 = tpu.memref_slice %arg2[%add3A, %dma_start3A_230] : memref<32x800xi32, #tpu.memory_space<hbm>> -> memref<1x800xi32, #tpu.memory_space<hbm>>
      %dma_start3A_232 = tpu.memref_squeeze %dma_start3A_231 : memref<1x800xi32, #tpu.memory_space<hbm>> -> memref<800xi32, #tpu.memory_space<hbm>>
      tpu.enqueue_dma source(%dma_start3A_232 : memref<800xi32, #tpu.memory_space<hbm>>) target(%arg7 : memref<800xi32, #tpu.memory_space<vmem>>) target_semaphore(%run_scoped3A : memref<!tpu.dma_semaphore, #tpu.memory_space<semaphore_mem>>)
      %dma_wait3A_233 = arith.constant 0 : i32
      %dma_wait3A_234 = tpu.memref_slice %arg2[%add3A, %dma_wait3A_233] : memref<32x800xi32, #tpu.memory_space<hbm>> -> memref<1x800xi32, #tpu.memory_space<hbm>>
      %dma_wait3A_235 = tpu.memref_squeeze %dma_wait3A_234 : memref<1x800xi32, #tpu.memory_space<hbm>> -> memref<800xi32, #tpu.memory_space<hbm>>
      %dma_wait3A_236 = arith.constant 0 : i32
      %dma_wait3A_237 = tpu.memref_slice %arg2[%add3A, %dma_wait3A_236] : memref<32x800xi32, #tpu.memory_space<hbm>> -> memref<1x800xi32, #tpu.memory_space<hbm>>
      %dma_wait3A_238 = tpu.memref_squeeze %dma_wait3A_237 : memref<1x800xi32, #tpu.memory_space<hbm>> -> memref<800xi32, #tpu.memory_space<hbm>>
      tpu.wait_dma2 semaphore(%run_scoped3A : memref<!tpu.dma_semaphore, #tpu.memory_space<semaphore_mem>>) src(%dma_wait3A_238 : memref<800xi32, #tpu.memory_space<hbm>>) dst(%arg7 : memref<800xi32, #tpu.memory_space<vmem>>)
      tpu.yield
    }) : () -> ()
    "tpu.region"() ({
      %run_scoped3A = tpu.sem_alloc : memref<!tpu.dma_semaphore, #tpu.memory_space<semaphore_mem>>
      tpu.enqueue_dma source(%arg5 : memref<1536xf32, #tpu.memory_space<hbm>>) target(%arg10 : memref<1536xf32, #tpu.memory_space<vmem>>) target_semaphore(%run_scoped3A : memref<!tpu.dma_semaphore, #tpu.memory_space<semaphore_mem>>)
      tpu.wait_dma2 semaphore(%run_scoped3A : memref<!tpu.dma_semaphore, #tpu.memory_space<semaphore_mem>>) src(%arg5 : memref<1536xf32, #tpu.memory_space<hbm>>) dst(%arg10 : memref<1536xf32, #tpu.memory_space<vmem>>)
      tpu.yield
    }) : () -> ()
    "tpu.region"() ({
      %run_scoped3A = tpu.sem_alloc : memref<!tpu.dma_semaphore, #tpu.memory_space<semaphore_mem>>
      tpu.enqueue_dma source(%arg3 : memref<1024xf32, #tpu.memory_space<hbm>>) target(%arg11 : memref<1024xf32, #tpu.memory_space<vmem>>) target_semaphore(%run_scoped3A : memref<!tpu.dma_semaphore, #tpu.memory_space<semaphore_mem>>)
      tpu.wait_dma2 semaphore(%run_scoped3A : memref<!tpu.dma_semaphore, #tpu.memory_space<semaphore_mem>>) src(%arg3 : memref<1024xf32, #tpu.memory_space<hbm>>) dst(%arg11 : memref<1024xf32, #tpu.memory_space<vmem>>)
      tpu.yield
    }) : () -> ()
    %multiple_of3A = arith.constant 0 : i32
    %multiple_of3A_3 = tpu.assume_multiple %multiple_of3A, 8 : i32
    %multiple_of3A_4 = arith.constant 0 : i32
    %multiple_of3A_5 = tpu.assume_multiple %multiple_of3A_4, 8 : i32
    %dma_start3A = arith.constant 0 : i32
    %dma_start3A_6 = tpu.memref_slice %arg8[%multiple_of3A_5, %dma_start3A] : memref<64x1536xf32, #tpu.memory_space<vmem>> -> memref<16x1536xf32, #tpu.memory_space<vmem>>
    %dma_start3A_7 = tpu.memref_slice %arg7[%multiple_of3A_3] : memref<800xi32, #tpu.memory_space<vmem>> -> memref<16xi32, #tpu.memory_space<vmem>>
    %dma_start3A_8 = arith.constant 0 : i32
    %dma_start3A_9 = arith.constant 0 : i32
    %dma_start3A_10 = tpu.memref_slice %arg4[%dma_start3A_8, %dma_start3A_9] : memref<400x1536xf32, #tpu.memory_space<hbm>> -> memref<400x1536xf32, #tpu.memory_space<hbm>>
    tpu.enqueue_indirect_dma source(%dma_start3A_10 : memref<400x1536xf32, #tpu.memory_space<hbm>>) target(%dma_start3A_6 : memref<16x1536xf32, #tpu.memory_space<vmem>>) offsets(%dma_start3A_7 : memref<16xi32, #tpu.memory_space<vmem>>) semaphore(%arg12 : memref<!tpu.dma_semaphore, #tpu.memory_space<semaphore_mem>>)
    %multiple_of3A_11 = arith.constant 16 : i32
    %multiple_of3A_12 = tpu.assume_multiple %multiple_of3A_11, 8 : i32
    %multiple_of3A_13 = arith.constant 16 : i32
    %multiple_of3A_14 = tpu.assume_multiple %multiple_of3A_13, 8 : i32
    %dma_start3A_15 = arith.constant 0 : i32
    %dma_start3A_16 = tpu.memref_slice %arg8[%multiple_of3A_14, %dma_start3A_15] : memref<64x1536xf32, #tpu.memory_space<vmem>> -> memref<16x1536xf32, #tpu.memory_space<vmem>>
    %dma_start3A_17 = tpu.memref_slice %arg7[%multiple_of3A_12] : memref<800xi32, #tpu.memory_space<vmem>> -> memref<16xi32, #tpu.memory_space<vmem>>
    %dma_start3A_18 = arith.constant 0 : i32
    %dma_start3A_19 = arith.constant 0 : i32
    %dma_start3A_20 = tpu.memref_slice %arg4[%dma_start3A_18, %dma_start3A_19] : memref<400x1536xf32, #tpu.memory_space<hbm>> -> memref<400x1536xf32, #tpu.memory_space<hbm>>
    tpu.enqueue_indirect_dma source(%dma_start3A_20 : memref<400x1536xf32, #tpu.memory_space<hbm>>) target(%dma_start3A_16 : memref<16x1536xf32, #tpu.memory_space<vmem>>) offsets(%dma_start3A_17 : memref<16xi32, #tpu.memory_space<vmem>>) semaphore(%arg13 : memref<!tpu.dma_semaphore, #tpu.memory_space<semaphore_mem>>)
    %multiple_of3A_21 = arith.constant 32 : i32
    %multiple_of3A_22 = tpu.assume_multiple %multiple_of3A_21, 8 : i32
    %multiple_of3A_23 = arith.constant 32 : i32
    %multiple_of3A_24 = tpu.assume_multiple %multiple_of3A_23, 8 : i32
    %dma_start3A_25 = arith.constant 0 : i32
    %dma_start3A_26 = tpu.memref_slice %arg8[%multiple_of3A_24, %dma_start3A_25] : memref<64x1536xf32, #tpu.memory_space<vmem>> -> memref<16x1536xf32, #tpu.memory_space<vmem>>
    %dma_start3A_27 = tpu.memref_slice %arg7[%multiple_of3A_22] : memref<800xi32, #tpu.memory_space<vmem>> -> memref<16xi32, #tpu.memory_space<vmem>>
    %dma_start3A_28 = arith.constant 0 : i32
    %dma_start3A_29 = arith.constant 0 : i32
    %dma_start3A_30 = tpu.memref_slice %arg4[%dma_start3A_28, %dma_start3A_29] : memref<400x1536xf32, #tpu.memory_space<hbm>> -> memref<400x1536xf32, #tpu.memory_space<hbm>>
    tpu.enqueue_indirect_dma source(%dma_start3A_30 : memref<400x1536xf32, #tpu.memory_space<hbm>>) target(%dma_start3A_26 : memref<16x1536xf32, #tpu.memory_space<vmem>>) offsets(%dma_start3A_27 : memref<16xi32, #tpu.memory_space<vmem>>) semaphore(%arg14 : memref<!tpu.dma_semaphore, #tpu.memory_space<semaphore_mem>>)
    %scan3A = arith.constant 0 : i32
    %scan3A_31 = arith.constant 0 : i32
    %scan3A_32 = arith.constant 50 : i32
    %scan3A_33 = arith.addi %scan3A_31, %scan3A_32 : i32
    %scan3A_34 = arith.constant 1 : i32
    %scan3A_35 = scf.for %scan3A_227 = %scan3A_31 to %scan3A_33 step %scan3A_34 iter_args(%scan3A_228 = %scan3A) -> (i32)  : i32 {
      %rem3A = arith.constant 4 : i32
      %rem3A_229 = arith.remsi %scan3A_227, %rem3A : i32
      %eq3A = arith.constant 0 : i32
      %eq3A_230 = arith.cmpi eq, %rem3A_229, %eq3A : i32
      %convert_element_type3A = arith.extui %eq3A_230 : i1 to i32
      %cond3A = arith.constant 0 : i32
      %cond3A_231 = arith.cmpi ne, %convert_element_type3A, %cond3A : i32
      scf.if %cond3A_231 {
        %mul3A_324 = arith.constant 16 : i32
        %mul3A_325 = arith.muli %scan3A_227, %mul3A_324 : i32
        %multiple_of3A_326 = tpu.assume_multiple %mul3A_325, 8 : i32
        %multiple_of3A_327 = arith.constant 0 : i32
        %multiple_of3A_328 = tpu.assume_multiple %multiple_of3A_327, 8 : i32
        %dma_wait3A_329 = arith.constant 0 : i32
        %dma_wait3A_330 = tpu.memref_slice %arg8[%multiple_of3A_328, %dma_wait3A_329] : memref<64x1536xf32, #tpu.memory_space<vmem>> -> memref<16x1536xf32, #tpu.memory_space<vmem>>
        %dma_wait3A_331 = tpu.memref_slice %arg7[%multiple_of3A_326] : memref<800xi32, #tpu.memory_space<vmem>> -> memref<16xi32, #tpu.memory_space<vmem>>
        %dma_wait3A_332 = arith.constant 0 : i32
        %dma_wait3A_333 = arith.constant 0 : i32
        %dma_wait3A_334 = tpu.memref_slice %arg4[%dma_wait3A_332, %dma_wait3A_333] : memref<400x1536xf32, #tpu.memory_space<hbm>> -> memref<400x1536xf32, #tpu.memory_space<hbm>>
        tpu.wait_indirect_dma semaphore(%arg12 : memref<!tpu.dma_semaphore, #tpu.memory_space<semaphore_mem>>) src(%dma_wait3A_334 : memref<400x1536xf32, #tpu.memory_space<hbm>>) dst(%dma_wait3A_330 : memref<16x1536xf32, #tpu.memory_space<vmem>>)
        %multiple_of3A_335 = arith.constant 0 : i32
        %multiple_of3A_336 = tpu.assume_multiple %multiple_of3A_335, 8 : i32
        %mul3A_337 = arith.constant 16 : i32
        %mul3A_338 = arith.muli %scan3A_227, %mul3A_337 : i32
        %add3A_339 = arith.addi %mul3A_2, %mul3A_338 : i32
        %multiple_of3A_340 = tpu.assume_multiple %add3A_339, 8 : i32
        %dma_start3A_341 = arith.constant 0 : i32
        %dma_start3A_342 = tpu.memref_slice %arg8[%multiple_of3A_336, %dma_start3A_341] : memref<64x1536xf32, #tpu.memory_space<vmem>> -> memref<16x1536xf32, #tpu.memory_space<vmem>>
        %dma_start3A_343 = arith.constant 0 : i32
        %dma_start3A_344 = tpu.memref_slice %arg6[%multiple_of3A_340, %dma_start3A_343] : memref<26624x1536xf32, #tpu.memory_space<hbm>> -> memref<16x1536xf32, #tpu.memory_space<hbm>>
        %dma_start3A_345 = arith.constant 0 : i32
        %dma_start3A_346 = tpu.memref_slice %arg6[%multiple_of3A_340, %dma_start3A_345] : memref<26624x1536xf32, #tpu.memory_space<hbm>> -> memref<16x1536xf32, #tpu.memory_space<hbm>>
        %dma_start3A_347 = arith.constant 0 : i32
        %dma_start3A_348 = tpu.memref_slice %arg8[%multiple_of3A_336, %dma_start3A_347] : memref<64x1536xf32, #tpu.memory_space<vmem>> -> memref<16x1536xf32, #tpu.memory_space<vmem>>
        tpu.enqueue_dma source(%dma_start3A_348 : memref<16x1536xf32, #tpu.memory_space<vmem>>) target(%dma_start3A_346 : memref<16x1536xf32, #tpu.memory_space<hbm>>) target_semaphore(%arg16 : memref<!tpu.dma_semaphore, #tpu.memory_space<semaphore_mem>>)
      } else {
      }
      %add3A_232 = arith.constant 4 : i32
      %add3A_233 = arith.addi %scan3A_227, %add3A_232 : i32
      %sub3A_234 = arith.constant 1 : i32
      %sub3A_235 = arith.subi %add3A_233, %sub3A_234 : i32
      %lt3A = arith.constant 50 : i32
      %lt3A_236 = arith.cmpi slt, %sub3A_235, %lt3A : i32
      %add3A_237 = arith.constant 4 : i32
      %add3A_238 = arith.addi %scan3A_227, %add3A_237 : i32
      %sub3A_239 = arith.constant 1 : i32
      %sub3A_240 = arith.subi %add3A_238, %sub3A_239 : i32
      %rem3A_241 = arith.constant 4 : i32
      %rem3A_242 = arith.remsi %sub3A_240, %rem3A_241 : i32
      %eq3A_243 = arith.constant 0 : i32
      %eq3A_244 = arith.cmpi eq, %rem3A_242, %eq3A_243 : i32
      %and3A = arith.andi %lt3A_236, %eq3A_244 : i1
      %convert_element_type3A_245 = arith.extui %and3A : i1 to i32
      %cond3A_246 = arith.constant 0 : i32
      %cond3A_247 = arith.cmpi ne, %convert_element_type3A_245, %cond3A_246 : i32
      scf.if %cond3A_247 {
        %ge3A = arith.constant 1 : i32
        %ge3A_324 = arith.cmpi sge, %scan3A_227, %ge3A : i32
        %convert_element_type3A_325 = arith.extui %ge3A_324 : i1 to i32
        %cond3A_326 = arith.constant 0 : i32
        %cond3A_327 = arith.cmpi ne, %convert_element_type3A_325, %cond3A_326 : i32
        scf.if %cond3A_327 {
          %sub3A_343 = arith.constant 1 : i32
          %sub3A_344 = arith.subi %scan3A_227, %sub3A_343 : i32
          %multiple_of3A_345 = arith.constant 0 : i32
          %multiple_of3A_346 = tpu.assume_multiple %multiple_of3A_345, 8 : i32
          %mul3A_347 = arith.constant 16 : i32
          %mul3A_348 = arith.muli %sub3A_344, %mul3A_347 : i32
          %add3A_349 = arith.addi %mul3A_2, %mul3A_348 : i32
          %multiple_of3A_350 = tpu.assume_multiple %add3A_349, 8 : i32
          %dma_wait3A_351 = arith.constant 0 : i32
          %dma_wait3A_352 = tpu.memref_slice %arg8[%multiple_of3A_346, %dma_wait3A_351] : memref<64x1536xf32, #tpu.memory_space<vmem>> -> memref<16x1536xf32, #tpu.memory_space<vmem>>
          %dma_wait3A_353 = arith.constant 0 : i32
          %dma_wait3A_354 = tpu.memref_slice %arg6[%multiple_of3A_350, %dma_wait3A_353] : memref<26624x1536xf32, #tpu.memory_space<hbm>> -> memref<16x1536xf32, #tpu.memory_space<hbm>>
          %dma_wait3A_355 = arith.constant 0 : i32
          %dma_wait3A_356 = tpu.memref_slice %arg6[%multiple_of3A_350, %dma_wait3A_355] : memref<26624x1536xf32, #tpu.memory_space<hbm>> -> memref<16x1536xf32, #tpu.memory_space<hbm>>
          %dma_wait3A_357 = arith.constant 0 : i32
          %dma_wait3A_358 = tpu.memref_slice %arg8[%multiple_of3A_346, %dma_wait3A_357] : memref<64x1536xf32, #tpu.memory_space<vmem>> -> memref<16x1536xf32, #tpu.memory_space<vmem>>
          tpu.wait_dma2 semaphore(%arg16 : memref<!tpu.dma_semaphore, #tpu.memory_space<semaphore_mem>>) src(%dma_wait3A_358 : memref<16x1536xf32, #tpu.memory_space<vmem>>) dst(%dma_wait3A_356 : memref<16x1536xf32, #tpu.memory_space<hbm>>)
        } else {
        }
        %add3A_328 = arith.constant 4 : i32
        %add3A_329 = arith.addi %scan3A_227, %add3A_328 : i32
        %sub3A_330 = arith.constant 1 : i32
        %sub3A_331 = arith.subi %add3A_329, %sub3A_330 : i32
        %mul3A_332 = arith.constant 16 : i32
        %mul3A_333 = arith.muli %sub3A_331, %mul3A_332 : i32
        %multiple_of3A_334 = tpu.assume_multiple %mul3A_333, 8 : i32
        %multiple_of3A_335 = arith.constant 0 : i32
        %multiple_of3A_336 = tpu.assume_multiple %multiple_of3A_335, 8 : i32
        %dma_start3A_337 = arith.constant 0 : i32
        %dma_start3A_338 = tpu.memref_slice %arg8[%multiple_of3A_336, %dma_start3A_337] : memref<64x1536xf32, #tpu.memory_space<vmem>> -> memref<16x1536xf32, #tpu.memory_space<vmem>>
        %dma_start3A_339 = tpu.memref_slice %arg7[%multiple_of3A_334] : memref<800xi32, #tpu.memory_space<vmem>> -> memref<16xi32, #tpu.memory_space<vmem>>
        %dma_start3A_340 = arith.constant 0 : i32
        %dma_start3A_341 = arith.constant 0 : i32
        %dma_start3A_342 = tpu.memref_slice %arg4[%dma_start3A_340, %dma_start3A_341] : memref<400x1536xf32, #tpu.memory_space<hbm>> -> memref<400x1536xf32, #tpu.memory_space<hbm>>
        tpu.enqueue_indirect_dma source(%dma_start3A_342 : memref<400x1536xf32, #tpu.memory_space<hbm>>) target(%dma_start3A_338 : memref<16x1536xf32, #tpu.memory_space<vmem>>) offsets(%dma_start3A_339 : memref<16xi32, #tpu.memory_space<vmem>>) semaphore(%arg12 : memref<!tpu.dma_semaphore, #tpu.memory_space<semaphore_mem>>)
      } else {
      }
      %rem3A_248 = arith.constant 4 : i32
      %rem3A_249 = arith.remsi %scan3A_227, %rem3A_248 : i32
      %eq3A_250 = arith.constant 1 : i32
      %eq3A_251 = arith.cmpi eq, %rem3A_249, %eq3A_250 : i32
      %convert_element_type3A_252 = arith.extui %eq3A_251 : i1 to i32
      %cond3A_253 = arith.constant 0 : i32
      %cond3A_254 = arith.cmpi ne, %convert_element_type3A_252, %cond3A_253 : i32
      scf.if %cond3A_254 {
        %mul3A_324 = arith.constant 16 : i32
        %mul3A_325 = arith.muli %scan3A_227, %mul3A_324 : i32
        %multiple_of3A_326 = tpu.assume_multiple %mul3A_325, 8 : i32
        %multiple_of3A_327 = arith.constant 16 : i32
        %multiple_of3A_328 = tpu.assume_multiple %multiple_of3A_327, 8 : i32
        %dma_wait3A_329 = arith.constant 0 : i32
        %dma_wait3A_330 = tpu.memref_slice %arg8[%multiple_of3A_328, %dma_wait3A_329] : memref<64x1536xf32, #tpu.memory_space<vmem>> -> memref<16x1536xf32, #tpu.memory_space<vmem>>
        %dma_wait3A_331 = tpu.memref_slice %arg7[%multiple_of3A_326] : memref<800xi32, #tpu.memory_space<vmem>> -> memref<16xi32, #tpu.memory_space<vmem>>
        %dma_wait3A_332 = arith.constant 0 : i32
        %dma_wait3A_333 = arith.constant 0 : i32
        %dma_wait3A_334 = tpu.memref_slice %arg4[%dma_wait3A_332, %dma_wait3A_333] : memref<400x1536xf32, #tpu.memory_space<hbm>> -> memref<400x1536xf32, #tpu.memory_space<hbm>>
        tpu.wait_indirect_dma semaphore(%arg13 : memref<!tpu.dma_semaphore, #tpu.memory_space<semaphore_mem>>) src(%dma_wait3A_334 : memref<400x1536xf32, #tpu.memory_space<hbm>>) dst(%dma_wait3A_330 : memref<16x1536xf32, #tpu.memory_space<vmem>>)
        %multiple_of3A_335 = arith.constant 16 : i32
        %multiple_of3A_336 = tpu.assume_multiple %multiple_of3A_335, 8 : i32
        %mul3A_337 = arith.constant 16 : i32
        %mul3A_338 = arith.muli %scan3A_227, %mul3A_337 : i32
        %add3A_339 = arith.addi %mul3A_2, %mul3A_338 : i32
        %multiple_of3A_340 = tpu.assume_multiple %add3A_339, 8 : i32
        %dma_start3A_341 = arith.constant 0 : i32
        %dma_start3A_342 = tpu.memref_slice %arg8[%multiple_of3A_336, %dma_start3A_341] : memref<64x1536xf32, #tpu.memory_space<vmem>> -> memref<16x1536xf32, #tpu.memory_space<vmem>>
        %dma_start3A_343 = arith.constant 0 : i32
        %dma_start3A_344 = tpu.memref_slice %arg6[%multiple_of3A_340, %dma_start3A_343] : memref<26624x1536xf32, #tpu.memory_space<hbm>> -> memref<16x1536xf32, #tpu.memory_space<hbm>>
        %dma_start3A_345 = arith.constant 0 : i32
        %dma_start3A_346 = tpu.memref_slice %arg6[%multiple_of3A_340, %dma_start3A_345] : memref<26624x1536xf32, #tpu.memory_space<hbm>> -> memref<16x1536xf32, #tpu.memory_space<hbm>>
        %dma_start3A_347 = arith.constant 0 : i32
        %dma_start3A_348 = tpu.memref_slice %arg8[%multiple_of3A_336, %dma_start3A_347] : memref<64x1536xf32, #tpu.memory_space<vmem>> -> memref<16x1536xf32, #tpu.memory_space<vmem>>
        tpu.enqueue_dma source(%dma_start3A_348 : memref<16x1536xf32, #tpu.memory_space<vmem>>) target(%dma_start3A_346 : memref<16x1536xf32, #tpu.memory_space<hbm>>) target_semaphore(%arg17 : memref<!tpu.dma_semaphore, #tpu.memory_space<semaphore_mem>>)
      } else {
      }
      %add3A_255 = arith.constant 4 : i32
      %add3A_256 = arith.addi %scan3A_227, %add3A_255 : i32
      %sub3A_257 = arith.constant 1 : i32
      %sub3A_258 = arith.subi %add3A_256, %sub3A_257 : i32
      %lt3A_259 = arith.constant 50 : i32
      %lt3A_260 = arith.cmpi slt, %sub3A_258, %lt3A_259 : i32
      %add3A_261 = arith.constant 4 : i32
      %add3A_262 = arith.addi %scan3A_227, %add3A_261 : i32
      %sub3A_263 = arith.constant 1 : i32
      %sub3A_264 = arith.subi %add3A_262, %sub3A_263 : i32
      %rem3A_265 = arith.constant 4 : i32
      %rem3A_266 = arith.remsi %sub3A_264, %rem3A_265 : i32
      %eq3A_267 = arith.constant 1 : i32
      %eq3A_268 = arith.cmpi eq, %rem3A_266, %eq3A_267 : i32
      %and3A_269 = arith.andi %lt3A_260, %eq3A_268 : i1
      %convert_element_type3A_270 = arith.extui %and3A_269 : i1 to i32
      %cond3A_271 = arith.constant 0 : i32
      %cond3A_272 = arith.cmpi ne, %convert_element_type3A_270, %cond3A_271 : i32
      scf.if %cond3A_272 {
        %ge3A = arith.constant 1 : i32
        %ge3A_324 = arith.cmpi sge, %scan3A_227, %ge3A : i32
        %convert_element_type3A_325 = arith.extui %ge3A_324 : i1 to i32
        %cond3A_326 = arith.constant 0 : i32
        %cond3A_327 = arith.cmpi ne, %convert_element_type3A_325, %cond3A_326 : i32
        scf.if %cond3A_327 {
          %sub3A_343 = arith.constant 1 : i32
          %sub3A_344 = arith.subi %scan3A_227, %sub3A_343 : i32
          %multiple_of3A_345 = arith.constant 16 : i32
          %multiple_of3A_346 = tpu.assume_multiple %multiple_of3A_345, 8 : i32
          %mul3A_347 = arith.constant 16 : i32
          %mul3A_348 = arith.muli %sub3A_344, %mul3A_347 : i32
          %add3A_349 = arith.addi %mul3A_2, %mul3A_348 : i32
          %multiple_of3A_350 = tpu.assume_multiple %add3A_349, 8 : i32
          %dma_wait3A_351 = arith.constant 0 : i32
          %dma_wait3A_352 = tpu.memref_slice %arg8[%multiple_of3A_346, %dma_wait3A_351] : memref<64x1536xf32, #tpu.memory_space<vmem>> -> memref<16x1536xf32, #tpu.memory_space<vmem>>
          %dma_wait3A_353 = arith.constant 0 : i32
          %dma_wait3A_354 = tpu.memref_slice %arg6[%multiple_of3A_350, %dma_wait3A_353] : memref<26624x1536xf32, #tpu.memory_space<hbm>> -> memref<16x1536xf32, #tpu.memory_space<hbm>>
          %dma_wait3A_355 = arith.constant 0 : i32
          %dma_wait3A_356 = tpu.memref_slice %arg6[%multiple_of3A_350, %dma_wait3A_355] : memref<26624x1536xf32, #tpu.memory_space<hbm>> -> memref<16x1536xf32, #tpu.memory_space<hbm>>
          %dma_wait3A_357 = arith.constant 0 : i32
          %dma_wait3A_358 = tpu.memref_slice %arg8[%multiple_of3A_346, %dma_wait3A_357] : memref<64x1536xf32, #tpu.memory_space<vmem>> -> memref<16x1536xf32, #tpu.memory_space<vmem>>
          tpu.wait_dma2 semaphore(%arg17 : memref<!tpu.dma_semaphore, #tpu.memory_space<semaphore_mem>>) src(%dma_wait3A_358 : memref<16x1536xf32, #tpu.memory_space<vmem>>) dst(%dma_wait3A_356 : memref<16x1536xf32, #tpu.memory_space<hbm>>)
        } else {
        }
        %add3A_328 = arith.constant 4 : i32
        %add3A_329 = arith.addi %scan3A_227, %add3A_328 : i32
        %sub3A_330 = arith.constant 1 : i32
        %sub3A_331 = arith.subi %add3A_329, %sub3A_330 : i32
        %mul3A_332 = arith.constant 16 : i32
        %mul3A_333 = arith.muli %sub3A_331, %mul3A_332 : i32
        %multiple_of3A_334 = tpu.assume_multiple %mul3A_333, 8 : i32
        %multiple_of3A_335 = arith.constant 16 : i32
        %multiple_of3A_336 = tpu.assume_multiple %multiple_of3A_335, 8 : i32
        %dma_start3A_337 = arith.constant 0 : i32
        %dma_start3A_338 = tpu.memref_slice %arg8[%multiple_of3A_336, %dma_start3A_337] : memref<64x1536xf32, #tpu.memory_space<vmem>> -> memref<16x1536xf32, #tpu.memory_space<vmem>>
        %dma_start3A_339 = tpu.memref_slice %arg7[%multiple_of3A_334] : memref<800xi32, #tpu.memory_space<vmem>> -> memref<16xi32, #tpu.memory_space<vmem>>
        %dma_start3A_340 = arith.constant 0 : i32
        %dma_start3A_341 = arith.constant 0 : i32
        %dma_start3A_342 = tpu.memref_slice %arg4[%dma_start3A_340, %dma_start3A_341] : memref<400x1536xf32, #tpu.memory_space<hbm>> -> memref<400x1536xf32, #tpu.memory_space<hbm>>
        tpu.enqueue_indirect_dma source(%dma_start3A_342 : memref<400x1536xf32, #tpu.memory_space<hbm>>) target(%dma_start3A_338 : memref<16x1536xf32, #tpu.memory_space<vmem>>) offsets(%dma_start3A_339 : memref<16xi32, #tpu.memory_space<vmem>>) semaphore(%arg13 : memref<!tpu.dma_semaphore, #tpu.memory_space<semaphore_mem>>)
      } else {
      }
      %rem3A_273 = arith.constant 4 : i32
      %rem3A_274 = arith.remsi %scan3A_227, %rem3A_273 : i32
      %eq3A_275 = arith.constant 2 : i32
      %eq3A_276 = arith.cmpi eq, %rem3A_274, %eq3A_275 : i32
      %convert_element_type3A_277 = arith.extui %eq3A_276 : i1 to i32
      %cond3A_278 = arith.constant 0 : i32
      %cond3A_279 = arith.cmpi ne, %convert_element_type3A_277, %cond3A_278 : i32
      scf.if %cond3A_279 {
        %mul3A_324 = arith.constant 16 : i32
        %mul3A_325 = arith.muli %scan3A_227, %mul3A_324 : i32
        %multiple_of3A_326 = tpu.assume_multiple %mul3A_325, 8 : i32
        %multiple_of3A_327 = arith.constant 32 : i32
        %multiple_of3A_328 = tpu.assume_multiple %multiple_of3A_327, 8 : i32
        %dma_wait3A_329 = arith.constant 0 : i32
        %dma_wait3A_330 = tpu.memref_slice %arg8[%multiple_of3A_328, %dma_wait3A_329] : memref<64x1536xf32, #tpu.memory_space<vmem>> -> memref<16x1536xf32, #tpu.memory_space<vmem>>
        %dma_wait3A_331 = tpu.memref_slice %arg7[%multiple_of3A_326] : memref<800xi32, #tpu.memory_space<vmem>> -> memref<16xi32, #tpu.memory_space<vmem>>
        %dma_wait3A_332 = arith.constant 0 : i32
        %dma_wait3A_333 = arith.constant 0 : i32
        %dma_wait3A_334 = tpu.memref_slice %arg4[%dma_wait3A_332, %dma_wait3A_333] : memref<400x1536xf32, #tpu.memory_space<hbm>> -> memref<400x1536xf32, #tpu.memory_space<hbm>>
        tpu.wait_indirect_dma semaphore(%arg14 : memref<!tpu.dma_semaphore, #tpu.memory_space<semaphore_mem>>) src(%dma_wait3A_334 : memref<400x1536xf32, #tpu.memory_space<hbm>>) dst(%dma_wait3A_330 : memref<16x1536xf32, #tpu.memory_space<vmem>>)
        %multiple_of3A_335 = arith.constant 32 : i32
        %multiple_of3A_336 = tpu.assume_multiple %multiple_of3A_335, 8 : i32
        %mul3A_337 = arith.constant 16 : i32
        %mul3A_338 = arith.muli %scan3A_227, %mul3A_337 : i32
        %add3A_339 = arith.addi %mul3A_2, %mul3A_338 : i32
        %multiple_of3A_340 = tpu.assume_multiple %add3A_339, 8 : i32
        %dma_start3A_341 = arith.constant 0 : i32
        %dma_start3A_342 = tpu.memref_slice %arg8[%multiple_of3A_336, %dma_start3A_341] : memref<64x1536xf32, #tpu.memory_space<vmem>> -> memref<16x1536xf32, #tpu.memory_space<vmem>>
        %dma_start3A_343 = arith.constant 0 : i32
        %dma_start3A_344 = tpu.memref_slice %arg6[%multiple_of3A_340, %dma_start3A_343] : memref<26624x1536xf32, #tpu.memory_space<hbm>> -> memref<16x1536xf32, #tpu.memory_space<hbm>>
        %dma_start3A_345 = arith.constant 0 : i32
        %dma_start3A_346 = tpu.memref_slice %arg6[%multiple_of3A_340, %dma_start3A_345] : memref<26624x1536xf32, #tpu.memory_space<hbm>> -> memref<16x1536xf32, #tpu.memory_space<hbm>>
        %dma_start3A_347 = arith.constant 0 : i32
        %dma_start3A_348 = tpu.memref_slice %arg8[%multiple_of3A_336, %dma_start3A_347] : memref<64x1536xf32, #tpu.memory_space<vmem>> -> memref<16x1536xf32, #tpu.memory_space<vmem>>
        tpu.enqueue_dma source(%dma_start3A_348 : memref<16x1536xf32, #tpu.memory_space<vmem>>) target(%dma_start3A_346 : memref<16x1536xf32, #tpu.memory_space<hbm>>) target_semaphore(%arg18 : memref<!tpu.dma_semaphore, #tpu.memory_space<semaphore_mem>>)
      } else {
      }
      %add3A_280 = arith.constant 4 : i32
      %add3A_281 = arith.addi %scan3A_227, %add3A_280 : i32
      %sub3A_282 = arith.constant 1 : i32
      %sub3A_283 = arith.subi %add3A_281, %sub3A_282 : i32
      %lt3A_284 = arith.constant 50 : i32
      %lt3A_285 = arith.cmpi slt, %sub3A_283, %lt3A_284 : i32
      %add3A_286 = arith.constant 4 : i32
      %add3A_287 = arith.addi %scan3A_227, %add3A_286 : i32
      %sub3A_288 = arith.constant 1 : i32
      %sub3A_289 = arith.subi %add3A_287, %sub3A_288 : i32
      %rem3A_290 = arith.constant 4 : i32
      %rem3A_291 = arith.remsi %sub3A_289, %rem3A_290 : i32
      %eq3A_292 = arith.constant 2 : i32
      %eq3A_293 = arith.cmpi eq, %rem3A_291, %eq3A_292 : i32
      %and3A_294 = arith.andi %lt3A_285, %eq3A_293 : i1
      %convert_element_type3A_295 = arith.extui %and3A_294 : i1 to i32
      %cond3A_296 = arith.constant 0 : i32
      %cond3A_297 = arith.cmpi ne, %convert_element_type3A_295, %cond3A_296 : i32
      scf.if %cond3A_297 {
        %ge3A = arith.constant 1 : i32
        %ge3A_324 = arith.cmpi sge, %scan3A_227, %ge3A : i32
        %convert_element_type3A_325 = arith.extui %ge3A_324 : i1 to i32
        %cond3A_326 = arith.constant 0 : i32
        %cond3A_327 = arith.cmpi ne, %convert_element_type3A_325, %cond3A_326 : i32
        scf.if %cond3A_327 {
          %sub3A_343 = arith.constant 1 : i32
          %sub3A_344 = arith.subi %scan3A_227, %sub3A_343 : i32
          %multiple_of3A_345 = arith.constant 32 : i32
          %multiple_of3A_346 = tpu.assume_multiple %multiple_of3A_345, 8 : i32
          %mul3A_347 = arith.constant 16 : i32
          %mul3A_348 = arith.muli %sub3A_344, %mul3A_347 : i32
          %add3A_349 = arith.addi %mul3A_2, %mul3A_348 : i32
          %multiple_of3A_350 = tpu.assume_multiple %add3A_349, 8 : i32
          %dma_wait3A_351 = arith.constant 0 : i32
          %dma_wait3A_352 = tpu.memref_slice %arg8[%multiple_of3A_346, %dma_wait3A_351] : memref<64x1536xf32, #tpu.memory_space<vmem>> -> memref<16x1536xf32, #tpu.memory_space<vmem>>
          %dma_wait3A_353 = arith.constant 0 : i32
          %dma_wait3A_354 = tpu.memref_slice %arg6[%multiple_of3A_350, %dma_wait3A_353] : memref<26624x1536xf32, #tpu.memory_space<hbm>> -> memref<16x1536xf32, #tpu.memory_space<hbm>>
          %dma_wait3A_355 = arith.constant 0 : i32
          %dma_wait3A_356 = tpu.memref_slice %arg6[%multiple_of3A_350, %dma_wait3A_355] : memref<26624x1536xf32, #tpu.memory_space<hbm>> -> memref<16x1536xf32, #tpu.memory_space<hbm>>
          %dma_wait3A_357 = arith.constant 0 : i32
          %dma_wait3A_358 = tpu.memref_slice %arg8[%multiple_of3A_346, %dma_wait3A_357] : memref<64x1536xf32, #tpu.memory_space<vmem>> -> memref<16x1536xf32, #tpu.memory_space<vmem>>
          tpu.wait_dma2 semaphore(%arg18 : memref<!tpu.dma_semaphore, #tpu.memory_space<semaphore_mem>>) src(%dma_wait3A_358 : memref<16x1536xf32, #tpu.memory_space<vmem>>) dst(%dma_wait3A_356 : memref<16x1536xf32, #tpu.memory_space<hbm>>)
        } else {
        }
        %add3A_328 = arith.constant 4 : i32
        %add3A_329 = arith.addi %scan3A_227, %add3A_328 : i32
        %sub3A_330 = arith.constant 1 : i32
        %sub3A_331 = arith.subi %add3A_329, %sub3A_330 : i32
        %mul3A_332 = arith.constant 16 : i32
        %mul3A_333 = arith.muli %sub3A_331, %mul3A_332 : i32
        %multiple_of3A_334 = tpu.assume_multiple %mul3A_333, 8 : i32
        %multiple_of3A_335 = arith.constant 32 : i32
        %multiple_of3A_336 = tpu.assume_multiple %multiple_of3A_335, 8 : i32
        %dma_start3A_337 = arith.constant 0 : i32
        %dma_start3A_338 = tpu.memref_slice %arg8[%multiple_of3A_336, %dma_start3A_337] : memref<64x1536xf32, #tpu.memory_space<vmem>> -> memref<16x1536xf32, #tpu.memory_space<vmem>>
        %dma_start3A_339 = tpu.memref_slice %arg7[%multiple_of3A_334] : memref<800xi32, #tpu.memory_space<vmem>> -> memref<16xi32, #tpu.memory_space<vmem>>
        %dma_start3A_340 = arith.constant 0 : i32
        %dma_start3A_341 = arith.constant 0 : i32
        %dma_start3A_342 = tpu.memref_slice %arg4[%dma_start3A_340, %dma_start3A_341] : memref<400x1536xf32, #tpu.memory_space<hbm>> -> memref<400x1536xf32, #tpu.memory_space<hbm>>
        tpu.enqueue_indirect_dma source(%dma_start3A_342 : memref<400x1536xf32, #tpu.memory_space<hbm>>) target(%dma_start3A_338 : memref<16x1536xf32, #tpu.memory_space<vmem>>) offsets(%dma_start3A_339 : memref<16xi32, #tpu.memory_space<vmem>>) semaphore(%arg14 : memref<!tpu.dma_semaphore, #tpu.memory_space<semaphore_mem>>)
      } else {
      }
      %rem3A_298 = arith.constant 4 : i32
      %rem3A_299 = arith.remsi %scan3A_227, %rem3A_298 : i32
      %eq3A_300 = arith.constant 3 : i32
      %eq3A_301 = arith.cmpi eq, %rem3A_299, %eq3A_300 : i32
      %convert_element_type3A_302 = arith.extui %eq3A_301 : i1 to i32
      %cond3A_303 = arith.constant 0 : i32
      %cond3A_304 = arith.cmpi ne, %convert_element_type3A_302, %cond3A_303 : i32
      scf.if %cond3A_304 {
        %mul3A_324 = arith.constant 16 : i32
        %mul3A_325 = arith.muli %scan3A_227, %mul3A_324 : i32
        %multiple_of3A_326 = tpu.assume_multiple %mul3A_325, 8 : i32
        %multiple_of3A_327 = arith.constant 48 : i32
        %multiple_of3A_328 = tpu.assume_multiple %multiple_of3A_327, 8 : i32
        %dma_wait3A_329 = arith.constant 0 : i32
        %dma_wait3A_330 = tpu.memref_slice %arg8[%multiple_of3A_328, %dma_wait3A_329] : memref<64x1536xf32, #tpu.memory_space<vmem>> -> memref<16x1536xf32, #tpu.memory_space<vmem>>
        %dma_wait3A_331 = tpu.memref_slice %arg7[%multiple_of3A_326] : memref<800xi32, #tpu.memory_space<vmem>> -> memref<16xi32, #tpu.memory_space<vmem>>
        %dma_wait3A_332 = arith.constant 0 : i32
        %dma_wait3A_333 = arith.constant 0 : i32
        %dma_wait3A_334 = tpu.memref_slice %arg4[%dma_wait3A_332, %dma_wait3A_333] : memref<400x1536xf32, #tpu.memory_space<hbm>> -> memref<400x1536xf32, #tpu.memory_space<hbm>>
        tpu.wait_indirect_dma semaphore(%arg15 : memref<!tpu.dma_semaphore, #tpu.memory_space<semaphore_mem>>) src(%dma_wait3A_334 : memref<400x1536xf32, #tpu.memory_space<hbm>>) dst(%dma_wait3A_330 : memref<16x1536xf32, #tpu.memory_space<vmem>>)
        %multiple_of3A_335 = arith.constant 48 : i32
        %multiple_of3A_336 = tpu.assume_multiple %multiple_of3A_335, 8 : i32
        %mul3A_337 = arith.constant 16 : i32
        %mul3A_338 = arith.muli %scan3A_227, %mul3A_337 : i32
        %add3A_339 = arith.addi %mul3A_2, %mul3A_338 : i32
        %multiple_of3A_340 = tpu.assume_multiple %add3A_339, 8 : i32
        %dma_start3A_341 = arith.constant 0 : i32
        %dma_start3A_342 = tpu.memref_slice %arg8[%multiple_of3A_336, %dma_start3A_341] : memref<64x1536xf32, #tpu.memory_space<vmem>> -> memref<16x1536xf32, #tpu.memory_space<vmem>>
        %dma_start3A_343 = arith.constant 0 : i32
        %dma_start3A_344 = tpu.memref_slice %arg6[%multiple_of3A_340, %dma_start3A_343] : memref<26624x1536xf32, #tpu.memory_space<hbm>> -> memref<16x1536xf32, #tpu.memory_space<hbm>>
        %dma_start3A_345 = arith.constant 0 : i32
        %dma_start3A_346 = tpu.memref_slice %arg6[%multiple_of3A_340, %dma_start3A_345] : memref<26624x1536xf32, #tpu.memory_space<hbm>> -> memref<16x1536xf32, #tpu.memory_space<hbm>>
        %dma_start3A_347 = arith.constant 0 : i32
        %dma_start3A_348 = tpu.memref_slice %arg8[%multiple_of3A_336, %dma_start3A_347] : memref<64x1536xf32, #tpu.memory_space<vmem>> -> memref<16x1536xf32, #tpu.memory_space<vmem>>
        tpu.enqueue_dma source(%dma_start3A_348 : memref<16x1536xf32, #tpu.memory_space<vmem>>) target(%dma_start3A_346 : memref<16x1536xf32, #tpu.memory_space<hbm>>) target_semaphore(%arg19 : memref<!tpu.dma_semaphore, #tpu.memory_space<semaphore_mem>>)
      } else {
      }
      %add3A_305 = arith.constant 4 : i32
      %add3A_306 = arith.addi %scan3A_227, %add3A_305 : i32
      %sub3A_307 = arith.constant 1 : i32
      %sub3A_308 = arith.subi %add3A_306, %sub3A_307 : i32
      %lt3A_309 = arith.constant 50 : i32
      %lt3A_310 = arith.cmpi slt, %sub3A_308, %lt3A_309 : i32
      %add3A_311 = arith.constant 4 : i32
      %add3A_312 = arith.addi %scan3A_227, %add3A_311 : i32
      %sub3A_313 = arith.constant 1 : i32
      %sub3A_314 = arith.subi %add3A_312, %sub3A_313 : i32
      %rem3A_315 = arith.constant 4 : i32
      %rem3A_316 = arith.remsi %sub3A_314, %rem3A_315 : i32
      %eq3A_317 = arith.constant 3 : i32
      %eq3A_318 = arith.cmpi eq, %rem3A_316, %eq3A_317 : i32
      %and3A_319 = arith.andi %lt3A_310, %eq3A_318 : i1
      %convert_element_type3A_320 = arith.extui %and3A_319 : i1 to i32
      %cond3A_321 = arith.constant 0 : i32
      %cond3A_322 = arith.cmpi ne, %convert_element_type3A_320, %cond3A_321 : i32
      scf.if %cond3A_322 {
        %ge3A = arith.constant 1 : i32
        %ge3A_324 = arith.cmpi sge, %scan3A_227, %ge3A : i32
        %convert_element_type3A_325 = arith.extui %ge3A_324 : i1 to i32
        %cond3A_326 = arith.constant 0 : i32
        %cond3A_327 = arith.cmpi ne, %convert_element_type3A_325, %cond3A_326 : i32
        scf.if %cond3A_327 {
          %sub3A_343 = arith.constant 1 : i32
          %sub3A_344 = arith.subi %scan3A_227, %sub3A_343 : i32
          %multiple_of3A_345 = arith.constant 48 : i32
          %multiple_of3A_346 = tpu.assume_multiple %multiple_of3A_345, 8 : i32
          %mul3A_347 = arith.constant 16 : i32
          %mul3A_348 = arith.muli %sub3A_344, %mul3A_347 : i32
          %add3A_349 = arith.addi %mul3A_2, %mul3A_348 : i32
          %multiple_of3A_350 = tpu.assume_multiple %add3A_349, 8 : i32
          %dma_wait3A_351 = arith.constant 0 : i32
          %dma_wait3A_352 = tpu.memref_slice %arg8[%multiple_of3A_346, %dma_wait3A_351] : memref<64x1536xf32, #tpu.memory_space<vmem>> -> memref<16x1536xf32, #tpu.memory_space<vmem>>
          %dma_wait3A_353 = arith.constant 0 : i32
          %dma_wait3A_354 = tpu.memref_slice %arg6[%multiple_of3A_350, %dma_wait3A_353] : memref<26624x1536xf32, #tpu.memory_space<hbm>> -> memref<16x1536xf32, #tpu.memory_space<hbm>>
          %dma_wait3A_355 = arith.constant 0 : i32
          %dma_wait3A_356 = tpu.memref_slice %arg6[%multiple_of3A_350, %dma_wait3A_355] : memref<26624x1536xf32, #tpu.memory_space<hbm>> -> memref<16x1536xf32, #tpu.memory_space<hbm>>
          %dma_wait3A_357 = arith.constant 0 : i32
          %dma_wait3A_358 = tpu.memref_slice %arg8[%multiple_of3A_346, %dma_wait3A_357] : memref<64x1536xf32, #tpu.memory_space<vmem>> -> memref<16x1536xf32, #tpu.memory_space<vmem>>
          tpu.wait_dma2 semaphore(%arg19 : memref<!tpu.dma_semaphore, #tpu.memory_space<semaphore_mem>>) src(%dma_wait3A_358 : memref<16x1536xf32, #tpu.memory_space<vmem>>) dst(%dma_wait3A_356 : memref<16x1536xf32, #tpu.memory_space<hbm>>)
        } else {
        }
        %add3A_328 = arith.constant 4 : i32
        %add3A_329 = arith.addi %scan3A_227, %add3A_328 : i32
        %sub3A_330 = arith.constant 1 : i32
        %sub3A_331 = arith.subi %add3A_329, %sub3A_330 : i32
        %mul3A_332 = arith.constant 16 : i32
        %mul3A_333 = arith.muli %sub3A_331, %mul3A_332 : i32
        %multiple_of3A_334 = tpu.assume_multiple %mul3A_333, 8 : i32
        %multiple_of3A_335 = arith.constant 48 : i32
        %multiple_of3A_336 = tpu.assume_multiple %multiple_of3A_335, 8 : i32
        %dma_start3A_337 = arith.constant 0 : i32
        %dma_start3A_338 = tpu.memref_slice %arg8[%multiple_of3A_336, %dma_start3A_337] : memref<64x1536xf32, #tpu.memory_space<vmem>> -> memref<16x1536xf32, #tpu.memory_space<vmem>>
        %dma_start3A_339 = tpu.memref_slice %arg7[%multiple_of3A_334] : memref<800xi32, #tpu.memory_space<vmem>> -> memref<16xi32, #tpu.memory_space<vmem>>
        %dma_start3A_340 = arith.constant 0 : i32
        %dma_start3A_341 = arith.constant 0 : i32
        %dma_start3A_342 = tpu.memref_slice %arg4[%dma_start3A_340, %dma_start3A_341] : memref<400x1536xf32, #tpu.memory_space<hbm>> -> memref<400x1536xf32, #tpu.memory_space<hbm>>
        tpu.enqueue_indirect_dma source(%dma_start3A_342 : memref<400x1536xf32, #tpu.memory_space<hbm>>) target(%dma_start3A_338 : memref<16x1536xf32, #tpu.memory_space<vmem>>) offsets(%dma_start3A_339 : memref<16xi32, #tpu.memory_space<vmem>>) semaphore(%arg15 : memref<!tpu.dma_semaphore, #tpu.memory_space<semaphore_mem>>)
      } else {
      }
      %scan3A_323 = arith.constant 0 : i32
      scf.yield %scan3A_323 : i32
    }
    %scan3A_36 = arith.constant 50 : i32
    %multiple_of3A_37 = arith.constant 32 : i32
    %multiple_of3A_38 = tpu.assume_multiple %multiple_of3A_37, 8 : i32
    %add3A_39 = arith.constant 736 : i32
    %add3A_40 = arith.addi %mul3A_2, %add3A_39 : i32
    %multiple_of3A_41 = tpu.assume_multiple %add3A_40, 8 : i32
    %dma_wait3A = arith.constant 0 : i32
    %dma_wait3A_42 = tpu.memref_slice %arg8[%multiple_of3A_38, %dma_wait3A] : memref<64x1536xf32, #tpu.memory_space<vmem>> -> memref<16x1536xf32, #tpu.memory_space<vmem>>
    %dma_wait3A_43 = arith.constant 0 : i32
    %dma_wait3A_44 = tpu.memref_slice %arg6[%multiple_of3A_41, %dma_wait3A_43] : memref<26624x1536xf32, #tpu.memory_space<hbm>> -> memref<16x1536xf32, #tpu.memory_space<hbm>>
    %dma_wait3A_45 = arith.constant 0 : i32
    %dma_wait3A_46 = tpu.memref_slice %arg6[%multiple_of3A_41, %dma_wait3A_45] : memref<26624x1536xf32, #tpu.memory_space<hbm>> -> memref<16x1536xf32, #tpu.memory_space<hbm>>
    %dma_wait3A_47 = arith.constant 0 : i32
    %dma_wait3A_48 = tpu.memref_slice %arg8[%multiple_of3A_38, %dma_wait3A_47] : memref<64x1536xf32, #tpu.memory_space<vmem>> -> memref<16x1536xf32, #tpu.memory_space<vmem>>
    tpu.wait_dma2 semaphore(%arg18 : memref<!tpu.dma_semaphore, #tpu.memory_space<semaphore_mem>>) src(%dma_wait3A_48 : memref<16x1536xf32, #tpu.memory_space<vmem>>) dst(%dma_wait3A_46 : memref<16x1536xf32, #tpu.memory_space<hbm>>)
    %multiple_of3A_49 = arith.constant 48 : i32
    %multiple_of3A_50 = tpu.assume_multiple %multiple_of3A_49, 8 : i32
    %add3A_51 = arith.constant 752 : i32
    %add3A_52 = arith.addi %mul3A_2, %add3A_51 : i32
    %multiple_of3A_53 = tpu.assume_multiple %add3A_52, 8 : i32
    %dma_wait3A_54 = arith.constant 0 : i32
    %dma_wait3A_55 = tpu.memref_slice %arg8[%multiple_of3A_50, %dma_wait3A_54] : memref<64x1536xf32, #tpu.memory_space<vmem>> -> memref<16x1536xf32, #tpu.memory_space<vmem>>
    %dma_wait3A_56 = arith.constant 0 : i32
    %dma_wait3A_57 = tpu.memref_slice %arg6[%multiple_of3A_53, %dma_wait3A_56] : memref<26624x1536xf32, #tpu.memory_space<hbm>> -> memref<16x1536xf32, #tpu.memory_space<hbm>>
    %dma_wait3A_58 = arith.constant 0 : i32
    %dma_wait3A_59 = tpu.memref_slice %arg6[%multiple_of3A_53, %dma_wait3A_58] : memref<26624x1536xf32, #tpu.memory_space<hbm>> -> memref<16x1536xf32, #tpu.memory_space<hbm>>
    %dma_wait3A_60 = arith.constant 0 : i32
    %dma_wait3A_61 = tpu.memref_slice %arg8[%multiple_of3A_50, %dma_wait3A_60] : memref<64x1536xf32, #tpu.memory_space<vmem>> -> memref<16x1536xf32, #tpu.memory_space<vmem>>
    tpu.wait_dma2 semaphore(%arg19 : memref<!tpu.dma_semaphore, #tpu.memory_space<semaphore_mem>>) src(%dma_wait3A_61 : memref<16x1536xf32, #tpu.memory_space<vmem>>) dst(%dma_wait3A_59 : memref<16x1536xf32, #tpu.memory_space<hbm>>)
    %multiple_of3A_62 = arith.constant 0 : i32
    %multiple_of3A_63 = tpu.assume_multiple %multiple_of3A_62, 8 : i32
    %add3A_64 = arith.constant 768 : i32
    %add3A_65 = arith.addi %mul3A_2, %add3A_64 : i32
    %multiple_of3A_66 = tpu.assume_multiple %add3A_65, 8 : i32
    %dma_wait3A_67 = arith.constant 0 : i32
    %dma_wait3A_68 = tpu.memref_slice %arg8[%multiple_of3A_63, %dma_wait3A_67] : memref<64x1536xf32, #tpu.memory_space<vmem>> -> memref<16x1536xf32, #tpu.memory_space<vmem>>
    %dma_wait3A_69 = arith.constant 0 : i32
    %dma_wait3A_70 = tpu.memref_slice %arg6[%multiple_of3A_66, %dma_wait3A_69] : memref<26624x1536xf32, #tpu.memory_space<hbm>> -> memref<16x1536xf32, #tpu.memory_space<hbm>>
    %dma_wait3A_71 = arith.constant 0 : i32
    %dma_wait3A_72 = tpu.memref_slice %arg6[%multiple_of3A_66, %dma_wait3A_71] : memref<26624x1536xf32, #tpu.memory_space<hbm>> -> memref<16x1536xf32, #tpu.memory_space<hbm>>
    %dma_wait3A_73 = arith.constant 0 : i32
    %dma_wait3A_74 = tpu.memref_slice %arg8[%multiple_of3A_63, %dma_wait3A_73] : memref<64x1536xf32, #tpu.memory_space<vmem>> -> memref<16x1536xf32, #tpu.memory_space<vmem>>
    tpu.wait_dma2 semaphore(%arg16 : memref<!tpu.dma_semaphore, #tpu.memory_space<semaphore_mem>>) src(%dma_wait3A_74 : memref<16x1536xf32, #tpu.memory_space<vmem>>) dst(%dma_wait3A_72 : memref<16x1536xf32, #tpu.memory_space<hbm>>)
    %multiple_of3A_75 = arith.constant 16 : i32
    %multiple_of3A_76 = tpu.assume_multiple %multiple_of3A_75, 8 : i32
    %add3A_77 = arith.constant 784 : i32
    %add3A_78 = arith.addi %mul3A_2, %add3A_77 : i32
    %multiple_of3A_79 = tpu.assume_multiple %add3A_78, 8 : i32
    %dma_wait3A_80 = arith.constant 0 : i32
    %dma_wait3A_81 = tpu.memref_slice %arg8[%multiple_of3A_76, %dma_wait3A_80] : memref<64x1536xf32, #tpu.memory_space<vmem>> -> memref<16x1536xf32, #tpu.memory_space<vmem>>
    %dma_wait3A_82 = arith.constant 0 : i32
    %dma_wait3A_83 = tpu.memref_slice %arg6[%multiple_of3A_79, %dma_wait3A_82] : memref<26624x1536xf32, #tpu.memory_space<hbm>> -> memref<16x1536xf32, #tpu.memory_space<hbm>>
    %dma_wait3A_84 = arith.constant 0 : i32
    %dma_wait3A_85 = tpu.memref_slice %arg6[%multiple_of3A_79, %dma_wait3A_84] : memref<26624x1536xf32, #tpu.memory_space<hbm>> -> memref<16x1536xf32, #tpu.memory_space<hbm>>
    %dma_wait3A_86 = arith.constant 0 : i32
    %dma_wait3A_87 = tpu.memref_slice %arg8[%multiple_of3A_76, %dma_wait3A_86] : memref<64x1536xf32, #tpu.memory_space<vmem>> -> memref<16x1536xf32, #tpu.memory_space<vmem>>
    tpu.wait_dma2 semaphore(%arg17 : memref<!tpu.dma_semaphore, #tpu.memory_space<semaphore_mem>>) src(%dma_wait3A_87 : memref<16x1536xf32, #tpu.memory_space<vmem>>) dst(%dma_wait3A_85 : memref<16x1536xf32, #tpu.memory_space<hbm>>)
    %broadcast_in_dim3A = arith.constant 0.000000e+00 : f32
    %broadcast_in_dim3A_88 = vector.broadcast %broadcast_in_dim3A : f32 to vector<16xf32>
    %scan3A_89 = arith.constant 0 : i32
    %scan3A_90 = arith.constant 64 : i32
    %scan3A_91 = arith.addi %scan3A_89, %scan3A_90 : i32
    %scan3A_92 = arith.constant 1 : i32
    %scan3A_93:2 = scf.for %scan3A_227 = %scan3A_89 to %scan3A_91 step %scan3A_92 iter_args(%scan3A_228 = %broadcast_in_dim3A_88, %scan3A_229 = %broadcast_in_dim3A_88) -> (vector<16xf32>, vector<16xf32>)  : i32 {
      %mul3A_230 = arith.constant 16 : i32
      %mul3A_231 = arith.muli %scan3A_227, %mul3A_230 : i32
      %get3A = arith.index_cast %mul3A_231 : i32 to index
      %get3A_232 = tpu.vector_load %arg11[%get3A] {strides = array<i32>} : memref<1024xf32, #tpu.memory_space<vmem>>, vector<16xf32>,
      %add3A_233 = arith.addf %scan3A_228, %get3A_232 : vector<16xf32>
      %mul3A_234 = arith.mulf %get3A_232, %get3A_232 : vector<16xf32>
      %add3A_235 = arith.addf %scan3A_229, %mul3A_234 : vector<16xf32>
      scf.yield %add3A_233, %add3A_235 : vector<16xf32>, vector<16xf32>
    }
    %scan3A_94 = arith.constant 64 : i32
    %iota3A = tpu.iota {dimensions = array<i32: 0>} : vector<16xi32>
    %xor3A = arith.constant 8 : i32
    %xor3A_95 = vector.broadcast %xor3A : i32 to vector<16xi32>
    %xor3A_96 = arith.xori %iota3A, %xor3A_95 : vector<16xi32>
    %broadcast_in_dim3A_97 = vector.shape_cast %xor3A_96 : vector<16xi32> to vector<16x1xi32>
    %gather3A = vector.shape_cast %broadcast_in_dim3A_97 : vector<16x1xi32> to vector<16xi32>
    %gather3A_98 = tpu.dynamic_gather %scan3A_93#0[%gather3A] in [0] : vector<16xf32>, vector<16xi32> -> vector<16xf32>
    %add3A_99 = arith.addf %scan3A_93#0, %gather3A_98 : vector<16xf32>
    %xor3A_100 = arith.constant 4 : i32
    %xor3A_101 = vector.broadcast %xor3A_100 : i32 to vector<16xi32>
    %xor3A_102 = arith.xori %iota3A, %xor3A_101 : vector<16xi32>
    %broadcast_in_dim3A_103 = vector.shape_cast %xor3A_102 : vector<16xi32> to vector<16x1xi32>
    %gather3A_104 = vector.shape_cast %broadcast_in_dim3A_103 : vector<16x1xi32> to vector<16xi32>
    %gather3A_105 = tpu.dynamic_gather %add3A_99[%gather3A_104] in [0] : vector<16xf32>, vector<16xi32> -> vector<16xf32>
    %add3A_106 = arith.addf %add3A_99, %gather3A_105 : vector<16xf32>
    %xor3A_107 = arith.constant 2 : i32
    %xor3A_108 = vector.broadcast %xor3A_107 : i32 to vector<16xi32>
    %xor3A_109 = arith.xori %iota3A, %xor3A_108 : vector<16xi32>
    %broadcast_in_dim3A_110 = vector.shape_cast %xor3A_109 : vector<16xi32> to vector<16x1xi32>
    %gather3A_111 = vector.shape_cast %broadcast_in_dim3A_110 : vector<16x1xi32> to vector<16xi32>
    %gather3A_112 = tpu.dynamic_gather %add3A_106[%gather3A_111] in [0] : vector<16xf32>, vector<16xi32> -> vector<16xf32>
    %add3A_113 = arith.addf %add3A_106, %gather3A_112 : vector<16xf32>
    %xor3A_114 = arith.constant 1 : i32
    %xor3A_115 = vector.broadcast %xor3A_114 : i32 to vector<16xi32>
    %xor3A_116 = arith.xori %iota3A, %xor3A_115 : vector<16xi32>
    %broadcast_in_dim3A_117 = vector.shape_cast %xor3A_116 : vector<16xi32> to vector<16x1xi32>
    %gather3A_118 = vector.shape_cast %broadcast_in_dim3A_117 : vector<16x1xi32> to vector<16xi32>
    %gather3A_119 = tpu.dynamic_gather %add3A_113[%gather3A_118] in [0] : vector<16xf32>, vector<16xi32> -> vector<16xf32>
    %add3A_120 = arith.addf %add3A_113, %gather3A_119 : vector<16xf32>
    %mul3A_121 = arith.constant 9.765625E-4 : f32
    %mul3A_122 = vector.broadcast %mul3A_121 : f32 to vector<16xf32>
    %mul3A_123 = arith.mulf %add3A_120, %mul3A_122 : vector<16xf32>
    %xor3A_124 = arith.constant 8 : i32
    %xor3A_125 = vector.broadcast %xor3A_124 : i32 to vector<16xi32>
    %xor3A_126 = arith.xori %iota3A, %xor3A_125 : vector<16xi32>
    %broadcast_in_dim3A_127 = vector.shape_cast %xor3A_126 : vector<16xi32> to vector<16x1xi32>
    %gather3A_128 = vector.shape_cast %broadcast_in_dim3A_127 : vector<16x1xi32> to vector<16xi32>
    %gather3A_129 = tpu.dynamic_gather %scan3A_93#1[%gather3A_128] in [0] : vector<16xf32>, vector<16xi32> -> vector<16xf32>
    %add3A_130 = arith.addf %scan3A_93#1, %gather3A_129 : vector<16xf32>
    %xor3A_131 = arith.constant 4 : i32
    %xor3A_132 = vector.broadcast %xor3A_131 : i32 to vector<16xi32>
    %xor3A_133 = arith.xori %iota3A, %xor3A_132 : vector<16xi32>
    %broadcast_in_dim3A_134 = vector.shape_cast %xor3A_133 : vector<16xi32> to vector<16x1xi32>
    %gather3A_135 = vector.shape_cast %broadcast_in_dim3A_134 : vector<16x1xi32> to vector<16xi32>
    %gather3A_136 = tpu.dynamic_gather %add3A_130[%gather3A_135] in [0] : vector<16xf32>, vector<16xi32> -> vector<16xf32>
    %add3A_137 = arith.addf %add3A_130, %gather3A_136 : vector<16xf32>
    %xor3A_138 = arith.constant 2 : i32
    %xor3A_139 = vector.broadcast %xor3A_138 : i32 to vector<16xi32>
    %xor3A_140 = arith.xori %iota3A, %xor3A_139 : vector<16xi32>
    %broadcast_in_dim3A_141 = vector.shape_cast %xor3A_140 : vector<16xi32> to vector<16x1xi32>
    %gather3A_142 = vector.shape_cast %broadcast_in_dim3A_141 : vector<16x1xi32> to vector<16xi32>
    %gather3A_143 = tpu.dynamic_gather %add3A_137[%gather3A_142] in [0] : vector<16xf32>, vector<16xi32> -> vector<16xf32>
    %add3A_144 = arith.addf %add3A_137, %gather3A_143 : vector<16xf32>
    %xor3A_145 = arith.constant 1 : i32
    %xor3A_146 = vector.broadcast %xor3A_145 : i32 to vector<16xi32>
    %xor3A_147 = arith.xori %iota3A, %xor3A_146 : vector<16xi32>
    %broadcast_in_dim3A_148 = vector.shape_cast %xor3A_147 : vector<16xi32> to vector<16x1xi32>
    %gather3A_149 = vector.shape_cast %broadcast_in_dim3A_148 : vector<16x1xi32> to vector<16xi32>
    %gather3A_150 = tpu.dynamic_gather %add3A_144[%gather3A_149] in [0] : vector<16xf32>, vector<16xi32> -> vector<16xf32>
    %add3A_151 = arith.addf %add3A_144, %gather3A_150 : vector<16xf32>
    %mul3A_152 = arith.constant 9.765625E-4 : f32
    %mul3A_153 = vector.broadcast %mul3A_152 : f32 to vector<16xf32>
    %mul3A_154 = arith.mulf %add3A_151, %mul3A_153 : vector<16xf32>
    %mul3A_155 = arith.mulf %mul3A_123, %mul3A_123 : vector<16xf32>
    %sub3A = arith.subf %mul3A_154, %mul3A_155 : vector<16xf32>
    %add3A_156 = arith.constant 9.99999974E-6 : f32
    %add3A_157 = vector.broadcast %add3A_156 : f32 to vector<16xf32>
    %add3A_158 = arith.addf %sub3A, %add3A_157 : vector<16xf32>
    %bitcast3A = vector.bitcast %add3A_158 : vector<16xf32> to vector<16xi32>
    %broadcast_in_dim3A_159 = arith.constant 1597463007 : i32
    %broadcast_in_dim3A_160 = vector.broadcast %broadcast_in_dim3A_159 : i32 to vector<16xi32>
    %shift_right_arithmetic3A = arith.constant 1 : i32
    %shift_right_arithmetic3A_161 = vector.broadcast %shift_right_arithmetic3A : i32 to vector<16xi32>
    %shift_right_arithmetic3A_162 = arith.shrsi %bitcast3A, %shift_right_arithmetic3A_161 : vector<16xi32>
    %sub3A_163 = arith.subi %broadcast_in_dim3A_160, %shift_right_arithmetic3A_162 : vector<16xi32>
    %bitcast3A_164 = vector.bitcast %sub3A_163 : vector<16xi32> to vector<16xf32>
    %mul3A_165 = arith.constant 5.000000e-01 : f32
    %mul3A_166 = vector.broadcast %mul3A_165 : f32 to vector<16xf32>
    %mul3A_167 = arith.mulf %mul3A_166, %add3A_158 : vector<16xf32>
    %mul3A_168 = arith.mulf %mul3A_167, %bitcast3A_164 : vector<16xf32>
    %mul3A_169 = arith.mulf %mul3A_168, %bitcast3A_164 : vector<16xf32>
    %sub3A_170 = arith.constant 1.500000e+00 : f32
    %sub3A_171 = vector.broadcast %sub3A_170 : f32 to vector<16xf32>
    %sub3A_172 = arith.subf %sub3A_171, %mul3A_169 : vector<16xf32>
    %mul3A_173 = arith.mulf %bitcast3A_164, %sub3A_172 : vector<16xf32>
    %mul3A_174 = arith.constant 5.000000e-01 : f32
    %mul3A_175 = vector.broadcast %mul3A_174 : f32 to vector<16xf32>
    %mul3A_176 = arith.mulf %mul3A_175, %add3A_158 : vector<16xf32>
    %mul3A_177 = arith.mulf %mul3A_176, %mul3A_173 : vector<16xf32>
    %mul3A_178 = arith.mulf %mul3A_177, %mul3A_173 : vector<16xf32>
    %sub3A_179 = arith.constant 1.500000e+00 : f32
    %sub3A_180 = vector.broadcast %sub3A_179 : f32 to vector<16xf32>
    %sub3A_181 = arith.subf %sub3A_180, %mul3A_178 : vector<16xf32>
    %mul3A_182 = arith.mulf %mul3A_173, %sub3A_181 : vector<16xf32>
    %mul3A_183 = arith.constant 5.000000e-01 : f32
    %mul3A_184 = vector.broadcast %mul3A_183 : f32 to vector<16xf32>
    %mul3A_185 = arith.mulf %mul3A_184, %add3A_158 : vector<16xf32>
    %mul3A_186 = arith.mulf %mul3A_185, %mul3A_182 : vector<16xf32>
    %mul3A_187 = arith.mulf %mul3A_186, %mul3A_182 : vector<16xf32>
    %sub3A_188 = arith.constant 1.500000e+00 : f32
    %sub3A_189 = vector.broadcast %sub3A_188 : f32 to vector<16xf32>
    %sub3A_190 = arith.subf %sub3A_189, %mul3A_187 : vector<16xf32>
    %mul3A_191 = arith.mulf %mul3A_182, %sub3A_190 : vector<16xf32>
    %mul3A_192 = arith.constant 5.000000e-01 : f32
    %mul3A_193 = vector.broadcast %mul3A_192 : f32 to vector<16xf32>
    %mul3A_194 = arith.mulf %mul3A_193, %add3A_158 : vector<16xf32>
    %mul3A_195 = arith.mulf %mul3A_194, %mul3A_191 : vector<16xf32>
    %mul3A_196 = arith.mulf %mul3A_195, %mul3A_191 : vector<16xf32>
    %sub3A_197 = arith.constant 1.500000e+00 : f32
    %sub3A_198 = vector.broadcast %sub3A_197 : f32 to vector<16xf32>
    %sub3A_199 = arith.subf %sub3A_198, %mul3A_196 : vector<16xf32>
    %mul3A_200 = arith.mulf %mul3A_191, %sub3A_199 : vector<16xf32>
    %scan3A_201 = arith.constant 0 : i32
    %scan3A_202 = arith.constant 0 : i32
    %scan3A_203 = arith.constant 16 : i32
    %scan3A_204 = arith.addi %scan3A_202, %scan3A_203 : i32
    %scan3A_205 = arith.constant 1 : i32
    %scan3A_206 = scf.for %scan3A_227 = %scan3A_202 to %scan3A_204 step %scan3A_205 iter_args(%scan3A_228 = %scan3A_201) -> (i32)  : i32 {
      %mul3A_229 = arith.constant 32 : i32
      %mul3A_230 = arith.muli %add3A, %mul3A_229 : i32
      %add3A_231 = arith.constant 0 : i32
      %add3A_232 = arith.addi %mul3A_230, %add3A_231 : i32
      %add3A_233 = arith.addi %add3A_232, %scan3A_227 : i32
      %broadcast_in_dim3A_234 = vector.broadcast %add3A_233 : i32 to vector<16xi32>
      %gather3A_235 = tpu.vector_load_idx %arg11[%broadcast_in_dim3A_234] : memref<1024xf32, #tpu.memory_space<vmem>>[vector<16xi32>], vector<16xf32>,
      %sub3A_236 = arith.subf %gather3A_235, %mul3A_123 : vector<16xf32>
      %mul3A_237 = arith.mulf %sub3A_236, %mul3A_200 : vector<16xf32>
      %get3A = arith.constant 0 : index
      %get3A_238 = tpu.vector_load %arg10[%get3A] {strides = array<i32>} : memref<1536xf32, #tpu.memory_space<vmem>>, vector<16xf32>,
      %mul3A_239 = arith.mulf %mul3A_237, %get3A_238 : vector<16xf32>
      %swap3A = arith.index_cast %scan3A_227 : i32 to index
      %swap3A_240 = arith.constant 0 : index
      %swap3A_241 = tpu.vector_load %arg9[%swap3A, %swap3A_240] {strides = array<i32>} : memref<16x1536xf32, #tpu.memory_space<vmem>>, vector<16xf32>,
      tpu.vector_store %arg9[%swap3A, %swap3A_240], %mul3A_239 {strides = array<i32>} : memref<16x1536xf32, #tpu.memory_space<vmem>>, vector<16xf32>,
      %get3A_242 = arith.constant 16 : index
      %get3A_243 = tpu.vector_load %arg10[%get3A_242] {strides = array<i32>} : memref<1536xf32, #tpu.memory_space<vmem>>, vector<16xf32>,
      %mul3A_244 = arith.mulf %mul3A_237, %get3A_243 : vector<16xf32>
      %swap3A_245 = arith.index_cast %scan3A_227 : i32 to index
      %swap3A_246 = arith.constant 16 : index
      %swap3A_247 = tpu.vector_load %arg9[%swap3A_245, %swap3A_246] {strides = array<i32>} : memref<16x1536xf32, #tpu.memory_space<vmem>>, vector<16xf32>,
      tpu.vector_store %arg9[%swap3A_245, %swap3A_246], %mul3A_244 {strides = array<i32>} : memref<16x1536xf32, #tpu.memory_space<vmem>>, vector<16xf32>,
      %get3A_248 = arith.constant 32 : index
      %get3A_249 = tpu.vector_load %arg10[%get3A_248] {strides = array<i32>} : memref<1536xf32, #tpu.memory_space<vmem>>, vector<16xf32>,
      %mul3A_250 = arith.mulf %mul3A_237, %get3A_249 : vector<16xf32>
      %swap3A_251 = arith.index_cast %scan3A_227 : i32 to index
      %swap3A_252 = arith.constant 32 : index
      %swap3A_253 = tpu.vector_load %arg9[%swap3A_251, %swap3A_252] {strides = array<i32>} : memref<16x1536xf32, #tpu.memory_space<vmem>>, vector<16xf32>,
      tpu.vector_store %arg9[%swap3A_251, %swap3A_252], %mul3A_250 {strides = array<i32>} : memref<16x1536xf32, #tpu.memory_space<vmem>>, vector<16xf32>,
      %get3A_254 = arith.constant 48 : index
      %get3A_255 = tpu.vector_load %arg10[%get3A_254] {strides = array<i32>} : memref<1536xf32, #tpu.memory_space<vmem>>, vector<16xf32>,
      %mul3A_256 = arith.mulf %mul3A_237, %get3A_255 : vector<16xf32>
      %swap3A_257 = arith.index_cast %scan3A_227 : i32 to index
      %swap3A_258 = arith.constant 48 : index
      %swap3A_259 = tpu.vector_load %arg9[%swap3A_257, %swap3A_258] {strides = array<i32>} : memref<16x1536xf32, #tpu.memory_space<vmem>>, vector<16xf32>,
      tpu.vector_store %arg9[%swap3A_257, %swap3A_258], %mul3A_256 {strides = array<i32>} : memref<16x1536xf32, #tpu.memory_space<vmem>>, vector<16xf32>,
      %get3A_260 = arith.constant 64 : index
      %get3A_261 = tpu.vector_load %arg10[%get3A_260] {strides = array<i32>} : memref<1536xf32, #tpu.memory_space<vmem>>, vector<16xf32>,
      %mul3A_262 = arith.mulf %mul3A_237, %get3A_261 : vector<16xf32>
      %swap3A_263 = arith.index_cast %scan3A_227 : i32 to index
      %swap3A_264 = arith.constant 64 : index
      %swap3A_265 = tpu.vector_load %arg9[%swap3A_263, %swap3A_264] {strides = array<i32>} : memref<16x1536xf32, #tpu.memory_space<vmem>>, vector<16xf32>,
      tpu.vector_store %arg9[%swap3A_263, %swap3A_264], %mul3A_262 {strides = array<i32>} : memref<16x1536xf32, #tpu.memory_space<vmem>>, vector<16xf32>,
      %get3A_266 = arith.constant 80 : index
      %get3A_267 = tpu.vector_load %arg10[%get3A_266] {strides = array<i32>} : memref<1536xf32, #tpu.memory_space<vmem>>, vector<16xf32>,
      %mul3A_268 = arith.mulf %mul3A_237, %get3A_267 : vector<16xf32>
      %swap3A_269 = arith.index_cast %scan3A_227 : i32 to index
      %swap3A_270 = arith.constant 80 : index
      %swap3A_271 = tpu.vector_load %arg9[%swap3A_269, %swap3A_270] {strides = array<i32>} : memref<16x1536xf32, #tpu.memory_space<vmem>>, vector<16xf32>,
      tpu.vector_store %arg9[%swap3A_269, %swap3A_270], %mul3A_268 {strides = array<i32>} : memref<16x1536xf32, #tpu.memory_space<vmem>>, vector<16xf32>,
      %get3A_272 = arith.constant 96 : index
      %get3A_273 = tpu.vector_load %arg10[%get3A_272] {strides = array<i32>} : memref<1536xf32, #tpu.memory_space<vmem>>, vector<16xf32>,
      %mul3A_274 = arith.mulf %mul3A_237, %get3A_273 : vector<16xf32>
      %swap3A_275 = arith.index_cast %scan3A_227 : i32 to index
      %swap3A_276 = arith.constant 96 : index
      %swap3A_277 = tpu.vector_load %arg9[%swap3A_275, %swap3A_276] {strides = array<i32>} : memref<16x1536xf32, #tpu.memory_space<vmem>>, vector<16xf32>,
      tpu.vector_store %arg9[%swap3A_275, %swap3A_276], %mul3A_274 {strides = array<i32>} : memref<16x1536xf32, #tpu.memory_space<vmem>>, vector<16xf32>,
      %get3A_278 = arith.constant 112 : index
      %get3A_279 = tpu.vector_load %arg10[%get3A_278] {strides = array<i32>} : memref<1536xf32, #tpu.memory_space<vmem>>, vector<16xf32>,
      %mul3A_280 = arith.mulf %mul3A_237, %get3A_279 : vector<16xf32>
      %swap3A_281 = arith.index_cast %scan3A_227 : i32 to index
      %swap3A_282 = arith.constant 112 : index
      %swap3A_283 = tpu.vector_load %arg9[%swap3A_281, %swap3A_282] {strides = array<i32>} : memref<16x1536xf32, #tpu.memory_space<vmem>>, vector<16xf32>,
      tpu.vector_store %arg9[%swap3A_281, %swap3A_282], %mul3A_280 {strides = array<i32>} : memref<16x1536xf32, #tpu.memory_space<vmem>>, vector<16xf32>,
      %get3A_284 = arith.constant 128 : index
      %get3A_285 = tpu.vector_load %arg10[%get3A_284] {strides = array<i32>} : memref<1536xf32, #tpu.memory_space<vmem>>, vector<16xf32>,
      %mul3A_286 = arith.mulf %mul3A_237, %get3A_285 : vector<16xf32>
      %swap3A_287 = arith.index_cast %scan3A_227 : i32 to index
      %swap3A_288 = arith.constant 128 : index
      %swap3A_289 = tpu.vector_load %arg9[%swap3A_287, %swap3A_288] {strides = array<i32>} : memref<16x1536xf32, #tpu.memory_space<vmem>>, vector<16xf32>,
      tpu.vector_store %arg9[%swap3A_287, %swap3A_288], %mul3A_286 {strides = array<i32>} : memref<16x1536xf32, #tpu.memory_space<vmem>>, vector<16xf32>,
      %get3A_290 = arith.constant 144 : index
      %get3A_291 = tpu.vector_load %arg10[%get3A_290] {strides = array<i32>} : memref<1536xf32, #tpu.memory_space<vmem>>, vector<16xf32>,
      %mul3A_292 = arith.mulf %mul3A_237, %get3A_291 : vector<16xf32>
      %swap3A_293 = arith.index_cast %scan3A_227 : i32 to index
      %swap3A_294 = arith.constant 144 : index
      %swap3A_295 = tpu.vector_load %arg9[%swap3A_293, %swap3A_294] {strides = array<i32>} : memref<16x1536xf32, #tpu.memory_space<vmem>>, vector<16xf32>,
      tpu.vector_store %arg9[%swap3A_293, %swap3A_294], %mul3A_292 {strides = array<i32>} : memref<16x1536xf32, #tpu.memory_space<vmem>>, vector<16xf32>,
      %get3A_296 = arith.constant 160 : index
      %get3A_297 = tpu.vector_load %arg10[%get3A_296] {strides = array<i32>} : memref<1536xf32, #tpu.memory_space<vmem>>, vector<16xf32>,
      %mul3A_298 = arith.mulf %mul3A_237, %get3A_297 : vector<16xf32>
      %swap3A_299 = arith.index_cast %scan3A_227 : i32 to index
      %swap3A_300 = arith.constant 160 : index
      %swap3A_301 = tpu.vector_load %arg9[%swap3A_299, %swap3A_300] {strides = array<i32>} : memref<16x1536xf32, #tpu.memory_space<vmem>>, vector<16xf32>,
      tpu.vector_store %arg9[%swap3A_299, %swap3A_300], %mul3A_298 {strides = array<i32>} : memref<16x1536xf32, #tpu.memory_space<vmem>>, vector<16xf32>,
      %get3A_302 = arith.constant 176 : index
      %get3A_303 = tpu.vector_load %arg10[%get3A_302] {strides = array<i32>} : memref<1536xf32, #tpu.memory_space<vmem>>, vector<16xf32>,
      %mul3A_304 = arith.mulf %mul3A_237, %get3A_303 : vector<16xf32>
      %swap3A_305 = arith.index_cast %scan3A_227 : i32 to index
      %swap3A_306 = arith.constant 176 : index
      %swap3A_307 = tpu.vector_load %arg9[%swap3A_305, %swap3A_306] {strides = array<i32>} : memref<16x1536xf32, #tpu.memory_space<vmem>>, vector<16xf32>,
      tpu.vector_store %arg9[%swap3A_305, %swap3A_306], %mul3A_304 {strides = array<i32>} : memref<16x1536xf32, #tpu.memory_space<vmem>>, vector<16xf32>,
      %get3A_308 = arith.constant 192 : index
      %get3A_309 = tpu.vector_load %arg10[%get3A_308] {strides = array<i32>} : memref<1536xf32, #tpu.memory_space<vmem>>, vector<16xf32>,
      %mul3A_310 = arith.mulf %mul3A_237, %get3A_309 : vector<16xf32>
      %swap3A_311 = arith.index_cast %scan3A_227 : i32 to index
      %swap3A_312 = arith.constant 192 : index
      %swap3A_313 = tpu.vector_load %arg9[%swap3A_311, %swap3A_312] {strides = array<i32>} : memref<16x1536xf32, #tpu.memory_space<vmem>>, vector<16xf32>,
      tpu.vector_store %arg9[%swap3A_311, %swap3A_312], %mul3A_310 {strides = array<i32>} : memref<16x1536xf32, #tpu.memory_space<vmem>>, vector<16xf32>,
      %get3A_314 = arith.constant 208 : index
      %get3A_315 = tpu.vector_load %arg10[%get3A_314] {strides = array<i32>} : memref<1536xf32, #tpu.memory_space<vmem>>, vector<16xf32>,
      %mul3A_316 = arith.mulf %mul3A_237, %get3A_315 : vector<16xf32>
      %swap3A_317 = arith.index_cast %scan3A_227 : i32 to index
      %swap3A_318 = arith.constant 208 : index
      %swap3A_319 = tpu.vector_load %arg9[%swap3A_317, %swap3A_318] {strides = array<i32>} : memref<16x1536xf32, #tpu.memory_space<vmem>>, vector<16xf32>,
      tpu.vector_store %arg9[%swap3A_317, %swap3A_318], %mul3A_316 {strides = array<i32>} : memref<16x1536xf32, #tpu.memory_space<vmem>>, vector<16xf32>,
      %get3A_320 = arith.constant 224 : index
      %get3A_321 = tpu.vector_load %arg10[%get3A_320] {strides = array<i32>} : memref<1536xf32, #tpu.memory_space<vmem>>, vector<16xf32>,
      %mul3A_322 = arith.mulf %mul3A_237, %get3A_321 : vector<16xf32>
      %swap3A_323 = arith.index_cast %scan3A_227 : i32 to index
      %swap3A_324 = arith.constant 224 : index
      %swap3A_325 = tpu.vector_load %arg9[%swap3A_323, %swap3A_324] {strides = array<i32>} : memref<16x1536xf32, #tpu.memory_space<vmem>>, vector<16xf32>,
      tpu.vector_store %arg9[%swap3A_323, %swap3A_324], %mul3A_322 {strides = array<i32>} : memref<16x1536xf32, #tpu.memory_space<vmem>>, vector<16xf32>,
      %get3A_326 = arith.constant 240 : index
      %get3A_327 = tpu.vector_load %arg10[%get3A_326] {strides = array<i32>} : memref<1536xf32, #tpu.memory_space<vmem>>, vector<16xf32>,
      %mul3A_328 = arith.mulf %mul3A_237, %get3A_327 : vector<16xf32>
      %swap3A_329 = arith.index_cast %scan3A_227 : i32 to index
      %swap3A_330 = arith.constant 240 : index
      %swap3A_331 = tpu.vector_load %arg9[%swap3A_329, %swap3A_330] {strides = array<i32>} : memref<16x1536xf32, #tpu.memory_space<vmem>>, vector<16xf32>,
      tpu.vector_store %arg9[%swap3A_329, %swap3A_330], %mul3A_328 {strides = array<i32>} : memref<16x1536xf32, #tpu.memory_space<vmem>>, vector<16xf32>,
      %get3A_332 = arith.constant 256 : index
      %get3A_333 = tpu.vector_load %arg10[%get3A_332] {strides = array<i32>} : memref<1536xf32, #tpu.memory_space<vmem>>, vector<16xf32>,
      %mul3A_334 = arith.mulf %mul3A_237, %get3A_333 : vector<16xf32>
      %swap3A_335 = arith.index_cast %scan3A_227 : i32 to index
      %swap3A_336 = arith.constant 256 : index
      %swap3A_337 = tpu.vector_load %arg9[%swap3A_335, %swap3A_336] {strides = array<i32>} : memref<16x1536xf32, #tpu.memory_space<vmem>>, vector<16xf32>,
      tpu.vector_store %arg9[%swap3A_335, %swap3A_336], %mul3A_334 {strides = array<i32>} : memref<16x1536xf32, #tpu.memory_space<vmem>>, vector<16xf32>,
      %get3A_338 = arith.constant 272 : index
      %get3A_339 = tpu.vector_load %arg10[%get3A_338] {strides = array<i32>} : memref<1536xf32, #tpu.memory_space<vmem>>, vector<16xf32>,
      %mul3A_340 = arith.mulf %mul3A_237, %get3A_339 : vector<16xf32>
      %swap3A_341 = arith.index_cast %scan3A_227 : i32 to index
      %swap3A_342 = arith.constant 272 : index
      %swap3A_343 = tpu.vector_load %arg9[%swap3A_341, %swap3A_342] {strides = array<i32>} : memref<16x1536xf32, #tpu.memory_space<vmem>>, vector<16xf32>,
      tpu.vector_store %arg9[%swap3A_341, %swap3A_342], %mul3A_340 {strides = array<i32>} : memref<16x1536xf32, #tpu.memory_space<vmem>>, vector<16xf32>,
      %get3A_344 = arith.constant 288 : index
      %get3A_345 = tpu.vector_load %arg10[%get3A_344] {strides = array<i32>} : memref<1536xf32, #tpu.memory_space<vmem>>, vector<16xf32>,
      %mul3A_346 = arith.mulf %mul3A_237, %get3A_345 : vector<16xf32>
      %swap3A_347 = arith.index_cast %scan3A_227 : i32 to index
      %swap3A_348 = arith.constant 288 : index
      %swap3A_349 = tpu.vector_load %arg9[%swap3A_347, %swap3A_348] {strides = array<i32>} : memref<16x1536xf32, #tpu.memory_space<vmem>>, vector<16xf32>,
      tpu.vector_store %arg9[%swap3A_347, %swap3A_348], %mul3A_346 {strides = array<i32>} : memref<16x1536xf32, #tpu.memory_space<vmem>>, vector<16xf32>,
      %get3A_350 = arith.constant 304 : index
      %get3A_351 = tpu.vector_load %arg10[%get3A_350] {strides = array<i32>} : memref<1536xf32, #tpu.memory_space<vmem>>, vector<16xf32>,
      %mul3A_352 = arith.mulf %mul3A_237, %get3A_351 : vector<16xf32>
      %swap3A_353 = arith.index_cast %scan3A_227 : i32 to index
      %swap3A_354 = arith.constant 304 : index
      %swap3A_355 = tpu.vector_load %arg9[%swap3A_353, %swap3A_354] {strides = array<i32>} : memref<16x1536xf32, #tpu.memory_space<vmem>>, vector<16xf32>,
      tpu.vector_store %arg9[%swap3A_353, %swap3A_354], %mul3A_352 {strides = array<i32>} : memref<16x1536xf32, #tpu.memory_space<vmem>>, vector<16xf32>,
      %get3A_356 = arith.constant 320 : index
      %get3A_357 = tpu.vector_load %arg10[%get3A_356] {strides = array<i32>} : memref<1536xf32, #tpu.memory_space<vmem>>, vector<16xf32>,
      %mul3A_358 = arith.mulf %mul3A_237, %get3A_357 : vector<16xf32>
      %swap3A_359 = arith.index_cast %scan3A_227 : i32 to index
      %swap3A_360 = arith.constant 320 : index
      %swap3A_361 = tpu.vector_load %arg9[%swap3A_359, %swap3A_360] {strides = array<i32>} : memref<16x1536xf32, #tpu.memory_space<vmem>>, vector<16xf32>,
      tpu.vector_store %arg9[%swap3A_359, %swap3A_360], %mul3A_358 {strides = array<i32>} : memref<16x1536xf32, #tpu.memory_space<vmem>>, vector<16xf32>,
      %get3A_362 = arith.constant 336 : index
      %get3A_363 = tpu.vector_load %arg10[%get3A_362] {strides = array<i32>} : memref<1536xf32, #tpu.memory_space<vmem>>, vector<16xf32>,
      %mul3A_364 = arith.mulf %mul3A_237, %get3A_363 : vector<16xf32>
      %swap3A_365 = arith.index_cast %scan3A_227 : i32 to index
      %swap3A_366 = arith.constant 336 : index
      %swap3A_367 = tpu.vector_load %arg9[%swap3A_365, %swap3A_366] {strides = array<i32>} : memref<16x1536xf32, #tpu.memory_space<vmem>>, vector<16xf32>,
      tpu.vector_store %arg9[%swap3A_365, %swap3A_366], %mul3A_364 {strides = array<i32>} : memref<16x1536xf32, #tpu.memory_space<vmem>>, vector<16xf32>,
      %get3A_368 = arith.constant 352 : index
      %get3A_369 = tpu.vector_load %arg10[%get3A_368] {strides = array<i32>} : memref<1536xf32, #tpu.memory_space<vmem>>, vector<16xf32>,
      %mul3A_370 = arith.mulf %mul3A_237, %get3A_369 : vector<16xf32>
      %swap3A_371 = arith.index_cast %scan3A_227 : i32 to index
      %swap3A_372 = arith.constant 352 : index
      %swap3A_373 = tpu.vector_load %arg9[%swap3A_371, %swap3A_372] {strides = array<i32>} : memref<16x1536xf32, #tpu.memory_space<vmem>>, vector<16xf32>,
      tpu.vector_store %arg9[%swap3A_371, %swap3A_372], %mul3A_370 {strides = array<i32>} : memref<16x1536xf32, #tpu.memory_space<vmem>>, vector<16xf32>,
      %get3A_374 = arith.constant 368 : index
      %get3A_375 = tpu.vector_load %arg10[%get3A_374] {strides = array<i32>} : memref<1536xf32, #tpu.memory_space<vmem>>, vector<16xf32>,
      %mul3A_376 = arith.mulf %mul3A_237, %get3A_375 : vector<16xf32>
      %swap3A_377 = arith.index_cast %scan3A_227 : i32 to index
      %swap3A_378 = arith.constant 368 : index
      %swap3A_379 = tpu.vector_load %arg9[%swap3A_377, %swap3A_378] {strides = array<i32>} : memref<16x1536xf32, #tpu.memory_space<vmem>>, vector<16xf32>,
      tpu.vector_store %arg9[%swap3A_377, %swap3A_378], %mul3A_376 {strides = array<i32>} : memref<16x1536xf32, #tpu.memory_space<vmem>>, vector<16xf32>,
      %get3A_380 = arith.constant 384 : index
      %get3A_381 = tpu.vector_load %arg10[%get3A_380] {strides = array<i32>} : memref<1536xf32, #tpu.memory_space<vmem>>, vector<16xf32>,
      %mul3A_382 = arith.mulf %mul3A_237, %get3A_381 : vector<16xf32>
      %swap3A_383 = arith.index_cast %scan3A_227 : i32 to index
      %swap3A_384 = arith.constant 384 : index
      %swap3A_385 = tpu.vector_load %arg9[%swap3A_383, %swap3A_384] {strides = array<i32>} : memref<16x1536xf32, #tpu.memory_space<vmem>>, vector<16xf32>,
      tpu.vector_store %arg9[%swap3A_383, %swap3A_384], %mul3A_382 {strides = array<i32>} : memref<16x1536xf32, #tpu.memory_space<vmem>>, vector<16xf32>,
      %get3A_386 = arith.constant 400 : index
      %get3A_387 = tpu.vector_load %arg10[%get3A_386] {strides = array<i32>} : memref<1536xf32, #tpu.memory_space<vmem>>, vector<16xf32>,
      %mul3A_388 = arith.mulf %mul3A_237, %get3A_387 : vector<16xf32>
      %swap3A_389 = arith.index_cast %scan3A_227 : i32 to index
      %swap3A_390 = arith.constant 400 : index
      %swap3A_391 = tpu.vector_load %arg9[%swap3A_389, %swap3A_390] {strides = array<i32>} : memref<16x1536xf32, #tpu.memory_space<vmem>>, vector<16xf32>,
      tpu.vector_store %arg9[%swap3A_389, %swap3A_390], %mul3A_388 {strides = array<i32>} : memref<16x1536xf32, #tpu.memory_space<vmem>>, vector<16xf32>,
      %get3A_392 = arith.constant 416 : index
      %get3A_393 = tpu.vector_load %arg10[%get3A_392] {strides = array<i32>} : memref<1536xf32, #tpu.memory_space<vmem>>, vector<16xf32>,
      %mul3A_394 = arith.mulf %mul3A_237, %get3A_393 : vector<16xf32>
      %swap3A_395 = arith.index_cast %scan3A_227 : i32 to index
      %swap3A_396 = arith.constant 416 : index
      %swap3A_397 = tpu.vector_load %arg9[%swap3A_395, %swap3A_396] {strides = array<i32>} : memref<16x1536xf32, #tpu.memory_space<vmem>>, vector<16xf32>,
      tpu.vector_store %arg9[%swap3A_395, %swap3A_396], %mul3A_394 {strides = array<i32>} : memref<16x1536xf32, #tpu.memory_space<vmem>>, vector<16xf32>,
      %get3A_398 = arith.constant 432 : index
      %get3A_399 = tpu.vector_load %arg10[%get3A_398] {strides = array<i32>} : memref<1536xf32, #tpu.memory_space<vmem>>, vector<16xf32>,
      %mul3A_400 = arith.mulf %mul3A_237, %get3A_399 : vector<16xf32>
      %swap3A_401 = arith.index_cast %scan3A_227 : i32 to index
      %swap3A_402 = arith.constant 432 : index
      %swap3A_403 = tpu.vector_load %arg9[%swap3A_401, %swap3A_402] {strides = array<i32>} : memref<16x1536xf32, #tpu.memory_space<vmem>>, vector<16xf32>,
      tpu.vector_store %arg9[%swap3A_401, %swap3A_402], %mul3A_400 {strides = array<i32>} : memref<16x1536xf32, #tpu.memory_space<vmem>>, vector<16xf32>,
      %get3A_404 = arith.constant 448 : index
      %get3A_405 = tpu.vector_load %arg10[%get3A_404] {strides = array<i32>} : memref<1536xf32, #tpu.memory_space<vmem>>, vector<16xf32>,
      %mul3A_406 = arith.mulf %mul3A_237, %get3A_405 : vector<16xf32>
      %swap3A_407 = arith.index_cast %scan3A_227 : i32 to index
      %swap3A_408 = arith.constant 448 : index
      %swap3A_409 = tpu.vector_load %arg9[%swap3A_407, %swap3A_408] {strides = array<i32>} : memref<16x1536xf32, #tpu.memory_space<vmem>>, vector<16xf32>,
      tpu.vector_store %arg9[%swap3A_407, %swap3A_408], %mul3A_406 {strides = array<i32>} : memref<16x1536xf32, #tpu.memory_space<vmem>>, vector<16xf32>,
      %get3A_410 = arith.constant 464 : index
      %get3A_411 = tpu.vector_load %arg10[%get3A_410] {strides = array<i32>} : memref<1536xf32, #tpu.memory_space<vmem>>, vector<16xf32>,
      %mul3A_412 = arith.mulf %mul3A_237, %get3A_411 : vector<16xf32>
      %swap3A_413 = arith.index_cast %scan3A_227 : i32 to index
      %swap3A_414 = arith.constant 464 : index
      %swap3A_415 = tpu.vector_load %arg9[%swap3A_413, %swap3A_414] {strides = array<i32>} : memref<16x1536xf32, #tpu.memory_space<vmem>>, vector<16xf32>,
      tpu.vector_store %arg9[%swap3A_413, %swap3A_414], %mul3A_412 {strides = array<i32>} : memref<16x1536xf32, #tpu.memory_space<vmem>>, vector<16xf32>,
      %get3A_416 = arith.constant 480 : index
      %get3A_417 = tpu.vector_load %arg10[%get3A_416] {strides = array<i32>} : memref<1536xf32, #tpu.memory_space<vmem>>, vector<16xf32>,
      %mul3A_418 = arith.mulf %mul3A_237, %get3A_417 : vector<16xf32>
      %swap3A_419 = arith.index_cast %scan3A_227 : i32 to index
      %swap3A_420 = arith.constant 480 : index
      %swap3A_421 = tpu.vector_load %arg9[%swap3A_419, %swap3A_420] {strides = array<i32>} : memref<16x1536xf32, #tpu.memory_space<vmem>>, vector<16xf32>,
      tpu.vector_store %arg9[%swap3A_419, %swap3A_420], %mul3A_418 {strides = array<i32>} : memref<16x1536xf32, #tpu.memory_space<vmem>>, vector<16xf32>,
      %get3A_422 = arith.constant 496 : index
      %get3A_423 = tpu.vector_load %arg10[%get3A_422] {strides = array<i32>} : memref<1536xf32, #tpu.memory_space<vmem>>, vector<16xf32>,
      %mul3A_424 = arith.mulf %mul3A_237, %get3A_423 : vector<16xf32>
      %swap3A_425 = arith.index_cast %scan3A_227 : i32 to index
      %swap3A_426 = arith.constant 496 : index
      %swap3A_427 = tpu.vector_load %arg9[%swap3A_425, %swap3A_426] {strides = array<i32>} : memref<16x1536xf32, #tpu.memory_space<vmem>>, vector<16xf32>,
      tpu.vector_store %arg9[%swap3A_425, %swap3A_426], %mul3A_424 {strides = array<i32>} : memref<16x1536xf32, #tpu.memory_space<vmem>>, vector<16xf32>,
      %get3A_428 = arith.constant 512 : index
      %get3A_429 = tpu.vector_load %arg10[%get3A_428] {strides = array<i32>} : memref<1536xf32, #tpu.memory_space<vmem>>, vector<16xf32>,
      %mul3A_430 = arith.mulf %mul3A_237, %get3A_429 : vector<16xf32>
      %swap3A_431 = arith.index_cast %scan3A_227 : i32 to index
      %swap3A_432 = arith.constant 512 : index
      %swap3A_433 = tpu.vector_load %arg9[%swap3A_431, %swap3A_432] {strides = array<i32>} : memref<16x1536xf32, #tpu.memory_space<vmem>>, vector<16xf32>,
      tpu.vector_store %arg9[%swap3A_431, %swap3A_432], %mul3A_430 {strides = array<i32>} : memref<16x1536xf32, #tpu.memory_space<vmem>>, vector<16xf32>,
      %get3A_434 = arith.constant 528 : index
      %get3A_435 = tpu.vector_load %arg10[%get3A_434] {strides = array<i32>} : memref<1536xf32, #tpu.memory_space<vmem>>, vector<16xf32>,
      %mul3A_436 = arith.mulf %mul3A_237, %get3A_435 : vector<16xf32>
      %swap3A_437 = arith.index_cast %scan3A_227 : i32 to index
      %swap3A_438 = arith.constant 528 : index
      %swap3A_439 = tpu.vector_load %arg9[%swap3A_437, %swap3A_438] {strides = array<i32>} : memref<16x1536xf32, #tpu.memory_space<vmem>>, vector<16xf32>,
      tpu.vector_store %arg9[%swap3A_437, %swap3A_438], %mul3A_436 {strides = array<i32>} : memref<16x1536xf32, #tpu.memory_space<vmem>>, vector<16xf32>,
      %get3A_440 = arith.constant 544 : index
      %get3A_441 = tpu.vector_load %arg10[%get3A_440] {strides = array<i32>} : memref<1536xf32, #tpu.memory_space<vmem>>, vector<16xf32>,
      %mul3A_442 = arith.mulf %mul3A_237, %get3A_441 : vector<16xf32>
      %swap3A_443 = arith.index_cast %scan3A_227 : i32 to index
      %swap3A_444 = arith.constant 544 : index
      %swap3A_445 = tpu.vector_load %arg9[%swap3A_443, %swap3A_444] {strides = array<i32>} : memref<16x1536xf32, #tpu.memory_space<vmem>>, vector<16xf32>,
      tpu.vector_store %arg9[%swap3A_443, %swap3A_444], %mul3A_442 {strides = array<i32>} : memref<16x1536xf32, #tpu.memory_space<vmem>>, vector<16xf32>,
      %get3A_446 = arith.constant 560 : index
      %get3A_447 = tpu.vector_load %arg10[%get3A_446] {strides = array<i32>} : memref<1536xf32, #tpu.memory_space<vmem>>, vector<16xf32>,
      %mul3A_448 = arith.mulf %mul3A_237, %get3A_447 : vector<16xf32>
      %swap3A_449 = arith.index_cast %scan3A_227 : i32 to index
      %swap3A_450 = arith.constant 560 : index
      %swap3A_451 = tpu.vector_load %arg9[%swap3A_449, %swap3A_450] {strides = array<i32>} : memref<16x1536xf32, #tpu.memory_space<vmem>>, vector<16xf32>,
      tpu.vector_store %arg9[%swap3A_449, %swap3A_450], %mul3A_448 {strides = array<i32>} : memref<16x1536xf32, #tpu.memory_space<vmem>>, vector<16xf32>,
      %get3A_452 = arith.constant 576 : index
      %get3A_453 = tpu.vector_load %arg10[%get3A_452] {strides = array<i32>} : memref<1536xf32, #tpu.memory_space<vmem>>, vector<16xf32>,
      %mul3A_454 = arith.mulf %mul3A_237, %get3A_453 : vector<16xf32>
      %swap3A_455 = arith.index_cast %scan3A_227 : i32 to index
      %swap3A_456 = arith.constant 576 : index
      %swap3A_457 = tpu.vector_load %arg9[%swap3A_455, %swap3A_456] {strides = array<i32>} : memref<16x1536xf32, #tpu.memory_space<vmem>>, vector<16xf32>,
      tpu.vector_store %arg9[%swap3A_455, %swap3A_456], %mul3A_454 {strides = array<i32>} : memref<16x1536xf32, #tpu.memory_space<vmem>>, vector<16xf32>,
      %get3A_458 = arith.constant 592 : index
      %get3A_459 = tpu.vector_load %arg10[%get3A_458] {strides = array<i32>} : memref<1536xf32, #tpu.memory_space<vmem>>, vector<16xf32>,
      %mul3A_460 = arith.mulf %mul3A_237, %get3A_459 : vector<16xf32>
      %swap3A_461 = arith.index_cast %scan3A_227 : i32 to index
      %swap3A_462 = arith.constant 592 : index
      %swap3A_463 = tpu.vector_load %arg9[%swap3A_461, %swap3A_462] {strides = array<i32>} : memref<16x1536xf32, #tpu.memory_space<vmem>>, vector<16xf32>,
      tpu.vector_store %arg9[%swap3A_461, %swap3A_462], %mul3A_460 {strides = array<i32>} : memref<16x1536xf32, #tpu.memory_space<vmem>>, vector<16xf32>,
      %get3A_464 = arith.constant 608 : index
      %get3A_465 = tpu.vector_load %arg10[%get3A_464] {strides = array<i32>} : memref<1536xf32, #tpu.memory_space<vmem>>, vector<16xf32>,
      %mul3A_466 = arith.mulf %mul3A_237, %get3A_465 : vector<16xf32>
      %swap3A_467 = arith.index_cast %scan3A_227 : i32 to index
      %swap3A_468 = arith.constant 608 : index
      %swap3A_469 = tpu.vector_load %arg9[%swap3A_467, %swap3A_468] {strides = array<i32>} : memref<16x1536xf32, #tpu.memory_space<vmem>>, vector<16xf32>,
      tpu.vector_store %arg9[%swap3A_467, %swap3A_468], %mul3A_466 {strides = array<i32>} : memref<16x1536xf32, #tpu.memory_space<vmem>>, vector<16xf32>,
      %get3A_470 = arith.constant 624 : index
      %get3A_471 = tpu.vector_load %arg10[%get3A_470] {strides = array<i32>} : memref<1536xf32, #tpu.memory_space<vmem>>, vector<16xf32>,
      %mul3A_472 = arith.mulf %mul3A_237, %get3A_471 : vector<16xf32>
      %swap3A_473 = arith.index_cast %scan3A_227 : i32 to index
      %swap3A_474 = arith.constant 624 : index
      %swap3A_475 = tpu.vector_load %arg9[%swap3A_473, %swap3A_474] {strides = array<i32>} : memref<16x1536xf32, #tpu.memory_space<vmem>>, vector<16xf32>,
      tpu.vector_store %arg9[%swap3A_473, %swap3A_474], %mul3A_472 {strides = array<i32>} : memref<16x1536xf32, #tpu.memory_space<vmem>>, vector<16xf32>,
      %get3A_476 = arith.constant 640 : index
      %get3A_477 = tpu.vector_load %arg10[%get3A_476] {strides = array<i32>} : memref<1536xf32, #tpu.memory_space<vmem>>, vector<16xf32>,
      %mul3A_478 = arith.mulf %mul3A_237, %get3A_477 : vector<16xf32>
      %swap3A_479 = arith.index_cast %scan3A_227 : i32 to index
      %swap3A_480 = arith.constant 640 : index
      %swap3A_481 = tpu.vector_load %arg9[%swap3A_479, %swap3A_480] {strides = array<i32>} : memref<16x1536xf32, #tpu.memory_space<vmem>>, vector<16xf32>,
      tpu.vector_store %arg9[%swap3A_479, %swap3A_480], %mul3A_478 {strides = array<i32>} : memref<16x1536xf32, #tpu.memory_space<vmem>>, vector<16xf32>,
      %get3A_482 = arith.constant 656 : index
      %get3A_483 = tpu.vector_load %arg10[%get3A_482] {strides = array<i32>} : memref<1536xf32, #tpu.memory_space<vmem>>, vector<16xf32>,
      %mul3A_484 = arith.mulf %mul3A_237, %get3A_483 : vector<16xf32>
      %swap3A_485 = arith.index_cast %scan3A_227 : i32 to index
      %swap3A_486 = arith.constant 656 : index
      %swap3A_487 = tpu.vector_load %arg9[%swap3A_485, %swap3A_486] {strides = array<i32>} : memref<16x1536xf32, #tpu.memory_space<vmem>>, vector<16xf32>,
      tpu.vector_store %arg9[%swap3A_485, %swap3A_486], %mul3A_484 {strides = array<i32>} : memref<16x1536xf32, #tpu.memory_space<vmem>>, vector<16xf32>,
      %get3A_488 = arith.constant 672 : index
      %get3A_489 = tpu.vector_load %arg10[%get3A_488] {strides = array<i32>} : memref<1536xf32, #tpu.memory_space<vmem>>, vector<16xf32>,
      %mul3A_490 = arith.mulf %mul3A_237, %get3A_489 : vector<16xf32>
      %swap3A_491 = arith.index_cast %scan3A_227 : i32 to index
      %swap3A_492 = arith.constant 672 : index
      %swap3A_493 = tpu.vector_load %arg9[%swap3A_491, %swap3A_492] {strides = array<i32>} : memref<16x1536xf32, #tpu.memory_space<vmem>>, vector<16xf32>,
      tpu.vector_store %arg9[%swap3A_491, %swap3A_492], %mul3A_490 {strides = array<i32>} : memref<16x1536xf32, #tpu.memory_space<vmem>>, vector<16xf32>,
      %get3A_494 = arith.constant 688 : index
      %get3A_495 = tpu.vector_load %arg10[%get3A_494] {strides = array<i32>} : memref<1536xf32, #tpu.memory_space<vmem>>, vector<16xf32>,
      %mul3A_496 = arith.mulf %mul3A_237, %get3A_495 : vector<16xf32>
      %swap3A_497 = arith.index_cast %scan3A_227 : i32 to index
      %swap3A_498 = arith.constant 688 : index
      %swap3A_499 = tpu.vector_load %arg9[%swap3A_497, %swap3A_498] {strides = array<i32>} : memref<16x1536xf32, #tpu.memory_space<vmem>>, vector<16xf32>,
      tpu.vector_store %arg9[%swap3A_497, %swap3A_498], %mul3A_496 {strides = array<i32>} : memref<16x1536xf32, #tpu.memory_space<vmem>>, vector<16xf32>,
      %get3A_500 = arith.constant 704 : index
      %get3A_501 = tpu.vector_load %arg10[%get3A_500] {strides = array<i32>} : memref<1536xf32, #tpu.memory_space<vmem>>, vector<16xf32>,
      %mul3A_502 = arith.mulf %mul3A_237, %get3A_501 : vector<16xf32>
      %swap3A_503 = arith.index_cast %scan3A_227 : i32 to index
      %swap3A_504 = arith.constant 704 : index
      %swap3A_505 = tpu.vector_load %arg9[%swap3A_503, %swap3A_504] {strides = array<i32>} : memref<16x1536xf32, #tpu.memory_space<vmem>>, vector<16xf32>,
      tpu.vector_store %arg9[%swap3A_503, %swap3A_504], %mul3A_502 {strides = array<i32>} : memref<16x1536xf32, #tpu.memory_space<vmem>>, vector<16xf32>,
      %get3A_506 = arith.constant 720 : index
      %get3A_507 = tpu.vector_load %arg10[%get3A_506] {strides = array<i32>} : memref<1536xf32, #tpu.memory_space<vmem>>, vector<16xf32>,
      %mul3A_508 = arith.mulf %mul3A_237, %get3A_507 : vector<16xf32>
      %swap3A_509 = arith.index_cast %scan3A_227 : i32 to index
      %swap3A_510 = arith.constant 720 : index
      %swap3A_511 = tpu.vector_load %arg9[%swap3A_509, %swap3A_510] {strides = array<i32>} : memref<16x1536xf32, #tpu.memory_space<vmem>>, vector<16xf32>,
      tpu.vector_store %arg9[%swap3A_509, %swap3A_510], %mul3A_508 {strides = array<i32>} : memref<16x1536xf32, #tpu.memory_space<vmem>>, vector<16xf32>,
      %get3A_512 = arith.constant 736 : index
      %get3A_513 = tpu.vector_load %arg10[%get3A_512] {strides = array<i32>} : memref<1536xf32, #tpu.memory_space<vmem>>, vector<16xf32>,
      %mul3A_514 = arith.mulf %mul3A_237, %get3A_513 : vector<16xf32>
      %swap3A_515 = arith.index_cast %scan3A_227 : i32 to index
      %swap3A_516 = arith.constant 736 : index
      %swap3A_517 = tpu.vector_load %arg9[%swap3A_515, %swap3A_516] {strides = array<i32>} : memref<16x1536xf32, #tpu.memory_space<vmem>>, vector<16xf32>,
      tpu.vector_store %arg9[%swap3A_515, %swap3A_516], %mul3A_514 {strides = array<i32>} : memref<16x1536xf32, #tpu.memory_space<vmem>>, vector<16xf32>,
      %get3A_518 = arith.constant 752 : index
      %get3A_519 = tpu.vector_load %arg10[%get3A_518] {strides = array<i32>} : memref<1536xf32, #tpu.memory_space<vmem>>, vector<16xf32>,
      %mul3A_520 = arith.mulf %mul3A_237, %get3A_519 : vector<16xf32>
      %swap3A_521 = arith.index_cast %scan3A_227 : i32 to index
      %swap3A_522 = arith.constant 752 : index
      %swap3A_523 = tpu.vector_load %arg9[%swap3A_521, %swap3A_522] {strides = array<i32>} : memref<16x1536xf32, #tpu.memory_space<vmem>>, vector<16xf32>,
      tpu.vector_store %arg9[%swap3A_521, %swap3A_522], %mul3A_520 {strides = array<i32>} : memref<16x1536xf32, #tpu.memory_space<vmem>>, vector<16xf32>,
      %get3A_524 = arith.constant 768 : index
      %get3A_525 = tpu.vector_load %arg10[%get3A_524] {strides = array<i32>} : memref<1536xf32, #tpu.memory_space<vmem>>, vector<16xf32>,
      %mul3A_526 = arith.mulf %mul3A_237, %get3A_525 : vector<16xf32>
      %swap3A_527 = arith.index_cast %scan3A_227 : i32 to index
      %swap3A_528 = arith.constant 768 : index
      %swap3A_529 = tpu.vector_load %arg9[%swap3A_527, %swap3A_528] {strides = array<i32>} : memref<16x1536xf32, #tpu.memory_space<vmem>>, vector<16xf32>,
      tpu.vector_store %arg9[%swap3A_527, %swap3A_528], %mul3A_526 {strides = array<i32>} : memref<16x1536xf32, #tpu.memory_space<vmem>>, vector<16xf32>,
      %get3A_530 = arith.constant 784 : index
      %get3A_531 = tpu.vector_load %arg10[%get3A_530] {strides = array<i32>} : memref<1536xf32, #tpu.memory_space<vmem>>, vector<16xf32>,
      %mul3A_532 = arith.mulf %mul3A_237, %get3A_531 : vector<16xf32>
      %swap3A_533 = arith.index_cast %scan3A_227 : i32 to index
      %swap3A_534 = arith.constant 784 : index
      %swap3A_535 = tpu.vector_load %arg9[%swap3A_533, %swap3A_534] {strides = array<i32>} : memref<16x1536xf32, #tpu.memory_space<vmem>>, vector<16xf32>,
      tpu.vector_store %arg9[%swap3A_533, %swap3A_534], %mul3A_532 {strides = array<i32>} : memref<16x1536xf32, #tpu.memory_space<vmem>>, vector<16xf32>,
      %get3A_536 = arith.constant 800 : index
      %get3A_537 = tpu.vector_load %arg10[%get3A_536] {strides = array<i32>} : memref<1536xf32, #tpu.memory_space<vmem>>, vector<16xf32>,
      %mul3A_538 = arith.mulf %mul3A_237, %get3A_537 : vector<16xf32>
      %swap3A_539 = arith.index_cast %scan3A_227 : i32 to index
      %swap3A_540 = arith.constant 800 : index
      %swap3A_541 = tpu.vector_load %arg9[%swap3A_539, %swap3A_540] {strides = array<i32>} : memref<16x1536xf32, #tpu.memory_space<vmem>>, vector<16xf32>,
      tpu.vector_store %arg9[%swap3A_539, %swap3A_540], %mul3A_538 {strides = array<i32>} : memref<16x1536xf32, #tpu.memory_space<vmem>>, vector<16xf32>,
      %get3A_542 = arith.constant 816 : index
      %get3A_543 = tpu.vector_load %arg10[%get3A_542] {strides = array<i32>} : memref<1536xf32, #tpu.memory_space<vmem>>, vector<16xf32>,
      %mul3A_544 = arith.mulf %mul3A_237, %get3A_543 : vector<16xf32>
      %swap3A_545 = arith.index_cast %scan3A_227 : i32 to index
      %swap3A_546 = arith.constant 816 : index
      %swap3A_547 = tpu.vector_load %arg9[%swap3A_545, %swap3A_546] {strides = array<i32>} : memref<16x1536xf32, #tpu.memory_space<vmem>>, vector<16xf32>,
      tpu.vector_store %arg9[%swap3A_545, %swap3A_546], %mul3A_544 {strides = array<i32>} : memref<16x1536xf32, #tpu.memory_space<vmem>>, vector<16xf32>,
      %get3A_548 = arith.constant 832 : index
      %get3A_549 = tpu.vector_load %arg10[%get3A_548] {strides = array<i32>} : memref<1536xf32, #tpu.memory_space<vmem>>, vector<16xf32>,
      %mul3A_550 = arith.mulf %mul3A_237, %get3A_549 : vector<16xf32>
      %swap3A_551 = arith.index_cast %scan3A_227 : i32 to index
      %swap3A_552 = arith.constant 832 : index
      %swap3A_553 = tpu.vector_load %arg9[%swap3A_551, %swap3A_552] {strides = array<i32>} : memref<16x1536xf32, #tpu.memory_space<vmem>>, vector<16xf32>,
      tpu.vector_store %arg9[%swap3A_551, %swap3A_552], %mul3A_550 {strides = array<i32>} : memref<16x1536xf32, #tpu.memory_space<vmem>>, vector<16xf32>,
      %get3A_554 = arith.constant 848 : index
      %get3A_555 = tpu.vector_load %arg10[%get3A_554] {strides = array<i32>} : memref<1536xf32, #tpu.memory_space<vmem>>, vector<16xf32>,
      %mul3A_556 = arith.mulf %mul3A_237, %get3A_555 : vector<16xf32>
      %swap3A_557 = arith.index_cast %scan3A_227 : i32 to index
      %swap3A_558 = arith.constant 848 : index
      %swap3A_559 = tpu.vector_load %arg9[%swap3A_557, %swap3A_558] {strides = array<i32>} : memref<16x1536xf32, #tpu.memory_space<vmem>>, vector<16xf32>,
      tpu.vector_store %arg9[%swap3A_557, %swap3A_558], %mul3A_556 {strides = array<i32>} : memref<16x1536xf32, #tpu.memory_space<vmem>>, vector<16xf32>,
      %get3A_560 = arith.constant 864 : index
      %get3A_561 = tpu.vector_load %arg10[%get3A_560] {strides = array<i32>} : memref<1536xf32, #tpu.memory_space<vmem>>, vector<16xf32>,
      %mul3A_562 = arith.mulf %mul3A_237, %get3A_561 : vector<16xf32>
      %swap3A_563 = arith.index_cast %scan3A_227 : i32 to index
      %swap3A_564 = arith.constant 864 : index
      %swap3A_565 = tpu.vector_load %arg9[%swap3A_563, %swap3A_564] {strides = array<i32>} : memref<16x1536xf32, #tpu.memory_space<vmem>>, vector<16xf32>,
      tpu.vector_store %arg9[%swap3A_563, %swap3A_564], %mul3A_562 {strides = array<i32>} : memref<16x1536xf32, #tpu.memory_space<vmem>>, vector<16xf32>,
      %get3A_566 = arith.constant 880 : index
      %get3A_567 = tpu.vector_load %arg10[%get3A_566] {strides = array<i32>} : memref<1536xf32, #tpu.memory_space<vmem>>, vector<16xf32>,
      %mul3A_568 = arith.mulf %mul3A_237, %get3A_567 : vector<16xf32>
      %swap3A_569 = arith.index_cast %scan3A_227 : i32 to index
      %swap3A_570 = arith.constant 880 : index
      %swap3A_571 = tpu.vector_load %arg9[%swap3A_569, %swap3A_570] {strides = array<i32>} : memref<16x1536xf32, #tpu.memory_space<vmem>>, vector<16xf32>,
      tpu.vector_store %arg9[%swap3A_569, %swap3A_570], %mul3A_568 {strides = array<i32>} : memref<16x1536xf32, #tpu.memory_space<vmem>>, vector<16xf32>,
      %get3A_572 = arith.constant 896 : index
      %get3A_573 = tpu.vector_load %arg10[%get3A_572] {strides = array<i32>} : memref<1536xf32, #tpu.memory_space<vmem>>, vector<16xf32>,
      %mul3A_574 = arith.mulf %mul3A_237, %get3A_573 : vector<16xf32>
      %swap3A_575 = arith.index_cast %scan3A_227 : i32 to index
      %swap3A_576 = arith.constant 896 : index
      %swap3A_577 = tpu.vector_load %arg9[%swap3A_575, %swap3A_576] {strides = array<i32>} : memref<16x1536xf32, #tpu.memory_space<vmem>>, vector<16xf32>,
      tpu.vector_store %arg9[%swap3A_575, %swap3A_576], %mul3A_574 {strides = array<i32>} : memref<16x1536xf32, #tpu.memory_space<vmem>>, vector<16xf32>,
      %get3A_578 = arith.constant 912 : index
      %get3A_579 = tpu.vector_load %arg10[%get3A_578] {strides = array<i32>} : memref<1536xf32, #tpu.memory_space<vmem>>, vector<16xf32>,
      %mul3A_580 = arith.mulf %mul3A_237, %get3A_579 : vector<16xf32>
      %swap3A_581 = arith.index_cast %scan3A_227 : i32 to index
      %swap3A_582 = arith.constant 912 : index
      %swap3A_583 = tpu.vector_load %arg9[%swap3A_581, %swap3A_582] {strides = array<i32>} : memref<16x1536xf32, #tpu.memory_space<vmem>>, vector<16xf32>,
      tpu.vector_store %arg9[%swap3A_581, %swap3A_582], %mul3A_580 {strides = array<i32>} : memref<16x1536xf32, #tpu.memory_space<vmem>>, vector<16xf32>,
      %get3A_584 = arith.constant 928 : index
      %get3A_585 = tpu.vector_load %arg10[%get3A_584] {strides = array<i32>} : memref<1536xf32, #tpu.memory_space<vmem>>, vector<16xf32>,
      %mul3A_586 = arith.mulf %mul3A_237, %get3A_585 : vector<16xf32>
      %swap3A_587 = arith.index_cast %scan3A_227 : i32 to index
      %swap3A_588 = arith.constant 928 : index
      %swap3A_589 = tpu.vector_load %arg9[%swap3A_587, %swap3A_588] {strides = array<i32>} : memref<16x1536xf32, #tpu.memory_space<vmem>>, vector<16xf32>,
      tpu.vector_store %arg9[%swap3A_587, %swap3A_588], %mul3A_586 {strides = array<i32>} : memref<16x1536xf32, #tpu.memory_space<vmem>>, vector<16xf32>,
      %get3A_590 = arith.constant 944 : index
      %get3A_591 = tpu.vector_load %arg10[%get3A_590] {strides = array<i32>} : memref<1536xf32, #tpu.memory_space<vmem>>, vector<16xf32>,
      %mul3A_592 = arith.mulf %mul3A_237, %get3A_591 : vector<16xf32>
      %swap3A_593 = arith.index_cast %scan3A_227 : i32 to index
      %swap3A_594 = arith.constant 944 : index
      %swap3A_595 = tpu.vector_load %arg9[%swap3A_593, %swap3A_594] {strides = array<i32>} : memref<16x1536xf32, #tpu.memory_space<vmem>>, vector<16xf32>,
      tpu.vector_store %arg9[%swap3A_593, %swap3A_594], %mul3A_592 {strides = array<i32>} : memref<16x1536xf32, #tpu.memory_space<vmem>>, vector<16xf32>,
      %get3A_596 = arith.constant 960 : index
      %get3A_597 = tpu.vector_load %arg10[%get3A_596] {strides = array<i32>} : memref<1536xf32, #tpu.memory_space<vmem>>, vector<16xf32>,
      %mul3A_598 = arith.mulf %mul3A_237, %get3A_597 : vector<16xf32>
      %swap3A_599 = arith.index_cast %scan3A_227 : i32 to index
      %swap3A_600 = arith.constant 960 : index
      %swap3A_601 = tpu.vector_load %arg9[%swap3A_599, %swap3A_600] {strides = array<i32>} : memref<16x1536xf32, #tpu.memory_space<vmem>>, vector<16xf32>,
      tpu.vector_store %arg9[%swap3A_599, %swap3A_600], %mul3A_598 {strides = array<i32>} : memref<16x1536xf32, #tpu.memory_space<vmem>>, vector<16xf32>,
      %get3A_602 = arith.constant 976 : index
      %get3A_603 = tpu.vector_load %arg10[%get3A_602] {strides = array<i32>} : memref<1536xf32, #tpu.memory_space<vmem>>, vector<16xf32>,
      %mul3A_604 = arith.mulf %mul3A_237, %get3A_603 : vector<16xf32>
      %swap3A_605 = arith.index_cast %scan3A_227 : i32 to index
      %swap3A_606 = arith.constant 976 : index
      %swap3A_607 = tpu.vector_load %arg9[%swap3A_605, %swap3A_606] {strides = array<i32>} : memref<16x1536xf32, #tpu.memory_space<vmem>>, vector<16xf32>,
      tpu.vector_store %arg9[%swap3A_605, %swap3A_606], %mul3A_604 {strides = array<i32>} : memref<16x1536xf32, #tpu.memory_space<vmem>>, vector<16xf32>,
      %get3A_608 = arith.constant 992 : index
      %get3A_609 = tpu.vector_load %arg10[%get3A_608] {strides = array<i32>} : memref<1536xf32, #tpu.memory_space<vmem>>, vector<16xf32>,
      %mul3A_610 = arith.mulf %mul3A_237, %get3A_609 : vector<16xf32>
      %swap3A_611 = arith.index_cast %scan3A_227 : i32 to index
      %swap3A_612 = arith.constant 992 : index
      %swap3A_613 = tpu.vector_load %arg9[%swap3A_611, %swap3A_612] {strides = array<i32>} : memref<16x1536xf32, #tpu.memory_space<vmem>>, vector<16xf32>,
      tpu.vector_store %arg9[%swap3A_611, %swap3A_612], %mul3A_610 {strides = array<i32>} : memref<16x1536xf32, #tpu.memory_space<vmem>>, vector<16xf32>,
      %get3A_614 = arith.constant 1008 : index
      %get3A_615 = tpu.vector_load %arg10[%get3A_614] {strides = array<i32>} : memref<1536xf32, #tpu.memory_space<vmem>>, vector<16xf32>,
      %mul3A_616 = arith.mulf %mul3A_237, %get3A_615 : vector<16xf32>
      %swap3A_617 = arith.index_cast %scan3A_227 : i32 to index
      %swap3A_618 = arith.constant 1008 : index
      %swap3A_619 = tpu.vector_load %arg9[%swap3A_617, %swap3A_618] {strides = array<i32>} : memref<16x1536xf32, #tpu.memory_space<vmem>>, vector<16xf32>,
      tpu.vector_store %arg9[%swap3A_617, %swap3A_618], %mul3A_616 {strides = array<i32>} : memref<16x1536xf32, #tpu.memory_space<vmem>>, vector<16xf32>,
      %get3A_620 = arith.constant 1024 : index
      %get3A_621 = tpu.vector_load %arg10[%get3A_620] {strides = array<i32>} : memref<1536xf32, #tpu.memory_space<vmem>>, vector<16xf32>,
      %mul3A_622 = arith.mulf %mul3A_237, %get3A_621 : vector<16xf32>
      %swap3A_623 = arith.index_cast %scan3A_227 : i32 to index
      %swap3A_624 = arith.constant 1024 : index
      %swap3A_625 = tpu.vector_load %arg9[%swap3A_623, %swap3A_624] {strides = array<i32>} : memref<16x1536xf32, #tpu.memory_space<vmem>>, vector<16xf32>,
      tpu.vector_store %arg9[%swap3A_623, %swap3A_624], %mul3A_622 {strides = array<i32>} : memref<16x1536xf32, #tpu.memory_space<vmem>>, vector<16xf32>,
      %get3A_626 = arith.constant 1040 : index
      %get3A_627 = tpu.vector_load %arg10[%get3A_626] {strides = array<i32>} : memref<1536xf32, #tpu.memory_space<vmem>>, vector<16xf32>,
      %mul3A_628 = arith.mulf %mul3A_237, %get3A_627 : vector<16xf32>
      %swap3A_629 = arith.index_cast %scan3A_227 : i32 to index
      %swap3A_630 = arith.constant 1040 : index
      %swap3A_631 = tpu.vector_load %arg9[%swap3A_629, %swap3A_630] {strides = array<i32>} : memref<16x1536xf32, #tpu.memory_space<vmem>>, vector<16xf32>,
      tpu.vector_store %arg9[%swap3A_629, %swap3A_630], %mul3A_628 {strides = array<i32>} : memref<16x1536xf32, #tpu.memory_space<vmem>>, vector<16xf32>,
      %get3A_632 = arith.constant 1056 : index
      %get3A_633 = tpu.vector_load %arg10[%get3A_632] {strides = array<i32>} : memref<1536xf32, #tpu.memory_space<vmem>>, vector<16xf32>,
      %mul3A_634 = arith.mulf %mul3A_237, %get3A_633 : vector<16xf32>
      %swap3A_635 = arith.index_cast %scan3A_227 : i32 to index
      %swap3A_636 = arith.constant 1056 : index
      %swap3A_637 = tpu.vector_load %arg9[%swap3A_635, %swap3A_636] {strides = array<i32>} : memref<16x1536xf32, #tpu.memory_space<vmem>>, vector<16xf32>,
      tpu.vector_store %arg9[%swap3A_635, %swap3A_636], %mul3A_634 {strides = array<i32>} : memref<16x1536xf32, #tpu.memory_space<vmem>>, vector<16xf32>,
      %get3A_638 = arith.constant 1072 : index
      %get3A_639 = tpu.vector_load %arg10[%get3A_638] {strides = array<i32>} : memref<1536xf32, #tpu.memory_space<vmem>>, vector<16xf32>,
      %mul3A_640 = arith.mulf %mul3A_237, %get3A_639 : vector<16xf32>
      %swap3A_641 = arith.index_cast %scan3A_227 : i32 to index
      %swap3A_642 = arith.constant 1072 : index
      %swap3A_643 = tpu.vector_load %arg9[%swap3A_641, %swap3A_642] {strides = array<i32>} : memref<16x1536xf32, #tpu.memory_space<vmem>>, vector<16xf32>,
      tpu.vector_store %arg9[%swap3A_641, %swap3A_642], %mul3A_640 {strides = array<i32>} : memref<16x1536xf32, #tpu.memory_space<vmem>>, vector<16xf32>,
      %get3A_644 = arith.constant 1088 : index
      %get3A_645 = tpu.vector_load %arg10[%get3A_644] {strides = array<i32>} : memref<1536xf32, #tpu.memory_space<vmem>>, vector<16xf32>,
      %mul3A_646 = arith.mulf %mul3A_237, %get3A_645 : vector<16xf32>
      %swap3A_647 = arith.index_cast %scan3A_227 : i32 to index
      %swap3A_648 = arith.constant 1088 : index
      %swap3A_649 = tpu.vector_load %arg9[%swap3A_647, %swap3A_648] {strides = array<i32>} : memref<16x1536xf32, #tpu.memory_space<vmem>>, vector<16xf32>,
      tpu.vector_store %arg9[%swap3A_647, %swap3A_648], %mul3A_646 {strides = array<i32>} : memref<16x1536xf32, #tpu.memory_space<vmem>>, vector<16xf32>,
      %get3A_650 = arith.constant 1104 : index
      %get3A_651 = tpu.vector_load %arg10[%get3A_650] {strides = array<i32>} : memref<1536xf32, #tpu.memory_space<vmem>>, vector<16xf32>,
      %mul3A_652 = arith.mulf %mul3A_237, %get3A_651 : vector<16xf32>
      %swap3A_653 = arith.index_cast %scan3A_227 : i32 to index
      %swap3A_654 = arith.constant 1104 : index
      %swap3A_655 = tpu.vector_load %arg9[%swap3A_653, %swap3A_654] {strides = array<i32>} : memref<16x1536xf32, #tpu.memory_space<vmem>>, vector<16xf32>,
      tpu.vector_store %arg9[%swap3A_653, %swap3A_654], %mul3A_652 {strides = array<i32>} : memref<16x1536xf32, #tpu.memory_space<vmem>>, vector<16xf32>,
      %get3A_656 = arith.constant 1120 : index
      %get3A_657 = tpu.vector_load %arg10[%get3A_656] {strides = array<i32>} : memref<1536xf32, #tpu.memory_space<vmem>>, vector<16xf32>,
      %mul3A_658 = arith.mulf %mul3A_237, %get3A_657 : vector<16xf32>
      %swap3A_659 = arith.index_cast %scan3A_227 : i32 to index
      %swap3A_660 = arith.constant 1120 : index
      %swap3A_661 = tpu.vector_load %arg9[%swap3A_659, %swap3A_660] {strides = array<i32>} : memref<16x1536xf32, #tpu.memory_space<vmem>>, vector<16xf32>,
      tpu.vector_store %arg9[%swap3A_659, %swap3A_660], %mul3A_658 {strides = array<i32>} : memref<16x1536xf32, #tpu.memory_space<vmem>>, vector<16xf32>,
      %get3A_662 = arith.constant 1136 : index
      %get3A_663 = tpu.vector_load %arg10[%get3A_662] {strides = array<i32>} : memref<1536xf32, #tpu.memory_space<vmem>>, vector<16xf32>,
      %mul3A_664 = arith.mulf %mul3A_237, %get3A_663 : vector<16xf32>
      %swap3A_665 = arith.index_cast %scan3A_227 : i32 to index
      %swap3A_666 = arith.constant 1136 : index
      %swap3A_667 = tpu.vector_load %arg9[%swap3A_665, %swap3A_666] {strides = array<i32>} : memref<16x1536xf32, #tpu.memory_space<vmem>>, vector<16xf32>,
      tpu.vector_store %arg9[%swap3A_665, %swap3A_666], %mul3A_664 {strides = array<i32>} : memref<16x1536xf32, #tpu.memory_space<vmem>>, vector<16xf32>,
      %get3A_668 = arith.constant 1152 : index
      %get3A_669 = tpu.vector_load %arg10[%get3A_668] {strides = array<i32>} : memref<1536xf32, #tpu.memory_space<vmem>>, vector<16xf32>,
      %mul3A_670 = arith.mulf %mul3A_237, %get3A_669 : vector<16xf32>
      %swap3A_671 = arith.index_cast %scan3A_227 : i32 to index
      %swap3A_672 = arith.constant 1152 : index
      %swap3A_673 = tpu.vector_load %arg9[%swap3A_671, %swap3A_672] {strides = array<i32>} : memref<16x1536xf32, #tpu.memory_space<vmem>>, vector<16xf32>,
      tpu.vector_store %arg9[%swap3A_671, %swap3A_672], %mul3A_670 {strides = array<i32>} : memref<16x1536xf32, #tpu.memory_space<vmem>>, vector<16xf32>,
      %get3A_674 = arith.constant 1168 : index
      %get3A_675 = tpu.vector_load %arg10[%get3A_674] {strides = array<i32>} : memref<1536xf32, #tpu.memory_space<vmem>>, vector<16xf32>,
      %mul3A_676 = arith.mulf %mul3A_237, %get3A_675 : vector<16xf32>
      %swap3A_677 = arith.index_cast %scan3A_227 : i32 to index
      %swap3A_678 = arith.constant 1168 : index
      %swap3A_679 = tpu.vector_load %arg9[%swap3A_677, %swap3A_678] {strides = array<i32>} : memref<16x1536xf32, #tpu.memory_space<vmem>>, vector<16xf32>,
      tpu.vector_store %arg9[%swap3A_677, %swap3A_678], %mul3A_676 {strides = array<i32>} : memref<16x1536xf32, #tpu.memory_space<vmem>>, vector<16xf32>,
      %get3A_680 = arith.constant 1184 : index
      %get3A_681 = tpu.vector_load %arg10[%get3A_680] {strides = array<i32>} : memref<1536xf32, #tpu.memory_space<vmem>>, vector<16xf32>,
      %mul3A_682 = arith.mulf %mul3A_237, %get3A_681 : vector<16xf32>
      %swap3A_683 = arith.index_cast %scan3A_227 : i32 to index
      %swap3A_684 = arith.constant 1184 : index
      %swap3A_685 = tpu.vector_load %arg9[%swap3A_683, %swap3A_684] {strides = array<i32>} : memref<16x1536xf32, #tpu.memory_space<vmem>>, vector<16xf32>,
      tpu.vector_store %arg9[%swap3A_683, %swap3A_684], %mul3A_682 {strides = array<i32>} : memref<16x1536xf32, #tpu.memory_space<vmem>>, vector<16xf32>,
      %get3A_686 = arith.constant 1200 : index
      %get3A_687 = tpu.vector_load %arg10[%get3A_686] {strides = array<i32>} : memref<1536xf32, #tpu.memory_space<vmem>>, vector<16xf32>,
      %mul3A_688 = arith.mulf %mul3A_237, %get3A_687 : vector<16xf32>
      %swap3A_689 = arith.index_cast %scan3A_227 : i32 to index
      %swap3A_690 = arith.constant 1200 : index
      %swap3A_691 = tpu.vector_load %arg9[%swap3A_689, %swap3A_690] {strides = array<i32>} : memref<16x1536xf32, #tpu.memory_space<vmem>>, vector<16xf32>,
      tpu.vector_store %arg9[%swap3A_689, %swap3A_690], %mul3A_688 {strides = array<i32>} : memref<16x1536xf32, #tpu.memory_space<vmem>>, vector<16xf32>,
      %get3A_692 = arith.constant 1216 : index
      %get3A_693 = tpu.vector_load %arg10[%get3A_692] {strides = array<i32>} : memref<1536xf32, #tpu.memory_space<vmem>>, vector<16xf32>,
      %mul3A_694 = arith.mulf %mul3A_237, %get3A_693 : vector<16xf32>
      %swap3A_695 = arith.index_cast %scan3A_227 : i32 to index
      %swap3A_696 = arith.constant 1216 : index
      %swap3A_697 = tpu.vector_load %arg9[%swap3A_695, %swap3A_696] {strides = array<i32>} : memref<16x1536xf32, #tpu.memory_space<vmem>>, vector<16xf32>,
      tpu.vector_store %arg9[%swap3A_695, %swap3A_696], %mul3A_694 {strides = array<i32>} : memref<16x1536xf32, #tpu.memory_space<vmem>>, vector<16xf32>,
      %get3A_698 = arith.constant 1232 : index
      %get3A_699 = tpu.vector_load %arg10[%get3A_698] {strides = array<i32>} : memref<1536xf32, #tpu.memory_space<vmem>>, vector<16xf32>,
      %mul3A_700 = arith.mulf %mul3A_237, %get3A_699 : vector<16xf32>
      %swap3A_701 = arith.index_cast %scan3A_227 : i32 to index
      %swap3A_702 = arith.constant 1232 : index
      %swap3A_703 = tpu.vector_load %arg9[%swap3A_701, %swap3A_702] {strides = array<i32>} : memref<16x1536xf32, #tpu.memory_space<vmem>>, vector<16xf32>,
      tpu.vector_store %arg9[%swap3A_701, %swap3A_702], %mul3A_700 {strides = array<i32>} : memref<16x1536xf32, #tpu.memory_space<vmem>>, vector<16xf32>,
      %get3A_704 = arith.constant 1248 : index
      %get3A_705 = tpu.vector_load %arg10[%get3A_704] {strides = array<i32>} : memref<1536xf32, #tpu.memory_space<vmem>>, vector<16xf32>,
      %mul3A_706 = arith.mulf %mul3A_237, %get3A_705 : vector<16xf32>
      %swap3A_707 = arith.index_cast %scan3A_227 : i32 to index
      %swap3A_708 = arith.constant 1248 : index
      %swap3A_709 = tpu.vector_load %arg9[%swap3A_707, %swap3A_708] {strides = array<i32>} : memref<16x1536xf32, #tpu.memory_space<vmem>>, vector<16xf32>,
      tpu.vector_store %arg9[%swap3A_707, %swap3A_708], %mul3A_706 {strides = array<i32>} : memref<16x1536xf32, #tpu.memory_space<vmem>>, vector<16xf32>,
      %get3A_710 = arith.constant 1264 : index
      %get3A_711 = tpu.vector_load %arg10[%get3A_710] {strides = array<i32>} : memref<1536xf32, #tpu.memory_space<vmem>>, vector<16xf32>,
      %mul3A_712 = arith.mulf %mul3A_237, %get3A_711 : vector<16xf32>
      %swap3A_713 = arith.index_cast %scan3A_227 : i32 to index
      %swap3A_714 = arith.constant 1264 : index
      %swap3A_715 = tpu.vector_load %arg9[%swap3A_713, %swap3A_714] {strides = array<i32>} : memref<16x1536xf32, #tpu.memory_space<vmem>>, vector<16xf32>,
      tpu.vector_store %arg9[%swap3A_713, %swap3A_714], %mul3A_712 {strides = array<i32>} : memref<16x1536xf32, #tpu.memory_space<vmem>>, vector<16xf32>,
      %get3A_716 = arith.constant 1280 : index
      %get3A_717 = tpu.vector_load %arg10[%get3A_716] {strides = array<i32>} : memref<1536xf32, #tpu.memory_space<vmem>>, vector<16xf32>,
      %mul3A_718 = arith.mulf %mul3A_237, %get3A_717 : vector<16xf32>
      %swap3A_719 = arith.index_cast %scan3A_227 : i32 to index
      %swap3A_720 = arith.constant 1280 : index
      %swap3A_721 = tpu.vector_load %arg9[%swap3A_719, %swap3A_720] {strides = array<i32>} : memref<16x1536xf32, #tpu.memory_space<vmem>>, vector<16xf32>,
      tpu.vector_store %arg9[%swap3A_719, %swap3A_720], %mul3A_718 {strides = array<i32>} : memref<16x1536xf32, #tpu.memory_space<vmem>>, vector<16xf32>,
      %get3A_722 = arith.constant 1296 : index
      %get3A_723 = tpu.vector_load %arg10[%get3A_722] {strides = array<i32>} : memref<1536xf32, #tpu.memory_space<vmem>>, vector<16xf32>,
      %mul3A_724 = arith.mulf %mul3A_237, %get3A_723 : vector<16xf32>
      %swap3A_725 = arith.index_cast %scan3A_227 : i32 to index
      %swap3A_726 = arith.constant 1296 : index
      %swap3A_727 = tpu.vector_load %arg9[%swap3A_725, %swap3A_726] {strides = array<i32>} : memref<16x1536xf32, #tpu.memory_space<vmem>>, vector<16xf32>,
      tpu.vector_store %arg9[%swap3A_725, %swap3A_726], %mul3A_724 {strides = array<i32>} : memref<16x1536xf32, #tpu.memory_space<vmem>>, vector<16xf32>,
      %get3A_728 = arith.constant 1312 : index
      %get3A_729 = tpu.vector_load %arg10[%get3A_728] {strides = array<i32>} : memref<1536xf32, #tpu.memory_space<vmem>>, vector<16xf32>,
      %mul3A_730 = arith.mulf %mul3A_237, %get3A_729 : vector<16xf32>
      %swap3A_731 = arith.index_cast %scan3A_227 : i32 to index
      %swap3A_732 = arith.constant 1312 : index
      %swap3A_733 = tpu.vector_load %arg9[%swap3A_731, %swap3A_732] {strides = array<i32>} : memref<16x1536xf32, #tpu.memory_space<vmem>>, vector<16xf32>,
      tpu.vector_store %arg9[%swap3A_731, %swap3A_732], %mul3A_730 {strides = array<i32>} : memref<16x1536xf32, #tpu.memory_space<vmem>>, vector<16xf32>,
      %get3A_734 = arith.constant 1328 : index
      %get3A_735 = tpu.vector_load %arg10[%get3A_734] {strides = array<i32>} : memref<1536xf32, #tpu.memory_space<vmem>>, vector<16xf32>,
      %mul3A_736 = arith.mulf %mul3A_237, %get3A_735 : vector<16xf32>
      %swap3A_737 = arith.index_cast %scan3A_227 : i32 to index
      %swap3A_738 = arith.constant 1328 : index
      %swap3A_739 = tpu.vector_load %arg9[%swap3A_737, %swap3A_738] {strides = array<i32>} : memref<16x1536xf32, #tpu.memory_space<vmem>>, vector<16xf32>,
      tpu.vector_store %arg9[%swap3A_737, %swap3A_738], %mul3A_736 {strides = array<i32>} : memref<16x1536xf32, #tpu.memory_space<vmem>>, vector<16xf32>,
      %get3A_740 = arith.constant 1344 : index
      %get3A_741 = tpu.vector_load %arg10[%get3A_740] {strides = array<i32>} : memref<1536xf32, #tpu.memory_space<vmem>>, vector<16xf32>,
      %mul3A_742 = arith.mulf %mul3A_237, %get3A_741 : vector<16xf32>
      %swap3A_743 = arith.index_cast %scan3A_227 : i32 to index
      %swap3A_744 = arith.constant 1344 : index
      %swap3A_745 = tpu.vector_load %arg9[%swap3A_743, %swap3A_744] {strides = array<i32>} : memref<16x1536xf32, #tpu.memory_space<vmem>>, vector<16xf32>,
      tpu.vector_store %arg9[%swap3A_743, %swap3A_744], %mul3A_742 {strides = array<i32>} : memref<16x1536xf32, #tpu.memory_space<vmem>>, vector<16xf32>,
      %get3A_746 = arith.constant 1360 : index
      %get3A_747 = tpu.vector_load %arg10[%get3A_746] {strides = array<i32>} : memref<1536xf32, #tpu.memory_space<vmem>>, vector<16xf32>,
      %mul3A_748 = arith.mulf %mul3A_237, %get3A_747 : vector<16xf32>
      %swap3A_749 = arith.index_cast %scan3A_227 : i32 to index
      %swap3A_750 = arith.constant 1360 : index
      %swap3A_751 = tpu.vector_load %arg9[%swap3A_749, %swap3A_750] {strides = array<i32>} : memref<16x1536xf32, #tpu.memory_space<vmem>>, vector<16xf32>,
      tpu.vector_store %arg9[%swap3A_749, %swap3A_750], %mul3A_748 {strides = array<i32>} : memref<16x1536xf32, #tpu.memory_space<vmem>>, vector<16xf32>,
      %get3A_752 = arith.constant 1376 : index
      %get3A_753 = tpu.vector_load %arg10[%get3A_752] {strides = array<i32>} : memref<1536xf32, #tpu.memory_space<vmem>>, vector<16xf32>,
      %mul3A_754 = arith.mulf %mul3A_237, %get3A_753 : vector<16xf32>
      %swap3A_755 = arith.index_cast %scan3A_227 : i32 to index
      %swap3A_756 = arith.constant 1376 : index
      %swap3A_757 = tpu.vector_load %arg9[%swap3A_755, %swap3A_756] {strides = array<i32>} : memref<16x1536xf32, #tpu.memory_space<vmem>>, vector<16xf32>,
      tpu.vector_store %arg9[%swap3A_755, %swap3A_756], %mul3A_754 {strides = array<i32>} : memref<16x1536xf32, #tpu.memory_space<vmem>>, vector<16xf32>,
      %get3A_758 = arith.constant 1392 : index
      %get3A_759 = tpu.vector_load %arg10[%get3A_758] {strides = array<i32>} : memref<1536xf32, #tpu.memory_space<vmem>>, vector<16xf32>,
      %mul3A_760 = arith.mulf %mul3A_237, %get3A_759 : vector<16xf32>
      %swap3A_761 = arith.index_cast %scan3A_227 : i32 to index
      %swap3A_762 = arith.constant 1392 : index
      %swap3A_763 = tpu.vector_load %arg9[%swap3A_761, %swap3A_762] {strides = array<i32>} : memref<16x1536xf32, #tpu.memory_space<vmem>>, vector<16xf32>,
      tpu.vector_store %arg9[%swap3A_761, %swap3A_762], %mul3A_760 {strides = array<i32>} : memref<16x1536xf32, #tpu.memory_space<vmem>>, vector<16xf32>,
      %get3A_764 = arith.constant 1408 : index
      %get3A_765 = tpu.vector_load %arg10[%get3A_764] {strides = array<i32>} : memref<1536xf32, #tpu.memory_space<vmem>>, vector<16xf32>,
      %mul3A_766 = arith.mulf %mul3A_237, %get3A_765 : vector<16xf32>
      %swap3A_767 = arith.index_cast %scan3A_227 : i32 to index
      %swap3A_768 = arith.constant 1408 : index
      %swap3A_769 = tpu.vector_load %arg9[%swap3A_767, %swap3A_768] {strides = array<i32>} : memref<16x1536xf32, #tpu.memory_space<vmem>>, vector<16xf32>,
      tpu.vector_store %arg9[%swap3A_767, %swap3A_768], %mul3A_766 {strides = array<i32>} : memref<16x1536xf32, #tpu.memory_space<vmem>>, vector<16xf32>,
      %get3A_770 = arith.constant 1424 : index
      %get3A_771 = tpu.vector_load %arg10[%get3A_770] {strides = array<i32>} : memref<1536xf32, #tpu.memory_space<vmem>>, vector<16xf32>,
      %mul3A_772 = arith.mulf %mul3A_237, %get3A_771 : vector<16xf32>
      %swap3A_773 = arith.index_cast %scan3A_227 : i32 to index
      %swap3A_774 = arith.constant 1424 : index
      %swap3A_775 = tpu.vector_load %arg9[%swap3A_773, %swap3A_774] {strides = array<i32>} : memref<16x1536xf32, #tpu.memory_space<vmem>>, vector<16xf32>,
      tpu.vector_store %arg9[%swap3A_773, %swap3A_774], %mul3A_772 {strides = array<i32>} : memref<16x1536xf32, #tpu.memory_space<vmem>>, vector<16xf32>,
      %get3A_776 = arith.constant 1440 : index
      %get3A_777 = tpu.vector_load %arg10[%get3A_776] {strides = array<i32>} : memref<1536xf32, #tpu.memory_space<vmem>>, vector<16xf32>,
      %mul3A_778 = arith.mulf %mul3A_237, %get3A_777 : vector<16xf32>
      %swap3A_779 = arith.index_cast %scan3A_227 : i32 to index
      %swap3A_780 = arith.constant 1440 : index
      %swap3A_781 = tpu.vector_load %arg9[%swap3A_779, %swap3A_780] {strides = array<i32>} : memref<16x1536xf32, #tpu.memory_space<vmem>>, vector<16xf32>,
      tpu.vector_store %arg9[%swap3A_779, %swap3A_780], %mul3A_778 {strides = array<i32>} : memref<16x1536xf32, #tpu.memory_space<vmem>>, vector<16xf32>,
      %get3A_782 = arith.constant 1456 : index
      %get3A_783 = tpu.vector_load %arg10[%get3A_782] {strides = array<i32>} : memref<1536xf32, #tpu.memory_space<vmem>>, vector<16xf32>,
      %mul3A_784 = arith.mulf %mul3A_237, %get3A_783 : vector<16xf32>
      %swap3A_785 = arith.index_cast %scan3A_227 : i32 to index
      %swap3A_786 = arith.constant 1456 : index
      %swap3A_787 = tpu.vector_load %arg9[%swap3A_785, %swap3A_786] {strides = array<i32>} : memref<16x1536xf32, #tpu.memory_space<vmem>>, vector<16xf32>,
      tpu.vector_store %arg9[%swap3A_785, %swap3A_786], %mul3A_784 {strides = array<i32>} : memref<16x1536xf32, #tpu.memory_space<vmem>>, vector<16xf32>,
      %get3A_788 = arith.constant 1472 : index
      %get3A_789 = tpu.vector_load %arg10[%get3A_788] {strides = array<i32>} : memref<1536xf32, #tpu.memory_space<vmem>>, vector<16xf32>,
      %mul3A_790 = arith.mulf %mul3A_237, %get3A_789 : vector<16xf32>
      %swap3A_791 = arith.index_cast %scan3A_227 : i32 to index
      %swap3A_792 = arith.constant 1472 : index
      %swap3A_793 = tpu.vector_load %arg9[%swap3A_791, %swap3A_792] {strides = array<i32>} : memref<16x1536xf32, #tpu.memory_space<vmem>>, vector<16xf32>,
      tpu.vector_store %arg9[%swap3A_791, %swap3A_792], %mul3A_790 {strides = array<i32>} : memref<16x1536xf32, #tpu.memory_space<vmem>>, vector<16xf32>,
      %get3A_794 = arith.constant 1488 : index
      %get3A_795 = tpu.vector_load %arg10[%get3A_794] {strides = array<i32>} : memref<1536xf32, #tpu.memory_space<vmem>>, vector<16xf32>,
      %mul3A_796 = arith.mulf %mul3A_237, %get3A_795 : vector<16xf32>
      %swap3A_797 = arith.index_cast %scan3A_227 : i32 to index
      %swap3A_798 = arith.constant 1488 : index
      %swap3A_799 = tpu.vector_load %arg9[%swap3A_797, %swap3A_798] {strides = array<i32>} : memref<16x1536xf32, #tpu.memory_space<vmem>>, vector<16xf32>,
      tpu.vector_store %arg9[%swap3A_797, %swap3A_798], %mul3A_796 {strides = array<i32>} : memref<16x1536xf32, #tpu.memory_space<vmem>>, vector<16xf32>,
      %get3A_800 = arith.constant 1504 : index
      %get3A_801 = tpu.vector_load %arg10[%get3A_800] {strides = array<i32>} : memref<1536xf32, #tpu.memory_space<vmem>>, vector<16xf32>,
      %mul3A_802 = arith.mulf %mul3A_237, %get3A_801 : vector<16xf32>
      %swap3A_803 = arith.index_cast %scan3A_227 : i32 to index
      %swap3A_804 = arith.constant 1504 : index
      %swap3A_805 = tpu.vector_load %arg9[%swap3A_803, %swap3A_804] {strides = array<i32>} : memref<16x1536xf32, #tpu.memory_space<vmem>>, vector<16xf32>,
      tpu.vector_store %arg9[%swap3A_803, %swap3A_804], %mul3A_802 {strides = array<i32>} : memref<16x1536xf32, #tpu.memory_space<vmem>>, vector<16xf32>,
      %get3A_806 = arith.constant 1520 : index
      %get3A_807 = tpu.vector_load %arg10[%get3A_806] {strides = array<i32>} : memref<1536xf32, #tpu.memory_space<vmem>>, vector<16xf32>,
      %mul3A_808 = arith.mulf %mul3A_237, %get3A_807 : vector<16xf32>
      %swap3A_809 = arith.index_cast %scan3A_227 : i32 to index
      %swap3A_810 = arith.constant 1520 : index
      %swap3A_811 = tpu.vector_load %arg9[%swap3A_809, %swap3A_810] {strides = array<i32>} : memref<16x1536xf32, #tpu.memory_space<vmem>>, vector<16xf32>,
      tpu.vector_store %arg9[%swap3A_809, %swap3A_810], %mul3A_808 {strides = array<i32>} : memref<16x1536xf32, #tpu.memory_space<vmem>>, vector<16xf32>,
      %scan3A_812 = arith.constant 0 : i32
      scf.yield %scan3A_812 : i32
    }
    %scan3A_207 = arith.constant 16 : i32
    %mul3A_208 = arith.constant 32 : i32
    %mul3A_209 = arith.muli %add3A, %mul3A_208 : i32
    %add3A_210 = arith.constant 25600 : i32
    %add3A_211 = arith.addi %add3A_210, %mul3A_209 : i32
    %add3A_212 = arith.constant 0 : i32
    %add3A_213 = arith.addi %add3A_211, %add3A_212 : i32
    "tpu.region"() ({
      %run_scoped3A = tpu.sem_alloc : memref<!tpu.dma_semaphore, #tpu.memory_space<semaphore_mem>>
      %dma_start3A_227 = arith.constant 0 : i32
      %dma_start3A_228 = tpu.memref_slice %arg6[%add3A_213, %dma_start3A_227] : memref<26624x1536xf32, #tpu.memory_space<hbm>> -> memref<16x1536xf32, #tpu.memory_space<hbm>>
      %dma_start3A_229 = arith.constant 0 : i32
      %dma_start3A_230 = tpu.memref_slice %arg6[%add3A_213, %dma_start3A_229] : memref<26624x1536xf32, #tpu.memory_space<hbm>> -> memref<16x1536xf32, #tpu.memory_space<hbm>>
      tpu.enqueue_dma source(%arg9 : memref<16x1536xf32, #tpu.memory_space<vmem>>) target(%dma_start3A_230 : memref<16x1536xf32, #tpu.memory_space<hbm>>) target_semaphore(%run_scoped3A : memref<!tpu.dma_semaphore, #tpu.memory_space<semaphore_mem>>)
      %dma_wait3A_231 = arith.constant 0 : i32
      %dma_wait3A_232 = tpu.memref_slice %arg6[%add3A_213, %dma_wait3A_231] : memref<26624x1536xf32, #tpu.memory_space<hbm>> -> memref<16x1536xf32, #tpu.memory_space<hbm>>
      %dma_wait3A_233 = arith.constant 0 : i32
      %dma_wait3A_234 = tpu.memref_slice %arg6[%add3A_213, %dma_wait3A_233] : memref<26624x1536xf32, #tpu.memory_space<hbm>> -> memref<16x1536xf32, #tpu.memory_space<hbm>>
      tpu.wait_dma2 semaphore(%run_scoped3A : memref<!tpu.dma_semaphore, #tpu.memory_space<semaphore_mem>>) src(%arg9 : memref<16x1536xf32, #tpu.memory_space<vmem>>) dst(%dma_wait3A_234 : memref<16x1536xf32, #tpu.memory_space<hbm>>)
      tpu.yield
    }) : () -> ()
    %scan3A_214 = arith.constant 0 : i32
    %scan3A_215 = arith.constant 0 : i32
    %scan3A_216 = arith.constant 16 : i32
    %scan3A_217 = arith.addi %scan3A_215, %scan3A_216 : i32
    %scan3A_218 = arith.constant 1 : i32
    %scan3A_219 = scf.for %scan3A_227 = %scan3A_215 to %scan3A_217 step %scan3A_218 iter_args(%scan3A_228 = %scan3A_214) -> (i32)  : i32 {
      %mul3A_229 = arith.constant 32 : i32
      %mul3A_230 = arith.muli %add3A, %mul3A_229 : i32
      %add3A_231 = arith.constant 16 : i32
      %add3A_232 = arith.addi %mul3A_230, %add3A_231 : i32
      %add3A_233 = arith.addi %add3A_232, %scan3A_227 : i32
      %broadcast_in_dim3A_234 = vector.broadcast %add3A_233 : i32 to vector<16xi32>
      %gather3A_235 = tpu.vector_load_idx %arg11[%broadcast_in_dim3A_234] : memref<1024xf32, #tpu.memory_space<vmem>>[vector<16xi32>], vector<16xf32>,
      %sub3A_236 = arith.subf %gather3A_235, %mul3A_123 : vector<16xf32>
      %mul3A_237 = arith.mulf %sub3A_236, %mul3A_200 : vector<16xf32>
      %get3A = arith.constant 0 : index
      %get3A_238 = tpu.vector_load %arg10[%get3A] {strides = array<i32>} : memref<1536xf32, #tpu.memory_space<vmem>>, vector<16xf32>,
      %mul3A_239 = arith.mulf %mul3A_237, %get3A_238 : vector<16xf32>
      %swap3A = arith.index_cast %scan3A_227 : i32 to index
      %swap3A_240 = arith.constant 0 : index
      %swap3A_241 = tpu.vector_load %arg9[%swap3A, %swap3A_240] {strides = array<i32>} : memref<16x1536xf32, #tpu.memory_space<vmem>>, vector<16xf32>,
      tpu.vector_store %arg9[%swap3A, %swap3A_240], %mul3A_239 {strides = array<i32>} : memref<16x1536xf32, #tpu.memory_space<vmem>>, vector<16xf32>,
      %get3A_242 = arith.constant 16 : index
      %get3A_243 = tpu.vector_load %arg10[%get3A_242] {strides = array<i32>} : memref<1536xf32, #tpu.memory_space<vmem>>, vector<16xf32>,
      %mul3A_244 = arith.mulf %mul3A_237, %get3A_243 : vector<16xf32>
      %swap3A_245 = arith.index_cast %scan3A_227 : i32 to index
      %swap3A_246 = arith.constant 16 : index
      %swap3A_247 = tpu.vector_load %arg9[%swap3A_245, %swap3A_246] {strides = array<i32>} : memref<16x1536xf32, #tpu.memory_space<vmem>>, vector<16xf32>,
      tpu.vector_store %arg9[%swap3A_245, %swap3A_246], %mul3A_244 {strides = array<i32>} : memref<16x1536xf32, #tpu.memory_space<vmem>>, vector<16xf32>,
      %get3A_248 = arith.constant 32 : index
      %get3A_249 = tpu.vector_load %arg10[%get3A_248] {strides = array<i32>} : memref<1536xf32, #tpu.memory_space<vmem>>, vector<16xf32>,
      %mul3A_250 = arith.mulf %mul3A_237, %get3A_249 : vector<16xf32>
      %swap3A_251 = arith.index_cast %scan3A_227 : i32 to index
      %swap3A_252 = arith.constant 32 : index
      %swap3A_253 = tpu.vector_load %arg9[%swap3A_251, %swap3A_252] {strides = array<i32>} : memref<16x1536xf32, #tpu.memory_space<vmem>>, vector<16xf32>,
      tpu.vector_store %arg9[%swap3A_251, %swap3A_252], %mul3A_250 {strides = array<i32>} : memref<16x1536xf32, #tpu.memory_space<vmem>>, vector<16xf32>,
      %get3A_254 = arith.constant 48 : index
      %get3A_255 = tpu.vector_load %arg10[%get3A_254] {strides = array<i32>} : memref<1536xf32, #tpu.memory_space<vmem>>, vector<16xf32>,
      %mul3A_256 = arith.mulf %mul3A_237, %get3A_255 : vector<16xf32>
      %swap3A_257 = arith.index_cast %scan3A_227 : i32 to index
      %swap3A_258 = arith.constant 48 : index
      %swap3A_259 = tpu.vector_load %arg9[%swap3A_257, %swap3A_258] {strides = array<i32>} : memref<16x1536xf32, #tpu.memory_space<vmem>>, vector<16xf32>,
      tpu.vector_store %arg9[%swap3A_257, %swap3A_258], %mul3A_256 {strides = array<i32>} : memref<16x1536xf32, #tpu.memory_space<vmem>>, vector<16xf32>,
      %get3A_260 = arith.constant 64 : index
      %get3A_261 = tpu.vector_load %arg10[%get3A_260] {strides = array<i32>} : memref<1536xf32, #tpu.memory_space<vmem>>, vector<16xf32>,
      %mul3A_262 = arith.mulf %mul3A_237, %get3A_261 : vector<16xf32>
      %swap3A_263 = arith.index_cast %scan3A_227 : i32 to index
      %swap3A_264 = arith.constant 64 : index
      %swap3A_265 = tpu.vector_load %arg9[%swap3A_263, %swap3A_264] {strides = array<i32>} : memref<16x1536xf32, #tpu.memory_space<vmem>>, vector<16xf32>,
      tpu.vector_store %arg9[%swap3A_263, %swap3A_264], %mul3A_262 {strides = array<i32>} : memref<16x1536xf32, #tpu.memory_space<vmem>>, vector<16xf32>,
      %get3A_266 = arith.constant 80 : index
      %get3A_267 = tpu.vector_load %arg10[%get3A_266] {strides = array<i32>} : memref<1536xf32, #tpu.memory_space<vmem>>, vector<16xf32>,
      %mul3A_268 = arith.mulf %mul3A_237, %get3A_267 : vector<16xf32>
      %swap3A_269 = arith.index_cast %scan3A_227 : i32 to index
      %swap3A_270 = arith.constant 80 : index
      %swap3A_271 = tpu.vector_load %arg9[%swap3A_269, %swap3A_270] {strides = array<i32>} : memref<16x1536xf32, #tpu.memory_space<vmem>>, vector<16xf32>,
      tpu.vector_store %arg9[%swap3A_269, %swap3A_270], %mul3A_268 {strides = array<i32>} : memref<16x1536xf32, #tpu.memory_space<vmem>>, vector<16xf32>,
      %get3A_272 = arith.constant 96 : index
      %get3A_273 = tpu.vector_load %arg10[%get3A_272] {strides = array<i32>} : memref<1536xf32, #tpu.memory_space<vmem>>, vector<16xf32>,
      %mul3A_274 = arith.mulf %mul3A_237, %get3A_273 : vector<16xf32>
      %swap3A_275 = arith.index_cast %scan3A_227 : i32 to index
      %swap3A_276 = arith.constant 96 : index
      %swap3A_277 = tpu.vector_load %arg9[%swap3A_275, %swap3A_276] {strides = array<i32>} : memref<16x1536xf32, #tpu.memory_space<vmem>>, vector<16xf32>,
      tpu.vector_store %arg9[%swap3A_275, %swap3A_276], %mul3A_274 {strides = array<i32>} : memref<16x1536xf32, #tpu.memory_space<vmem>>, vector<16xf32>,
      %get3A_278 = arith.constant 112 : index
      %get3A_279 = tpu.vector_load %arg10[%get3A_278] {strides = array<i32>} : memref<1536xf32, #tpu.memory_space<vmem>>, vector<16xf32>,
      %mul3A_280 = arith.mulf %mul3A_237, %get3A_279 : vector<16xf32>
      %swap3A_281 = arith.index_cast %scan3A_227 : i32 to index
      %swap3A_282 = arith.constant 112 : index
      %swap3A_283 = tpu.vector_load %arg9[%swap3A_281, %swap3A_282] {strides = array<i32>} : memref<16x1536xf32, #tpu.memory_space<vmem>>, vector<16xf32>,
      tpu.vector_store %arg9[%swap3A_281, %swap3A_282], %mul3A_280 {strides = array<i32>} : memref<16x1536xf32, #tpu.memory_space<vmem>>, vector<16xf32>,
      %get3A_284 = arith.constant 128 : index
      %get3A_285 = tpu.vector_load %arg10[%get3A_284] {strides = array<i32>} : memref<1536xf32, #tpu.memory_space<vmem>>, vector<16xf32>,
      %mul3A_286 = arith.mulf %mul3A_237, %get3A_285 : vector<16xf32>
      %swap3A_287 = arith.index_cast %scan3A_227 : i32 to index
      %swap3A_288 = arith.constant 128 : index
      %swap3A_289 = tpu.vector_load %arg9[%swap3A_287, %swap3A_288] {strides = array<i32>} : memref<16x1536xf32, #tpu.memory_space<vmem>>, vector<16xf32>,
      tpu.vector_store %arg9[%swap3A_287, %swap3A_288], %mul3A_286 {strides = array<i32>} : memref<16x1536xf32, #tpu.memory_space<vmem>>, vector<16xf32>,
      %get3A_290 = arith.constant 144 : index
      %get3A_291 = tpu.vector_load %arg10[%get3A_290] {strides = array<i32>} : memref<1536xf32, #tpu.memory_space<vmem>>, vector<16xf32>,
      %mul3A_292 = arith.mulf %mul3A_237, %get3A_291 : vector<16xf32>
      %swap3A_293 = arith.index_cast %scan3A_227 : i32 to index
      %swap3A_294 = arith.constant 144 : index
      %swap3A_295 = tpu.vector_load %arg9[%swap3A_293, %swap3A_294] {strides = array<i32>} : memref<16x1536xf32, #tpu.memory_space<vmem>>, vector<16xf32>,
      tpu.vector_store %arg9[%swap3A_293, %swap3A_294], %mul3A_292 {strides = array<i32>} : memref<16x1536xf32, #tpu.memory_space<vmem>>, vector<16xf32>,
      %get3A_296 = arith.constant 160 : index
      %get3A_297 = tpu.vector_load %arg10[%get3A_296] {strides = array<i32>} : memref<1536xf32, #tpu.memory_space<vmem>>, vector<16xf32>,
      %mul3A_298 = arith.mulf %mul3A_237, %get3A_297 : vector<16xf32>
      %swap3A_299 = arith.index_cast %scan3A_227 : i32 to index
      %swap3A_300 = arith.constant 160 : index
      %swap3A_301 = tpu.vector_load %arg9[%swap3A_299, %swap3A_300] {strides = array<i32>} : memref<16x1536xf32, #tpu.memory_space<vmem>>, vector<16xf32>,
      tpu.vector_store %arg9[%swap3A_299, %swap3A_300], %mul3A_298 {strides = array<i32>} : memref<16x1536xf32, #tpu.memory_space<vmem>>, vector<16xf32>,
      %get3A_302 = arith.constant 176 : index
      %get3A_303 = tpu.vector_load %arg10[%get3A_302] {strides = array<i32>} : memref<1536xf32, #tpu.memory_space<vmem>>, vector<16xf32>,
      %mul3A_304 = arith.mulf %mul3A_237, %get3A_303 : vector<16xf32>
      %swap3A_305 = arith.index_cast %scan3A_227 : i32 to index
      %swap3A_306 = arith.constant 176 : index
      %swap3A_307 = tpu.vector_load %arg9[%swap3A_305, %swap3A_306] {strides = array<i32>} : memref<16x1536xf32, #tpu.memory_space<vmem>>, vector<16xf32>,
      tpu.vector_store %arg9[%swap3A_305, %swap3A_306], %mul3A_304 {strides = array<i32>} : memref<16x1536xf32, #tpu.memory_space<vmem>>, vector<16xf32>,
      %get3A_308 = arith.constant 192 : index
      %get3A_309 = tpu.vector_load %arg10[%get3A_308] {strides = array<i32>} : memref<1536xf32, #tpu.memory_space<vmem>>, vector<16xf32>,
      %mul3A_310 = arith.mulf %mul3A_237, %get3A_309 : vector<16xf32>
      %swap3A_311 = arith.index_cast %scan3A_227 : i32 to index
      %swap3A_312 = arith.constant 192 : index
      %swap3A_313 = tpu.vector_load %arg9[%swap3A_311, %swap3A_312] {strides = array<i32>} : memref<16x1536xf32, #tpu.memory_space<vmem>>, vector<16xf32>,
      tpu.vector_store %arg9[%swap3A_311, %swap3A_312], %mul3A_310 {strides = array<i32>} : memref<16x1536xf32, #tpu.memory_space<vmem>>, vector<16xf32>,
      %get3A_314 = arith.constant 208 : index
      %get3A_315 = tpu.vector_load %arg10[%get3A_314] {strides = array<i32>} : memref<1536xf32, #tpu.memory_space<vmem>>, vector<16xf32>,
      %mul3A_316 = arith.mulf %mul3A_237, %get3A_315 : vector<16xf32>
      %swap3A_317 = arith.index_cast %scan3A_227 : i32 to index
      %swap3A_318 = arith.constant 208 : index
      %swap3A_319 = tpu.vector_load %arg9[%swap3A_317, %swap3A_318] {strides = array<i32>} : memref<16x1536xf32, #tpu.memory_space<vmem>>, vector<16xf32>,
      tpu.vector_store %arg9[%swap3A_317, %swap3A_318], %mul3A_316 {strides = array<i32>} : memref<16x1536xf32, #tpu.memory_space<vmem>>, vector<16xf32>,
      %get3A_320 = arith.constant 224 : index
      %get3A_321 = tpu.vector_load %arg10[%get3A_320] {strides = array<i32>} : memref<1536xf32, #tpu.memory_space<vmem>>, vector<16xf32>,
      %mul3A_322 = arith.mulf %mul3A_237, %get3A_321 : vector<16xf32>
      %swap3A_323 = arith.index_cast %scan3A_227 : i32 to index
      %swap3A_324 = arith.constant 224 : index
      %swap3A_325 = tpu.vector_load %arg9[%swap3A_323, %swap3A_324] {strides = array<i32>} : memref<16x1536xf32, #tpu.memory_space<vmem>>, vector<16xf32>,
      tpu.vector_store %arg9[%swap3A_323, %swap3A_324], %mul3A_322 {strides = array<i32>} : memref<16x1536xf32, #tpu.memory_space<vmem>>, vector<16xf32>,
      %get3A_326 = arith.constant 240 : index
      %get3A_327 = tpu.vector_load %arg10[%get3A_326] {strides = array<i32>} : memref<1536xf32, #tpu.memory_space<vmem>>, vector<16xf32>,
      %mul3A_328 = arith.mulf %mul3A_237, %get3A_327 : vector<16xf32>
      %swap3A_329 = arith.index_cast %scan3A_227 : i32 to index
      %swap3A_330 = arith.constant 240 : index
      %swap3A_331 = tpu.vector_load %arg9[%swap3A_329, %swap3A_330] {strides = array<i32>} : memref<16x1536xf32, #tpu.memory_space<vmem>>, vector<16xf32>,
      tpu.vector_store %arg9[%swap3A_329, %swap3A_330], %mul3A_328 {strides = array<i32>} : memref<16x1536xf32, #tpu.memory_space<vmem>>, vector<16xf32>,
      %get3A_332 = arith.constant 256 : index
      %get3A_333 = tpu.vector_load %arg10[%get3A_332] {strides = array<i32>} : memref<1536xf32, #tpu.memory_space<vmem>>, vector<16xf32>,
      %mul3A_334 = arith.mulf %mul3A_237, %get3A_333 : vector<16xf32>
      %swap3A_335 = arith.index_cast %scan3A_227 : i32 to index
      %swap3A_336 = arith.constant 256 : index
      %swap3A_337 = tpu.vector_load %arg9[%swap3A_335, %swap3A_336] {strides = array<i32>} : memref<16x1536xf32, #tpu.memory_space<vmem>>, vector<16xf32>,
      tpu.vector_store %arg9[%swap3A_335, %swap3A_336], %mul3A_334 {strides = array<i32>} : memref<16x1536xf32, #tpu.memory_space<vmem>>, vector<16xf32>,
      %get3A_338 = arith.constant 272 : index
      %get3A_339 = tpu.vector_load %arg10[%get3A_338] {strides = array<i32>} : memref<1536xf32, #tpu.memory_space<vmem>>, vector<16xf32>,
      %mul3A_340 = arith.mulf %mul3A_237, %get3A_339 : vector<16xf32>
      %swap3A_341 = arith.index_cast %scan3A_227 : i32 to index
      %swap3A_342 = arith.constant 272 : index
      %swap3A_343 = tpu.vector_load %arg9[%swap3A_341, %swap3A_342] {strides = array<i32>} : memref<16x1536xf32, #tpu.memory_space<vmem>>, vector<16xf32>,
      tpu.vector_store %arg9[%swap3A_341, %swap3A_342], %mul3A_340 {strides = array<i32>} : memref<16x1536xf32, #tpu.memory_space<vmem>>, vector<16xf32>,
      %get3A_344 = arith.constant 288 : index
      %get3A_345 = tpu.vector_load %arg10[%get3A_344] {strides = array<i32>} : memref<1536xf32, #tpu.memory_space<vmem>>, vector<16xf32>,
      %mul3A_346 = arith.mulf %mul3A_237, %get3A_345 : vector<16xf32>
      %swap3A_347 = arith.index_cast %scan3A_227 : i32 to index
      %swap3A_348 = arith.constant 288 : index
      %swap3A_349 = tpu.vector_load %arg9[%swap3A_347, %swap3A_348] {strides = array<i32>} : memref<16x1536xf32, #tpu.memory_space<vmem>>, vector<16xf32>,
      tpu.vector_store %arg9[%swap3A_347, %swap3A_348], %mul3A_346 {strides = array<i32>} : memref<16x1536xf32, #tpu.memory_space<vmem>>, vector<16xf32>,
      %get3A_350 = arith.constant 304 : index
      %get3A_351 = tpu.vector_load %arg10[%get3A_350] {strides = array<i32>} : memref<1536xf32, #tpu.memory_space<vmem>>, vector<16xf32>,
      %mul3A_352 = arith.mulf %mul3A_237, %get3A_351 : vector<16xf32>
      %swap3A_353 = arith.index_cast %scan3A_227 : i32 to index
      %swap3A_354 = arith.constant 304 : index
      %swap3A_355 = tpu.vector_load %arg9[%swap3A_353, %swap3A_354] {strides = array<i32>} : memref<16x1536xf32, #tpu.memory_space<vmem>>, vector<16xf32>,
      tpu.vector_store %arg9[%swap3A_353, %swap3A_354], %mul3A_352 {strides = array<i32>} : memref<16x1536xf32, #tpu.memory_space<vmem>>, vector<16xf32>,
      %get3A_356 = arith.constant 320 : index
      %get3A_357 = tpu.vector_load %arg10[%get3A_356] {strides = array<i32>} : memref<1536xf32, #tpu.memory_space<vmem>>, vector<16xf32>,
      %mul3A_358 = arith.mulf %mul3A_237, %get3A_357 : vector<16xf32>
      %swap3A_359 = arith.index_cast %scan3A_227 : i32 to index
      %swap3A_360 = arith.constant 320 : index
      %swap3A_361 = tpu.vector_load %arg9[%swap3A_359, %swap3A_360] {strides = array<i32>} : memref<16x1536xf32, #tpu.memory_space<vmem>>, vector<16xf32>,
      tpu.vector_store %arg9[%swap3A_359, %swap3A_360], %mul3A_358 {strides = array<i32>} : memref<16x1536xf32, #tpu.memory_space<vmem>>, vector<16xf32>,
      %get3A_362 = arith.constant 336 : index
      %get3A_363 = tpu.vector_load %arg10[%get3A_362] {strides = array<i32>} : memref<1536xf32, #tpu.memory_space<vmem>>, vector<16xf32>,
      %mul3A_364 = arith.mulf %mul3A_237, %get3A_363 : vector<16xf32>
      %swap3A_365 = arith.index_cast %scan3A_227 : i32 to index
      %swap3A_366 = arith.constant 336 : index
      %swap3A_367 = tpu.vector_load %arg9[%swap3A_365, %swap3A_366] {strides = array<i32>} : memref<16x1536xf32, #tpu.memory_space<vmem>>, vector<16xf32>,
      tpu.vector_store %arg9[%swap3A_365, %swap3A_366], %mul3A_364 {strides = array<i32>} : memref<16x1536xf32, #tpu.memory_space<vmem>>, vector<16xf32>,
      %get3A_368 = arith.constant 352 : index
      %get3A_369 = tpu.vector_load %arg10[%get3A_368] {strides = array<i32>} : memref<1536xf32, #tpu.memory_space<vmem>>, vector<16xf32>,
      %mul3A_370 = arith.mulf %mul3A_237, %get3A_369 : vector<16xf32>
      %swap3A_371 = arith.index_cast %scan3A_227 : i32 to index
      %swap3A_372 = arith.constant 352 : index
      %swap3A_373 = tpu.vector_load %arg9[%swap3A_371, %swap3A_372] {strides = array<i32>} : memref<16x1536xf32, #tpu.memory_space<vmem>>, vector<16xf32>,
      tpu.vector_store %arg9[%swap3A_371, %swap3A_372], %mul3A_370 {strides = array<i32>} : memref<16x1536xf32, #tpu.memory_space<vmem>>, vector<16xf32>,
      %get3A_374 = arith.constant 368 : index
      %get3A_375 = tpu.vector_load %arg10[%get3A_374] {strides = array<i32>} : memref<1536xf32, #tpu.memory_space<vmem>>, vector<16xf32>,
      %mul3A_376 = arith.mulf %mul3A_237, %get3A_375 : vector<16xf32>
      %swap3A_377 = arith.index_cast %scan3A_227 : i32 to index
      %swap3A_378 = arith.constant 368 : index
      %swap3A_379 = tpu.vector_load %arg9[%swap3A_377, %swap3A_378] {strides = array<i32>} : memref<16x1536xf32, #tpu.memory_space<vmem>>, vector<16xf32>,
      tpu.vector_store %arg9[%swap3A_377, %swap3A_378], %mul3A_376 {strides = array<i32>} : memref<16x1536xf32, #tpu.memory_space<vmem>>, vector<16xf32>,
      %get3A_380 = arith.constant 384 : index
      %get3A_381 = tpu.vector_load %arg10[%get3A_380] {strides = array<i32>} : memref<1536xf32, #tpu.memory_space<vmem>>, vector<16xf32>,
      %mul3A_382 = arith.mulf %mul3A_237, %get3A_381 : vector<16xf32>
      %swap3A_383 = arith.index_cast %scan3A_227 : i32 to index
      %swap3A_384 = arith.constant 384 : index
      %swap3A_385 = tpu.vector_load %arg9[%swap3A_383, %swap3A_384] {strides = array<i32>} : memref<16x1536xf32, #tpu.memory_space<vmem>>, vector<16xf32>,
      tpu.vector_store %arg9[%swap3A_383, %swap3A_384], %mul3A_382 {strides = array<i32>} : memref<16x1536xf32, #tpu.memory_space<vmem>>, vector<16xf32>,
      %get3A_386 = arith.constant 400 : index
      %get3A_387 = tpu.vector_load %arg10[%get3A_386] {strides = array<i32>} : memref<1536xf32, #tpu.memory_space<vmem>>, vector<16xf32>,
      %mul3A_388 = arith.mulf %mul3A_237, %get3A_387 : vector<16xf32>
      %swap3A_389 = arith.index_cast %scan3A_227 : i32 to index
      %swap3A_390 = arith.constant 400 : index
      %swap3A_391 = tpu.vector_load %arg9[%swap3A_389, %swap3A_390] {strides = array<i32>} : memref<16x1536xf32, #tpu.memory_space<vmem>>, vector<16xf32>,
      tpu.vector_store %arg9[%swap3A_389, %swap3A_390], %mul3A_388 {strides = array<i32>} : memref<16x1536xf32, #tpu.memory_space<vmem>>, vector<16xf32>,
      %get3A_392 = arith.constant 416 : index
      %get3A_393 = tpu.vector_load %arg10[%get3A_392] {strides = array<i32>} : memref<1536xf32, #tpu.memory_space<vmem>>, vector<16xf32>,
      %mul3A_394 = arith.mulf %mul3A_237, %get3A_393 : vector<16xf32>
      %swap3A_395 = arith.index_cast %scan3A_227 : i32 to index
      %swap3A_396 = arith.constant 416 : index
      %swap3A_397 = tpu.vector_load %arg9[%swap3A_395, %swap3A_396] {strides = array<i32>} : memref<16x1536xf32, #tpu.memory_space<vmem>>, vector<16xf32>,
      tpu.vector_store %arg9[%swap3A_395, %swap3A_396], %mul3A_394 {strides = array<i32>} : memref<16x1536xf32, #tpu.memory_space<vmem>>, vector<16xf32>,
      %get3A_398 = arith.constant 432 : index
      %get3A_399 = tpu.vector_load %arg10[%get3A_398] {strides = array<i32>} : memref<1536xf32, #tpu.memory_space<vmem>>, vector<16xf32>,
      %mul3A_400 = arith.mulf %mul3A_237, %get3A_399 : vector<16xf32>
      %swap3A_401 = arith.index_cast %scan3A_227 : i32 to index
      %swap3A_402 = arith.constant 432 : index
      %swap3A_403 = tpu.vector_load %arg9[%swap3A_401, %swap3A_402] {strides = array<i32>} : memref<16x1536xf32, #tpu.memory_space<vmem>>, vector<16xf32>,
      tpu.vector_store %arg9[%swap3A_401, %swap3A_402], %mul3A_400 {strides = array<i32>} : memref<16x1536xf32, #tpu.memory_space<vmem>>, vector<16xf32>,
      %get3A_404 = arith.constant 448 : index
      %get3A_405 = tpu.vector_load %arg10[%get3A_404] {strides = array<i32>} : memref<1536xf32, #tpu.memory_space<vmem>>, vector<16xf32>,
      %mul3A_406 = arith.mulf %mul3A_237, %get3A_405 : vector<16xf32>
      %swap3A_407 = arith.index_cast %scan3A_227 : i32 to index
      %swap3A_408 = arith.constant 448 : index
      %swap3A_409 = tpu.vector_load %arg9[%swap3A_407, %swap3A_408] {strides = array<i32>} : memref<16x1536xf32, #tpu.memory_space<vmem>>, vector<16xf32>,
      tpu.vector_store %arg9[%swap3A_407, %swap3A_408], %mul3A_406 {strides = array<i32>} : memref<16x1536xf32, #tpu.memory_space<vmem>>, vector<16xf32>,
      %get3A_410 = arith.constant 464 : index
      %get3A_411 = tpu.vector_load %arg10[%get3A_410] {strides = array<i32>} : memref<1536xf32, #tpu.memory_space<vmem>>, vector<16xf32>,
      %mul3A_412 = arith.mulf %mul3A_237, %get3A_411 : vector<16xf32>
      %swap3A_413 = arith.index_cast %scan3A_227 : i32 to index
      %swap3A_414 = arith.constant 464 : index
      %swap3A_415 = tpu.vector_load %arg9[%swap3A_413, %swap3A_414] {strides = array<i32>} : memref<16x1536xf32, #tpu.memory_space<vmem>>, vector<16xf32>,
      tpu.vector_store %arg9[%swap3A_413, %swap3A_414], %mul3A_412 {strides = array<i32>} : memref<16x1536xf32, #tpu.memory_space<vmem>>, vector<16xf32>,
      %get3A_416 = arith.constant 480 : index
      %get3A_417 = tpu.vector_load %arg10[%get3A_416] {strides = array<i32>} : memref<1536xf32, #tpu.memory_space<vmem>>, vector<16xf32>,
      %mul3A_418 = arith.mulf %mul3A_237, %get3A_417 : vector<16xf32>
      %swap3A_419 = arith.index_cast %scan3A_227 : i32 to index
      %swap3A_420 = arith.constant 480 : index
      %swap3A_421 = tpu.vector_load %arg9[%swap3A_419, %swap3A_420] {strides = array<i32>} : memref<16x1536xf32, #tpu.memory_space<vmem>>, vector<16xf32>,
      tpu.vector_store %arg9[%swap3A_419, %swap3A_420], %mul3A_418 {strides = array<i32>} : memref<16x1536xf32, #tpu.memory_space<vmem>>, vector<16xf32>,
      %get3A_422 = arith.constant 496 : index
      %get3A_423 = tpu.vector_load %arg10[%get3A_422] {strides = array<i32>} : memref<1536xf32, #tpu.memory_space<vmem>>, vector<16xf32>,
      %mul3A_424 = arith.mulf %mul3A_237, %get3A_423 : vector<16xf32>
      %swap3A_425 = arith.index_cast %scan3A_227 : i32 to index
      %swap3A_426 = arith.constant 496 : index
      %swap3A_427 = tpu.vector_load %arg9[%swap3A_425, %swap3A_426] {strides = array<i32>} : memref<16x1536xf32, #tpu.memory_space<vmem>>, vector<16xf32>,
      tpu.vector_store %arg9[%swap3A_425, %swap3A_426], %mul3A_424 {strides = array<i32>} : memref<16x1536xf32, #tpu.memory_space<vmem>>, vector<16xf32>,
      %get3A_428 = arith.constant 512 : index
      %get3A_429 = tpu.vector_load %arg10[%get3A_428] {strides = array<i32>} : memref<1536xf32, #tpu.memory_space<vmem>>, vector<16xf32>,
      %mul3A_430 = arith.mulf %mul3A_237, %get3A_429 : vector<16xf32>
      %swap3A_431 = arith.index_cast %scan3A_227 : i32 to index
      %swap3A_432 = arith.constant 512 : index
      %swap3A_433 = tpu.vector_load %arg9[%swap3A_431, %swap3A_432] {strides = array<i32>} : memref<16x1536xf32, #tpu.memory_space<vmem>>, vector<16xf32>,
      tpu.vector_store %arg9[%swap3A_431, %swap3A_432], %mul3A_430 {strides = array<i32>} : memref<16x1536xf32, #tpu.memory_space<vmem>>, vector<16xf32>,
      %get3A_434 = arith.constant 528 : index
      %get3A_435 = tpu.vector_load %arg10[%get3A_434] {strides = array<i32>} : memref<1536xf32, #tpu.memory_space<vmem>>, vector<16xf32>,
      %mul3A_436 = arith.mulf %mul3A_237, %get3A_435 : vector<16xf32>
      %swap3A_437 = arith.index_cast %scan3A_227 : i32 to index
      %swap3A_438 = arith.constant 528 : index
      %swap3A_439 = tpu.vector_load %arg9[%swap3A_437, %swap3A_438] {strides = array<i32>} : memref<16x1536xf32, #tpu.memory_space<vmem>>, vector<16xf32>,
      tpu.vector_store %arg9[%swap3A_437, %swap3A_438], %mul3A_436 {strides = array<i32>} : memref<16x1536xf32, #tpu.memory_space<vmem>>, vector<16xf32>,
      %get3A_440 = arith.constant 544 : index
      %get3A_441 = tpu.vector_load %arg10[%get3A_440] {strides = array<i32>} : memref<1536xf32, #tpu.memory_space<vmem>>, vector<16xf32>,
      %mul3A_442 = arith.mulf %mul3A_237, %get3A_441 : vector<16xf32>
      %swap3A_443 = arith.index_cast %scan3A_227 : i32 to index
      %swap3A_444 = arith.constant 544 : index
      %swap3A_445 = tpu.vector_load %arg9[%swap3A_443, %swap3A_444] {strides = array<i32>} : memref<16x1536xf32, #tpu.memory_space<vmem>>, vector<16xf32>,
      tpu.vector_store %arg9[%swap3A_443, %swap3A_444], %mul3A_442 {strides = array<i32>} : memref<16x1536xf32, #tpu.memory_space<vmem>>, vector<16xf32>,
      %get3A_446 = arith.constant 560 : index
      %get3A_447 = tpu.vector_load %arg10[%get3A_446] {strides = array<i32>} : memref<1536xf32, #tpu.memory_space<vmem>>, vector<16xf32>,
      %mul3A_448 = arith.mulf %mul3A_237, %get3A_447 : vector<16xf32>
      %swap3A_449 = arith.index_cast %scan3A_227 : i32 to index
      %swap3A_450 = arith.constant 560 : index
      %swap3A_451 = tpu.vector_load %arg9[%swap3A_449, %swap3A_450] {strides = array<i32>} : memref<16x1536xf32, #tpu.memory_space<vmem>>, vector<16xf32>,
      tpu.vector_store %arg9[%swap3A_449, %swap3A_450], %mul3A_448 {strides = array<i32>} : memref<16x1536xf32, #tpu.memory_space<vmem>>, vector<16xf32>,
      %get3A_452 = arith.constant 576 : index
      %get3A_453 = tpu.vector_load %arg10[%get3A_452] {strides = array<i32>} : memref<1536xf32, #tpu.memory_space<vmem>>, vector<16xf32>,
      %mul3A_454 = arith.mulf %mul3A_237, %get3A_453 : vector<16xf32>
      %swap3A_455 = arith.index_cast %scan3A_227 : i32 to index
      %swap3A_456 = arith.constant 576 : index
      %swap3A_457 = tpu.vector_load %arg9[%swap3A_455, %swap3A_456] {strides = array<i32>} : memref<16x1536xf32, #tpu.memory_space<vmem>>, vector<16xf32>,
      tpu.vector_store %arg9[%swap3A_455, %swap3A_456], %mul3A_454 {strides = array<i32>} : memref<16x1536xf32, #tpu.memory_space<vmem>>, vector<16xf32>,
      %get3A_458 = arith.constant 592 : index
      %get3A_459 = tpu.vector_load %arg10[%get3A_458] {strides = array<i32>} : memref<1536xf32, #tpu.memory_space<vmem>>, vector<16xf32>,
      %mul3A_460 = arith.mulf %mul3A_237, %get3A_459 : vector<16xf32>
      %swap3A_461 = arith.index_cast %scan3A_227 : i32 to index
      %swap3A_462 = arith.constant 592 : index
      %swap3A_463 = tpu.vector_load %arg9[%swap3A_461, %swap3A_462] {strides = array<i32>} : memref<16x1536xf32, #tpu.memory_space<vmem>>, vector<16xf32>,
      tpu.vector_store %arg9[%swap3A_461, %swap3A_462], %mul3A_460 {strides = array<i32>} : memref<16x1536xf32, #tpu.memory_space<vmem>>, vector<16xf32>,
      %get3A_464 = arith.constant 608 : index
      %get3A_465 = tpu.vector_load %arg10[%get3A_464] {strides = array<i32>} : memref<1536xf32, #tpu.memory_space<vmem>>, vector<16xf32>,
      %mul3A_466 = arith.mulf %mul3A_237, %get3A_465 : vector<16xf32>
      %swap3A_467 = arith.index_cast %scan3A_227 : i32 to index
      %swap3A_468 = arith.constant 608 : index
      %swap3A_469 = tpu.vector_load %arg9[%swap3A_467, %swap3A_468] {strides = array<i32>} : memref<16x1536xf32, #tpu.memory_space<vmem>>, vector<16xf32>,
      tpu.vector_store %arg9[%swap3A_467, %swap3A_468], %mul3A_466 {strides = array<i32>} : memref<16x1536xf32, #tpu.memory_space<vmem>>, vector<16xf32>,
      %get3A_470 = arith.constant 624 : index
      %get3A_471 = tpu.vector_load %arg10[%get3A_470] {strides = array<i32>} : memref<1536xf32, #tpu.memory_space<vmem>>, vector<16xf32>,
      %mul3A_472 = arith.mulf %mul3A_237, %get3A_471 : vector<16xf32>
      %swap3A_473 = arith.index_cast %scan3A_227 : i32 to index
      %swap3A_474 = arith.constant 624 : index
      %swap3A_475 = tpu.vector_load %arg9[%swap3A_473, %swap3A_474] {strides = array<i32>} : memref<16x1536xf32, #tpu.memory_space<vmem>>, vector<16xf32>,
      tpu.vector_store %arg9[%swap3A_473, %swap3A_474], %mul3A_472 {strides = array<i32>} : memref<16x1536xf32, #tpu.memory_space<vmem>>, vector<16xf32>,
      %get3A_476 = arith.constant 640 : index
      %get3A_477 = tpu.vector_load %arg10[%get3A_476] {strides = array<i32>} : memref<1536xf32, #tpu.memory_space<vmem>>, vector<16xf32>,
      %mul3A_478 = arith.mulf %mul3A_237, %get3A_477 : vector<16xf32>
      %swap3A_479 = arith.index_cast %scan3A_227 : i32 to index
      %swap3A_480 = arith.constant 640 : index
      %swap3A_481 = tpu.vector_load %arg9[%swap3A_479, %swap3A_480] {strides = array<i32>} : memref<16x1536xf32, #tpu.memory_space<vmem>>, vector<16xf32>,
      tpu.vector_store %arg9[%swap3A_479, %swap3A_480], %mul3A_478 {strides = array<i32>} : memref<16x1536xf32, #tpu.memory_space<vmem>>, vector<16xf32>,
      %get3A_482 = arith.constant 656 : index
      %get3A_483 = tpu.vector_load %arg10[%get3A_482] {strides = array<i32>} : memref<1536xf32, #tpu.memory_space<vmem>>, vector<16xf32>,
      %mul3A_484 = arith.mulf %mul3A_237, %get3A_483 : vector<16xf32>
      %swap3A_485 = arith.index_cast %scan3A_227 : i32 to index
      %swap3A_486 = arith.constant 656 : index
      %swap3A_487 = tpu.vector_load %arg9[%swap3A_485, %swap3A_486] {strides = array<i32>} : memref<16x1536xf32, #tpu.memory_space<vmem>>, vector<16xf32>,
      tpu.vector_store %arg9[%swap3A_485, %swap3A_486], %mul3A_484 {strides = array<i32>} : memref<16x1536xf32, #tpu.memory_space<vmem>>, vector<16xf32>,
      %get3A_488 = arith.constant 672 : index
      %get3A_489 = tpu.vector_load %arg10[%get3A_488] {strides = array<i32>} : memref<1536xf32, #tpu.memory_space<vmem>>, vector<16xf32>,
      %mul3A_490 = arith.mulf %mul3A_237, %get3A_489 : vector<16xf32>
      %swap3A_491 = arith.index_cast %scan3A_227 : i32 to index
      %swap3A_492 = arith.constant 672 : index
      %swap3A_493 = tpu.vector_load %arg9[%swap3A_491, %swap3A_492] {strides = array<i32>} : memref<16x1536xf32, #tpu.memory_space<vmem>>, vector<16xf32>,
      tpu.vector_store %arg9[%swap3A_491, %swap3A_492], %mul3A_490 {strides = array<i32>} : memref<16x1536xf32, #tpu.memory_space<vmem>>, vector<16xf32>,
      %get3A_494 = arith.constant 688 : index
      %get3A_495 = tpu.vector_load %arg10[%get3A_494] {strides = array<i32>} : memref<1536xf32, #tpu.memory_space<vmem>>, vector<16xf32>,
      %mul3A_496 = arith.mulf %mul3A_237, %get3A_495 : vector<16xf32>
      %swap3A_497 = arith.index_cast %scan3A_227 : i32 to index
      %swap3A_498 = arith.constant 688 : index
      %swap3A_499 = tpu.vector_load %arg9[%swap3A_497, %swap3A_498] {strides = array<i32>} : memref<16x1536xf32, #tpu.memory_space<vmem>>, vector<16xf32>,
      tpu.vector_store %arg9[%swap3A_497, %swap3A_498], %mul3A_496 {strides = array<i32>} : memref<16x1536xf32, #tpu.memory_space<vmem>>, vector<16xf32>,
      %get3A_500 = arith.constant 704 : index
      %get3A_501 = tpu.vector_load %arg10[%get3A_500] {strides = array<i32>} : memref<1536xf32, #tpu.memory_space<vmem>>, vector<16xf32>,
      %mul3A_502 = arith.mulf %mul3A_237, %get3A_501 : vector<16xf32>
      %swap3A_503 = arith.index_cast %scan3A_227 : i32 to index
      %swap3A_504 = arith.constant 704 : index
      %swap3A_505 = tpu.vector_load %arg9[%swap3A_503, %swap3A_504] {strides = array<i32>} : memref<16x1536xf32, #tpu.memory_space<vmem>>, vector<16xf32>,
      tpu.vector_store %arg9[%swap3A_503, %swap3A_504], %mul3A_502 {strides = array<i32>} : memref<16x1536xf32, #tpu.memory_space<vmem>>, vector<16xf32>,
      %get3A_506 = arith.constant 720 : index
      %get3A_507 = tpu.vector_load %arg10[%get3A_506] {strides = array<i32>} : memref<1536xf32, #tpu.memory_space<vmem>>, vector<16xf32>,
      %mul3A_508 = arith.mulf %mul3A_237, %get3A_507 : vector<16xf32>
      %swap3A_509 = arith.index_cast %scan3A_227 : i32 to index
      %swap3A_510 = arith.constant 720 : index
      %swap3A_511 = tpu.vector_load %arg9[%swap3A_509, %swap3A_510] {strides = array<i32>} : memref<16x1536xf32, #tpu.memory_space<vmem>>, vector<16xf32>,
      tpu.vector_store %arg9[%swap3A_509, %swap3A_510], %mul3A_508 {strides = array<i32>} : memref<16x1536xf32, #tpu.memory_space<vmem>>, vector<16xf32>,
      %get3A_512 = arith.constant 736 : index
      %get3A_513 = tpu.vector_load %arg10[%get3A_512] {strides = array<i32>} : memref<1536xf32, #tpu.memory_space<vmem>>, vector<16xf32>,
      %mul3A_514 = arith.mulf %mul3A_237, %get3A_513 : vector<16xf32>
      %swap3A_515 = arith.index_cast %scan3A_227 : i32 to index
      %swap3A_516 = arith.constant 736 : index
      %swap3A_517 = tpu.vector_load %arg9[%swap3A_515, %swap3A_516] {strides = array<i32>} : memref<16x1536xf32, #tpu.memory_space<vmem>>, vector<16xf32>,
      tpu.vector_store %arg9[%swap3A_515, %swap3A_516], %mul3A_514 {strides = array<i32>} : memref<16x1536xf32, #tpu.memory_space<vmem>>, vector<16xf32>,
      %get3A_518 = arith.constant 752 : index
      %get3A_519 = tpu.vector_load %arg10[%get3A_518] {strides = array<i32>} : memref<1536xf32, #tpu.memory_space<vmem>>, vector<16xf32>,
      %mul3A_520 = arith.mulf %mul3A_237, %get3A_519 : vector<16xf32>
      %swap3A_521 = arith.index_cast %scan3A_227 : i32 to index
      %swap3A_522 = arith.constant 752 : index
      %swap3A_523 = tpu.vector_load %arg9[%swap3A_521, %swap3A_522] {strides = array<i32>} : memref<16x1536xf32, #tpu.memory_space<vmem>>, vector<16xf32>,
      tpu.vector_store %arg9[%swap3A_521, %swap3A_522], %mul3A_520 {strides = array<i32>} : memref<16x1536xf32, #tpu.memory_space<vmem>>, vector<16xf32>,
      %get3A_524 = arith.constant 768 : index
      %get3A_525 = tpu.vector_load %arg10[%get3A_524] {strides = array<i32>} : memref<1536xf32, #tpu.memory_space<vmem>>, vector<16xf32>,
      %mul3A_526 = arith.mulf %mul3A_237, %get3A_525 : vector<16xf32>
      %swap3A_527 = arith.index_cast %scan3A_227 : i32 to index
      %swap3A_528 = arith.constant 768 : index
      %swap3A_529 = tpu.vector_load %arg9[%swap3A_527, %swap3A_528] {strides = array<i32>} : memref<16x1536xf32, #tpu.memory_space<vmem>>, vector<16xf32>,
      tpu.vector_store %arg9[%swap3A_527, %swap3A_528], %mul3A_526 {strides = array<i32>} : memref<16x1536xf32, #tpu.memory_space<vmem>>, vector<16xf32>,
      %get3A_530 = arith.constant 784 : index
      %get3A_531 = tpu.vector_load %arg10[%get3A_530] {strides = array<i32>} : memref<1536xf32, #tpu.memory_space<vmem>>, vector<16xf32>,
      %mul3A_532 = arith.mulf %mul3A_237, %get3A_531 : vector<16xf32>
      %swap3A_533 = arith.index_cast %scan3A_227 : i32 to index
      %swap3A_534 = arith.constant 784 : index
      %swap3A_535 = tpu.vector_load %arg9[%swap3A_533, %swap3A_534] {strides = array<i32>} : memref<16x1536xf32, #tpu.memory_space<vmem>>, vector<16xf32>,
      tpu.vector_store %arg9[%swap3A_533, %swap3A_534], %mul3A_532 {strides = array<i32>} : memref<16x1536xf32, #tpu.memory_space<vmem>>, vector<16xf32>,
      %get3A_536 = arith.constant 800 : index
      %get3A_537 = tpu.vector_load %arg10[%get3A_536] {strides = array<i32>} : memref<1536xf32, #tpu.memory_space<vmem>>, vector<16xf32>,
      %mul3A_538 = arith.mulf %mul3A_237, %get3A_537 : vector<16xf32>
      %swap3A_539 = arith.index_cast %scan3A_227 : i32 to index
      %swap3A_540 = arith.constant 800 : index
      %swap3A_541 = tpu.vector_load %arg9[%swap3A_539, %swap3A_540] {strides = array<i32>} : memref<16x1536xf32, #tpu.memory_space<vmem>>, vector<16xf32>,
      tpu.vector_store %arg9[%swap3A_539, %swap3A_540], %mul3A_538 {strides = array<i32>} : memref<16x1536xf32, #tpu.memory_space<vmem>>, vector<16xf32>,
      %get3A_542 = arith.constant 816 : index
      %get3A_543 = tpu.vector_load %arg10[%get3A_542] {strides = array<i32>} : memref<1536xf32, #tpu.memory_space<vmem>>, vector<16xf32>,
      %mul3A_544 = arith.mulf %mul3A_237, %get3A_543 : vector<16xf32>
      %swap3A_545 = arith.index_cast %scan3A_227 : i32 to index
      %swap3A_546 = arith.constant 816 : index
      %swap3A_547 = tpu.vector_load %arg9[%swap3A_545, %swap3A_546] {strides = array<i32>} : memref<16x1536xf32, #tpu.memory_space<vmem>>, vector<16xf32>,
      tpu.vector_store %arg9[%swap3A_545, %swap3A_546], %mul3A_544 {strides = array<i32>} : memref<16x1536xf32, #tpu.memory_space<vmem>>, vector<16xf32>,
      %get3A_548 = arith.constant 832 : index
      %get3A_549 = tpu.vector_load %arg10[%get3A_548] {strides = array<i32>} : memref<1536xf32, #tpu.memory_space<vmem>>, vector<16xf32>,
      %mul3A_550 = arith.mulf %mul3A_237, %get3A_549 : vector<16xf32>
      %swap3A_551 = arith.index_cast %scan3A_227 : i32 to index
      %swap3A_552 = arith.constant 832 : index
      %swap3A_553 = tpu.vector_load %arg9[%swap3A_551, %swap3A_552] {strides = array<i32>} : memref<16x1536xf32, #tpu.memory_space<vmem>>, vector<16xf32>,
      tpu.vector_store %arg9[%swap3A_551, %swap3A_552], %mul3A_550 {strides = array<i32>} : memref<16x1536xf32, #tpu.memory_space<vmem>>, vector<16xf32>,
      %get3A_554 = arith.constant 848 : index
      %get3A_555 = tpu.vector_load %arg10[%get3A_554] {strides = array<i32>} : memref<1536xf32, #tpu.memory_space<vmem>>, vector<16xf32>,
      %mul3A_556 = arith.mulf %mul3A_237, %get3A_555 : vector<16xf32>
      %swap3A_557 = arith.index_cast %scan3A_227 : i32 to index
      %swap3A_558 = arith.constant 848 : index
      %swap3A_559 = tpu.vector_load %arg9[%swap3A_557, %swap3A_558] {strides = array<i32>} : memref<16x1536xf32, #tpu.memory_space<vmem>>, vector<16xf32>,
      tpu.vector_store %arg9[%swap3A_557, %swap3A_558], %mul3A_556 {strides = array<i32>} : memref<16x1536xf32, #tpu.memory_space<vmem>>, vector<16xf32>,
      %get3A_560 = arith.constant 864 : index
      %get3A_561 = tpu.vector_load %arg10[%get3A_560] {strides = array<i32>} : memref<1536xf32, #tpu.memory_space<vmem>>, vector<16xf32>,
      %mul3A_562 = arith.mulf %mul3A_237, %get3A_561 : vector<16xf32>
      %swap3A_563 = arith.index_cast %scan3A_227 : i32 to index
      %swap3A_564 = arith.constant 864 : index
      %swap3A_565 = tpu.vector_load %arg9[%swap3A_563, %swap3A_564] {strides = array<i32>} : memref<16x1536xf32, #tpu.memory_space<vmem>>, vector<16xf32>,
      tpu.vector_store %arg9[%swap3A_563, %swap3A_564], %mul3A_562 {strides = array<i32>} : memref<16x1536xf32, #tpu.memory_space<vmem>>, vector<16xf32>,
      %get3A_566 = arith.constant 880 : index
      %get3A_567 = tpu.vector_load %arg10[%get3A_566] {strides = array<i32>} : memref<1536xf32, #tpu.memory_space<vmem>>, vector<16xf32>,
      %mul3A_568 = arith.mulf %mul3A_237, %get3A_567 : vector<16xf32>
      %swap3A_569 = arith.index_cast %scan3A_227 : i32 to index
      %swap3A_570 = arith.constant 880 : index
      %swap3A_571 = tpu.vector_load %arg9[%swap3A_569, %swap3A_570] {strides = array<i32>} : memref<16x1536xf32, #tpu.memory_space<vmem>>, vector<16xf32>,
      tpu.vector_store %arg9[%swap3A_569, %swap3A_570], %mul3A_568 {strides = array<i32>} : memref<16x1536xf32, #tpu.memory_space<vmem>>, vector<16xf32>,
      %get3A_572 = arith.constant 896 : index
      %get3A_573 = tpu.vector_load %arg10[%get3A_572] {strides = array<i32>} : memref<1536xf32, #tpu.memory_space<vmem>>, vector<16xf32>,
      %mul3A_574 = arith.mulf %mul3A_237, %get3A_573 : vector<16xf32>
      %swap3A_575 = arith.index_cast %scan3A_227 : i32 to index
      %swap3A_576 = arith.constant 896 : index
      %swap3A_577 = tpu.vector_load %arg9[%swap3A_575, %swap3A_576] {strides = array<i32>} : memref<16x1536xf32, #tpu.memory_space<vmem>>, vector<16xf32>,
      tpu.vector_store %arg9[%swap3A_575, %swap3A_576], %mul3A_574 {strides = array<i32>} : memref<16x1536xf32, #tpu.memory_space<vmem>>, vector<16xf32>,
      %get3A_578 = arith.constant 912 : index
      %get3A_579 = tpu.vector_load %arg10[%get3A_578] {strides = array<i32>} : memref<1536xf32, #tpu.memory_space<vmem>>, vector<16xf32>,
      %mul3A_580 = arith.mulf %mul3A_237, %get3A_579 : vector<16xf32>
      %swap3A_581 = arith.index_cast %scan3A_227 : i32 to index
      %swap3A_582 = arith.constant 912 : index
      %swap3A_583 = tpu.vector_load %arg9[%swap3A_581, %swap3A_582] {strides = array<i32>} : memref<16x1536xf32, #tpu.memory_space<vmem>>, vector<16xf32>,
      tpu.vector_store %arg9[%swap3A_581, %swap3A_582], %mul3A_580 {strides = array<i32>} : memref<16x1536xf32, #tpu.memory_space<vmem>>, vector<16xf32>,
      %get3A_584 = arith.constant 928 : index
      %get3A_585 = tpu.vector_load %arg10[%get3A_584] {strides = array<i32>} : memref<1536xf32, #tpu.memory_space<vmem>>, vector<16xf32>,
      %mul3A_586 = arith.mulf %mul3A_237, %get3A_585 : vector<16xf32>
      %swap3A_587 = arith.index_cast %scan3A_227 : i32 to index
      %swap3A_588 = arith.constant 928 : index
      %swap3A_589 = tpu.vector_load %arg9[%swap3A_587, %swap3A_588] {strides = array<i32>} : memref<16x1536xf32, #tpu.memory_space<vmem>>, vector<16xf32>,
      tpu.vector_store %arg9[%swap3A_587, %swap3A_588], %mul3A_586 {strides = array<i32>} : memref<16x1536xf32, #tpu.memory_space<vmem>>, vector<16xf32>,
      %get3A_590 = arith.constant 944 : index
      %get3A_591 = tpu.vector_load %arg10[%get3A_590] {strides = array<i32>} : memref<1536xf32, #tpu.memory_space<vmem>>, vector<16xf32>,
      %mul3A_592 = arith.mulf %mul3A_237, %get3A_591 : vector<16xf32>
      %swap3A_593 = arith.index_cast %scan3A_227 : i32 to index
      %swap3A_594 = arith.constant 944 : index
      %swap3A_595 = tpu.vector_load %arg9[%swap3A_593, %swap3A_594] {strides = array<i32>} : memref<16x1536xf32, #tpu.memory_space<vmem>>, vector<16xf32>,
      tpu.vector_store %arg9[%swap3A_593, %swap3A_594], %mul3A_592 {strides = array<i32>} : memref<16x1536xf32, #tpu.memory_space<vmem>>, vector<16xf32>,
      %get3A_596 = arith.constant 960 : index
      %get3A_597 = tpu.vector_load %arg10[%get3A_596] {strides = array<i32>} : memref<1536xf32, #tpu.memory_space<vmem>>, vector<16xf32>,
      %mul3A_598 = arith.mulf %mul3A_237, %get3A_597 : vector<16xf32>
      %swap3A_599 = arith.index_cast %scan3A_227 : i32 to index
      %swap3A_600 = arith.constant 960 : index
      %swap3A_601 = tpu.vector_load %arg9[%swap3A_599, %swap3A_600] {strides = array<i32>} : memref<16x1536xf32, #tpu.memory_space<vmem>>, vector<16xf32>,
      tpu.vector_store %arg9[%swap3A_599, %swap3A_600], %mul3A_598 {strides = array<i32>} : memref<16x1536xf32, #tpu.memory_space<vmem>>, vector<16xf32>,
      %get3A_602 = arith.constant 976 : index
      %get3A_603 = tpu.vector_load %arg10[%get3A_602] {strides = array<i32>} : memref<1536xf32, #tpu.memory_space<vmem>>, vector<16xf32>,
      %mul3A_604 = arith.mulf %mul3A_237, %get3A_603 : vector<16xf32>
      %swap3A_605 = arith.index_cast %scan3A_227 : i32 to index
      %swap3A_606 = arith.constant 976 : index
      %swap3A_607 = tpu.vector_load %arg9[%swap3A_605, %swap3A_606] {strides = array<i32>} : memref<16x1536xf32, #tpu.memory_space<vmem>>, vector<16xf32>,
      tpu.vector_store %arg9[%swap3A_605, %swap3A_606], %mul3A_604 {strides = array<i32>} : memref<16x1536xf32, #tpu.memory_space<vmem>>, vector<16xf32>,
      %get3A_608 = arith.constant 992 : index
      %get3A_609 = tpu.vector_load %arg10[%get3A_608] {strides = array<i32>} : memref<1536xf32, #tpu.memory_space<vmem>>, vector<16xf32>,
      %mul3A_610 = arith.mulf %mul3A_237, %get3A_609 : vector<16xf32>
      %swap3A_611 = arith.index_cast %scan3A_227 : i32 to index
      %swap3A_612 = arith.constant 992 : index
      %swap3A_613 = tpu.vector_load %arg9[%swap3A_611, %swap3A_612] {strides = array<i32>} : memref<16x1536xf32, #tpu.memory_space<vmem>>, vector<16xf32>,
      tpu.vector_store %arg9[%swap3A_611, %swap3A_612], %mul3A_610 {strides = array<i32>} : memref<16x1536xf32, #tpu.memory_space<vmem>>, vector<16xf32>,
      %get3A_614 = arith.constant 1008 : index
      %get3A_615 = tpu.vector_load %arg10[%get3A_614] {strides = array<i32>} : memref<1536xf32, #tpu.memory_space<vmem>>, vector<16xf32>,
      %mul3A_616 = arith.mulf %mul3A_237, %get3A_615 : vector<16xf32>
      %swap3A_617 = arith.index_cast %scan3A_227 : i32 to index
      %swap3A_618 = arith.constant 1008 : index
      %swap3A_619 = tpu.vector_load %arg9[%swap3A_617, %swap3A_618] {strides = array<i32>} : memref<16x1536xf32, #tpu.memory_space<vmem>>, vector<16xf32>,
      tpu.vector_store %arg9[%swap3A_617, %swap3A_618], %mul3A_616 {strides = array<i32>} : memref<16x1536xf32, #tpu.memory_space<vmem>>, vector<16xf32>,
      %get3A_620 = arith.constant 1024 : index
      %get3A_621 = tpu.vector_load %arg10[%get3A_620] {strides = array<i32>} : memref<1536xf32, #tpu.memory_space<vmem>>, vector<16xf32>,
      %mul3A_622 = arith.mulf %mul3A_237, %get3A_621 : vector<16xf32>
      %swap3A_623 = arith.index_cast %scan3A_227 : i32 to index
      %swap3A_624 = arith.constant 1024 : index
      %swap3A_625 = tpu.vector_load %arg9[%swap3A_623, %swap3A_624] {strides = array<i32>} : memref<16x1536xf32, #tpu.memory_space<vmem>>, vector<16xf32>,
      tpu.vector_store %arg9[%swap3A_623, %swap3A_624], %mul3A_622 {strides = array<i32>} : memref<16x1536xf32, #tpu.memory_space<vmem>>, vector<16xf32>,
      %get3A_626 = arith.constant 1040 : index
      %get3A_627 = tpu.vector_load %arg10[%get3A_626] {strides = array<i32>} : memref<1536xf32, #tpu.memory_space<vmem>>, vector<16xf32>,
      %mul3A_628 = arith.mulf %mul3A_237, %get3A_627 : vector<16xf32>
      %swap3A_629 = arith.index_cast %scan3A_227 : i32 to index
      %swap3A_630 = arith.constant 1040 : index
      %swap3A_631 = tpu.vector_load %arg9[%swap3A_629, %swap3A_630] {strides = array<i32>} : memref<16x1536xf32, #tpu.memory_space<vmem>>, vector<16xf32>,
      tpu.vector_store %arg9[%swap3A_629, %swap3A_630], %mul3A_628 {strides = array<i32>} : memref<16x1536xf32, #tpu.memory_space<vmem>>, vector<16xf32>,
      %get3A_632 = arith.constant 1056 : index
      %get3A_633 = tpu.vector_load %arg10[%get3A_632] {strides = array<i32>} : memref<1536xf32, #tpu.memory_space<vmem>>, vector<16xf32>,
      %mul3A_634 = arith.mulf %mul3A_237, %get3A_633 : vector<16xf32>
      %swap3A_635 = arith.index_cast %scan3A_227 : i32 to index
      %swap3A_636 = arith.constant 1056 : index
      %swap3A_637 = tpu.vector_load %arg9[%swap3A_635, %swap3A_636] {strides = array<i32>} : memref<16x1536xf32, #tpu.memory_space<vmem>>, vector<16xf32>,
      tpu.vector_store %arg9[%swap3A_635, %swap3A_636], %mul3A_634 {strides = array<i32>} : memref<16x1536xf32, #tpu.memory_space<vmem>>, vector<16xf32>,
      %get3A_638 = arith.constant 1072 : index
      %get3A_639 = tpu.vector_load %arg10[%get3A_638] {strides = array<i32>} : memref<1536xf32, #tpu.memory_space<vmem>>, vector<16xf32>,
      %mul3A_640 = arith.mulf %mul3A_237, %get3A_639 : vector<16xf32>
      %swap3A_641 = arith.index_cast %scan3A_227 : i32 to index
      %swap3A_642 = arith.constant 1072 : index
      %swap3A_643 = tpu.vector_load %arg9[%swap3A_641, %swap3A_642] {strides = array<i32>} : memref<16x1536xf32, #tpu.memory_space<vmem>>, vector<16xf32>,
      tpu.vector_store %arg9[%swap3A_641, %swap3A_642], %mul3A_640 {strides = array<i32>} : memref<16x1536xf32, #tpu.memory_space<vmem>>, vector<16xf32>,
      %get3A_644 = arith.constant 1088 : index
      %get3A_645 = tpu.vector_load %arg10[%get3A_644] {strides = array<i32>} : memref<1536xf32, #tpu.memory_space<vmem>>, vector<16xf32>,
      %mul3A_646 = arith.mulf %mul3A_237, %get3A_645 : vector<16xf32>
      %swap3A_647 = arith.index_cast %scan3A_227 : i32 to index
      %swap3A_648 = arith.constant 1088 : index
      %swap3A_649 = tpu.vector_load %arg9[%swap3A_647, %swap3A_648] {strides = array<i32>} : memref<16x1536xf32, #tpu.memory_space<vmem>>, vector<16xf32>,
      tpu.vector_store %arg9[%swap3A_647, %swap3A_648], %mul3A_646 {strides = array<i32>} : memref<16x1536xf32, #tpu.memory_space<vmem>>, vector<16xf32>,
      %get3A_650 = arith.constant 1104 : index
      %get3A_651 = tpu.vector_load %arg10[%get3A_650] {strides = array<i32>} : memref<1536xf32, #tpu.memory_space<vmem>>, vector<16xf32>,
      %mul3A_652 = arith.mulf %mul3A_237, %get3A_651 : vector<16xf32>
      %swap3A_653 = arith.index_cast %scan3A_227 : i32 to index
      %swap3A_654 = arith.constant 1104 : index
      %swap3A_655 = tpu.vector_load %arg9[%swap3A_653, %swap3A_654] {strides = array<i32>} : memref<16x1536xf32, #tpu.memory_space<vmem>>, vector<16xf32>,
      tpu.vector_store %arg9[%swap3A_653, %swap3A_654], %mul3A_652 {strides = array<i32>} : memref<16x1536xf32, #tpu.memory_space<vmem>>, vector<16xf32>,
      %get3A_656 = arith.constant 1120 : index
      %get3A_657 = tpu.vector_load %arg10[%get3A_656] {strides = array<i32>} : memref<1536xf32, #tpu.memory_space<vmem>>, vector<16xf32>,
      %mul3A_658 = arith.mulf %mul3A_237, %get3A_657 : vector<16xf32>
      %swap3A_659 = arith.index_cast %scan3A_227 : i32 to index
      %swap3A_660 = arith.constant 1120 : index
      %swap3A_661 = tpu.vector_load %arg9[%swap3A_659, %swap3A_660] {strides = array<i32>} : memref<16x1536xf32, #tpu.memory_space<vmem>>, vector<16xf32>,
      tpu.vector_store %arg9[%swap3A_659, %swap3A_660], %mul3A_658 {strides = array<i32>} : memref<16x1536xf32, #tpu.memory_space<vmem>>, vector<16xf32>,
      %get3A_662 = arith.constant 1136 : index
      %get3A_663 = tpu.vector_load %arg10[%get3A_662] {strides = array<i32>} : memref<1536xf32, #tpu.memory_space<vmem>>, vector<16xf32>,
      %mul3A_664 = arith.mulf %mul3A_237, %get3A_663 : vector<16xf32>
      %swap3A_665 = arith.index_cast %scan3A_227 : i32 to index
      %swap3A_666 = arith.constant 1136 : index
      %swap3A_667 = tpu.vector_load %arg9[%swap3A_665, %swap3A_666] {strides = array<i32>} : memref<16x1536xf32, #tpu.memory_space<vmem>>, vector<16xf32>,
      tpu.vector_store %arg9[%swap3A_665, %swap3A_666], %mul3A_664 {strides = array<i32>} : memref<16x1536xf32, #tpu.memory_space<vmem>>, vector<16xf32>,
      %get3A_668 = arith.constant 1152 : index
      %get3A_669 = tpu.vector_load %arg10[%get3A_668] {strides = array<i32>} : memref<1536xf32, #tpu.memory_space<vmem>>, vector<16xf32>,
      %mul3A_670 = arith.mulf %mul3A_237, %get3A_669 : vector<16xf32>
      %swap3A_671 = arith.index_cast %scan3A_227 : i32 to index
      %swap3A_672 = arith.constant 1152 : index
      %swap3A_673 = tpu.vector_load %arg9[%swap3A_671, %swap3A_672] {strides = array<i32>} : memref<16x1536xf32, #tpu.memory_space<vmem>>, vector<16xf32>,
      tpu.vector_store %arg9[%swap3A_671, %swap3A_672], %mul3A_670 {strides = array<i32>} : memref<16x1536xf32, #tpu.memory_space<vmem>>, vector<16xf32>,
      %get3A_674 = arith.constant 1168 : index
      %get3A_675 = tpu.vector_load %arg10[%get3A_674] {strides = array<i32>} : memref<1536xf32, #tpu.memory_space<vmem>>, vector<16xf32>,
      %mul3A_676 = arith.mulf %mul3A_237, %get3A_675 : vector<16xf32>
      %swap3A_677 = arith.index_cast %scan3A_227 : i32 to index
      %swap3A_678 = arith.constant 1168 : index
      %swap3A_679 = tpu.vector_load %arg9[%swap3A_677, %swap3A_678] {strides = array<i32>} : memref<16x1536xf32, #tpu.memory_space<vmem>>, vector<16xf32>,
      tpu.vector_store %arg9[%swap3A_677, %swap3A_678], %mul3A_676 {strides = array<i32>} : memref<16x1536xf32, #tpu.memory_space<vmem>>, vector<16xf32>,
      %get3A_680 = arith.constant 1184 : index
      %get3A_681 = tpu.vector_load %arg10[%get3A_680] {strides = array<i32>} : memref<1536xf32, #tpu.memory_space<vmem>>, vector<16xf32>,
      %mul3A_682 = arith.mulf %mul3A_237, %get3A_681 : vector<16xf32>
      %swap3A_683 = arith.index_cast %scan3A_227 : i32 to index
      %swap3A_684 = arith.constant 1184 : index
      %swap3A_685 = tpu.vector_load %arg9[%swap3A_683, %swap3A_684] {strides = array<i32>} : memref<16x1536xf32, #tpu.memory_space<vmem>>, vector<16xf32>,
      tpu.vector_store %arg9[%swap3A_683, %swap3A_684], %mul3A_682 {strides = array<i32>} : memref<16x1536xf32, #tpu.memory_space<vmem>>, vector<16xf32>,
      %get3A_686 = arith.constant 1200 : index
      %get3A_687 = tpu.vector_load %arg10[%get3A_686] {strides = array<i32>} : memref<1536xf32, #tpu.memory_space<vmem>>, vector<16xf32>,
      %mul3A_688 = arith.mulf %mul3A_237, %get3A_687 : vector<16xf32>
      %swap3A_689 = arith.index_cast %scan3A_227 : i32 to index
      %swap3A_690 = arith.constant 1200 : index
      %swap3A_691 = tpu.vector_load %arg9[%swap3A_689, %swap3A_690] {strides = array<i32>} : memref<16x1536xf32, #tpu.memory_space<vmem>>, vector<16xf32>,
      tpu.vector_store %arg9[%swap3A_689, %swap3A_690], %mul3A_688 {strides = array<i32>} : memref<16x1536xf32, #tpu.memory_space<vmem>>, vector<16xf32>,
      %get3A_692 = arith.constant 1216 : index
      %get3A_693 = tpu.vector_load %arg10[%get3A_692] {strides = array<i32>} : memref<1536xf32, #tpu.memory_space<vmem>>, vector<16xf32>,
      %mul3A_694 = arith.mulf %mul3A_237, %get3A_693 : vector<16xf32>
      %swap3A_695 = arith.index_cast %scan3A_227 : i32 to index
      %swap3A_696 = arith.constant 1216 : index
      %swap3A_697 = tpu.vector_load %arg9[%swap3A_695, %swap3A_696] {strides = array<i32>} : memref<16x1536xf32, #tpu.memory_space<vmem>>, vector<16xf32>,
      tpu.vector_store %arg9[%swap3A_695, %swap3A_696], %mul3A_694 {strides = array<i32>} : memref<16x1536xf32, #tpu.memory_space<vmem>>, vector<16xf32>,
      %get3A_698 = arith.constant 1232 : index
      %get3A_699 = tpu.vector_load %arg10[%get3A_698] {strides = array<i32>} : memref<1536xf32, #tpu.memory_space<vmem>>, vector<16xf32>,
      %mul3A_700 = arith.mulf %mul3A_237, %get3A_699 : vector<16xf32>
      %swap3A_701 = arith.index_cast %scan3A_227 : i32 to index
      %swap3A_702 = arith.constant 1232 : index
      %swap3A_703 = tpu.vector_load %arg9[%swap3A_701, %swap3A_702] {strides = array<i32>} : memref<16x1536xf32, #tpu.memory_space<vmem>>, vector<16xf32>,
      tpu.vector_store %arg9[%swap3A_701, %swap3A_702], %mul3A_700 {strides = array<i32>} : memref<16x1536xf32, #tpu.memory_space<vmem>>, vector<16xf32>,
      %get3A_704 = arith.constant 1248 : index
      %get3A_705 = tpu.vector_load %arg10[%get3A_704] {strides = array<i32>} : memref<1536xf32, #tpu.memory_space<vmem>>, vector<16xf32>,
      %mul3A_706 = arith.mulf %mul3A_237, %get3A_705 : vector<16xf32>
      %swap3A_707 = arith.index_cast %scan3A_227 : i32 to index
      %swap3A_708 = arith.constant 1248 : index
      %swap3A_709 = tpu.vector_load %arg9[%swap3A_707, %swap3A_708] {strides = array<i32>} : memref<16x1536xf32, #tpu.memory_space<vmem>>, vector<16xf32>,
      tpu.vector_store %arg9[%swap3A_707, %swap3A_708], %mul3A_706 {strides = array<i32>} : memref<16x1536xf32, #tpu.memory_space<vmem>>, vector<16xf32>,
      %get3A_710 = arith.constant 1264 : index
      %get3A_711 = tpu.vector_load %arg10[%get3A_710] {strides = array<i32>} : memref<1536xf32, #tpu.memory_space<vmem>>, vector<16xf32>,
      %mul3A_712 = arith.mulf %mul3A_237, %get3A_711 : vector<16xf32>
      %swap3A_713 = arith.index_cast %scan3A_227 : i32 to index
      %swap3A_714 = arith.constant 1264 : index
      %swap3A_715 = tpu.vector_load %arg9[%swap3A_713, %swap3A_714] {strides = array<i32>} : memref<16x1536xf32, #tpu.memory_space<vmem>>, vector<16xf32>,
      tpu.vector_store %arg9[%swap3A_713, %swap3A_714], %mul3A_712 {strides = array<i32>} : memref<16x1536xf32, #tpu.memory_space<vmem>>, vector<16xf32>,
      %get3A_716 = arith.constant 1280 : index
      %get3A_717 = tpu.vector_load %arg10[%get3A_716] {strides = array<i32>} : memref<1536xf32, #tpu.memory_space<vmem>>, vector<16xf32>,
      %mul3A_718 = arith.mulf %mul3A_237, %get3A_717 : vector<16xf32>
      %swap3A_719 = arith.index_cast %scan3A_227 : i32 to index
      %swap3A_720 = arith.constant 1280 : index
      %swap3A_721 = tpu.vector_load %arg9[%swap3A_719, %swap3A_720] {strides = array<i32>} : memref<16x1536xf32, #tpu.memory_space<vmem>>, vector<16xf32>,
      tpu.vector_store %arg9[%swap3A_719, %swap3A_720], %mul3A_718 {strides = array<i32>} : memref<16x1536xf32, #tpu.memory_space<vmem>>, vector<16xf32>,
      %get3A_722 = arith.constant 1296 : index
      %get3A_723 = tpu.vector_load %arg10[%get3A_722] {strides = array<i32>} : memref<1536xf32, #tpu.memory_space<vmem>>, vector<16xf32>,
      %mul3A_724 = arith.mulf %mul3A_237, %get3A_723 : vector<16xf32>
      %swap3A_725 = arith.index_cast %scan3A_227 : i32 to index
      %swap3A_726 = arith.constant 1296 : index
      %swap3A_727 = tpu.vector_load %arg9[%swap3A_725, %swap3A_726] {strides = array<i32>} : memref<16x1536xf32, #tpu.memory_space<vmem>>, vector<16xf32>,
      tpu.vector_store %arg9[%swap3A_725, %swap3A_726], %mul3A_724 {strides = array<i32>} : memref<16x1536xf32, #tpu.memory_space<vmem>>, vector<16xf32>,
      %get3A_728 = arith.constant 1312 : index
      %get3A_729 = tpu.vector_load %arg10[%get3A_728] {strides = array<i32>} : memref<1536xf32, #tpu.memory_space<vmem>>, vector<16xf32>,
      %mul3A_730 = arith.mulf %mul3A_237, %get3A_729 : vector<16xf32>
      %swap3A_731 = arith.index_cast %scan3A_227 : i32 to index
      %swap3A_732 = arith.constant 1312 : index
      %swap3A_733 = tpu.vector_load %arg9[%swap3A_731, %swap3A_732] {strides = array<i32>} : memref<16x1536xf32, #tpu.memory_space<vmem>>, vector<16xf32>,
      tpu.vector_store %arg9[%swap3A_731, %swap3A_732], %mul3A_730 {strides = array<i32>} : memref<16x1536xf32, #tpu.memory_space<vmem>>, vector<16xf32>,
      %get3A_734 = arith.constant 1328 : index
      %get3A_735 = tpu.vector_load %arg10[%get3A_734] {strides = array<i32>} : memref<1536xf32, #tpu.memory_space<vmem>>, vector<16xf32>,
      %mul3A_736 = arith.mulf %mul3A_237, %get3A_735 : vector<16xf32>
      %swap3A_737 = arith.index_cast %scan3A_227 : i32 to index
      %swap3A_738 = arith.constant 1328 : index
      %swap3A_739 = tpu.vector_load %arg9[%swap3A_737, %swap3A_738] {strides = array<i32>} : memref<16x1536xf32, #tpu.memory_space<vmem>>, vector<16xf32>,
      tpu.vector_store %arg9[%swap3A_737, %swap3A_738], %mul3A_736 {strides = array<i32>} : memref<16x1536xf32, #tpu.memory_space<vmem>>, vector<16xf32>,
      %get3A_740 = arith.constant 1344 : index
      %get3A_741 = tpu.vector_load %arg10[%get3A_740] {strides = array<i32>} : memref<1536xf32, #tpu.memory_space<vmem>>, vector<16xf32>,
      %mul3A_742 = arith.mulf %mul3A_237, %get3A_741 : vector<16xf32>
      %swap3A_743 = arith.index_cast %scan3A_227 : i32 to index
      %swap3A_744 = arith.constant 1344 : index
      %swap3A_745 = tpu.vector_load %arg9[%swap3A_743, %swap3A_744] {strides = array<i32>} : memref<16x1536xf32, #tpu.memory_space<vmem>>, vector<16xf32>,
      tpu.vector_store %arg9[%swap3A_743, %swap3A_744], %mul3A_742 {strides = array<i32>} : memref<16x1536xf32, #tpu.memory_space<vmem>>, vector<16xf32>,
      %get3A_746 = arith.constant 1360 : index
      %get3A_747 = tpu.vector_load %arg10[%get3A_746] {strides = array<i32>} : memref<1536xf32, #tpu.memory_space<vmem>>, vector<16xf32>,
      %mul3A_748 = arith.mulf %mul3A_237, %get3A_747 : vector<16xf32>
      %swap3A_749 = arith.index_cast %scan3A_227 : i32 to index
      %swap3A_750 = arith.constant 1360 : index
      %swap3A_751 = tpu.vector_load %arg9[%swap3A_749, %swap3A_750] {strides = array<i32>} : memref<16x1536xf32, #tpu.memory_space<vmem>>, vector<16xf32>,
      tpu.vector_store %arg9[%swap3A_749, %swap3A_750], %mul3A_748 {strides = array<i32>} : memref<16x1536xf32, #tpu.memory_space<vmem>>, vector<16xf32>,
      %get3A_752 = arith.constant 1376 : index
      %get3A_753 = tpu.vector_load %arg10[%get3A_752] {strides = array<i32>} : memref<1536xf32, #tpu.memory_space<vmem>>, vector<16xf32>,
      %mul3A_754 = arith.mulf %mul3A_237, %get3A_753 : vector<16xf32>
      %swap3A_755 = arith.index_cast %scan3A_227 : i32 to index
      %swap3A_756 = arith.constant 1376 : index
      %swap3A_757 = tpu.vector_load %arg9[%swap3A_755, %swap3A_756] {strides = array<i32>} : memref<16x1536xf32, #tpu.memory_space<vmem>>, vector<16xf32>,
      tpu.vector_store %arg9[%swap3A_755, %swap3A_756], %mul3A_754 {strides = array<i32>} : memref<16x1536xf32, #tpu.memory_space<vmem>>, vector<16xf32>,
      %get3A_758 = arith.constant 1392 : index
      %get3A_759 = tpu.vector_load %arg10[%get3A_758] {strides = array<i32>} : memref<1536xf32, #tpu.memory_space<vmem>>, vector<16xf32>,
      %mul3A_760 = arith.mulf %mul3A_237, %get3A_759 : vector<16xf32>
      %swap3A_761 = arith.index_cast %scan3A_227 : i32 to index
      %swap3A_762 = arith.constant 1392 : index
      %swap3A_763 = tpu.vector_load %arg9[%swap3A_761, %swap3A_762] {strides = array<i32>} : memref<16x1536xf32, #tpu.memory_space<vmem>>, vector<16xf32>,
      tpu.vector_store %arg9[%swap3A_761, %swap3A_762], %mul3A_760 {strides = array<i32>} : memref<16x1536xf32, #tpu.memory_space<vmem>>, vector<16xf32>,
      %get3A_764 = arith.constant 1408 : index
      %get3A_765 = tpu.vector_load %arg10[%get3A_764] {strides = array<i32>} : memref<1536xf32, #tpu.memory_space<vmem>>, vector<16xf32>,
      %mul3A_766 = arith.mulf %mul3A_237, %get3A_765 : vector<16xf32>
      %swap3A_767 = arith.index_cast %scan3A_227 : i32 to index
      %swap3A_768 = arith.constant 1408 : index
      %swap3A_769 = tpu.vector_load %arg9[%swap3A_767, %swap3A_768] {strides = array<i32>} : memref<16x1536xf32, #tpu.memory_space<vmem>>, vector<16xf32>,
      tpu.vector_store %arg9[%swap3A_767, %swap3A_768], %mul3A_766 {strides = array<i32>} : memref<16x1536xf32, #tpu.memory_space<vmem>>, vector<16xf32>,
      %get3A_770 = arith.constant 1424 : index
      %get3A_771 = tpu.vector_load %arg10[%get3A_770] {strides = array<i32>} : memref<1536xf32, #tpu.memory_space<vmem>>, vector<16xf32>,
      %mul3A_772 = arith.mulf %mul3A_237, %get3A_771 : vector<16xf32>
      %swap3A_773 = arith.index_cast %scan3A_227 : i32 to index
      %swap3A_774 = arith.constant 1424 : index
      %swap3A_775 = tpu.vector_load %arg9[%swap3A_773, %swap3A_774] {strides = array<i32>} : memref<16x1536xf32, #tpu.memory_space<vmem>>, vector<16xf32>,
      tpu.vector_store %arg9[%swap3A_773, %swap3A_774], %mul3A_772 {strides = array<i32>} : memref<16x1536xf32, #tpu.memory_space<vmem>>, vector<16xf32>,
      %get3A_776 = arith.constant 1440 : index
      %get3A_777 = tpu.vector_load %arg10[%get3A_776] {strides = array<i32>} : memref<1536xf32, #tpu.memory_space<vmem>>, vector<16xf32>,
      %mul3A_778 = arith.mulf %mul3A_237, %get3A_777 : vector<16xf32>
      %swap3A_779 = arith.index_cast %scan3A_227 : i32 to index
      %swap3A_780 = arith.constant 1440 : index
      %swap3A_781 = tpu.vector_load %arg9[%swap3A_779, %swap3A_780] {strides = array<i32>} : memref<16x1536xf32, #tpu.memory_space<vmem>>, vector<16xf32>,
      tpu.vector_store %arg9[%swap3A_779, %swap3A_780], %mul3A_778 {strides = array<i32>} : memref<16x1536xf32, #tpu.memory_space<vmem>>, vector<16xf32>,
      %get3A_782 = arith.constant 1456 : index
      %get3A_783 = tpu.vector_load %arg10[%get3A_782] {strides = array<i32>} : memref<1536xf32, #tpu.memory_space<vmem>>, vector<16xf32>,
      %mul3A_784 = arith.mulf %mul3A_237, %get3A_783 : vector<16xf32>
      %swap3A_785 = arith.index_cast %scan3A_227 : i32 to index
      %swap3A_786 = arith.constant 1456 : index
      %swap3A_787 = tpu.vector_load %arg9[%swap3A_785, %swap3A_786] {strides = array<i32>} : memref<16x1536xf32, #tpu.memory_space<vmem>>, vector<16xf32>,
      tpu.vector_store %arg9[%swap3A_785, %swap3A_786], %mul3A_784 {strides = array<i32>} : memref<16x1536xf32, #tpu.memory_space<vmem>>, vector<16xf32>,
      %get3A_788 = arith.constant 1472 : index
      %get3A_789 = tpu.vector_load %arg10[%get3A_788] {strides = array<i32>} : memref<1536xf32, #tpu.memory_space<vmem>>, vector<16xf32>,
      %mul3A_790 = arith.mulf %mul3A_237, %get3A_789 : vector<16xf32>
      %swap3A_791 = arith.index_cast %scan3A_227 : i32 to index
      %swap3A_792 = arith.constant 1472 : index
      %swap3A_793 = tpu.vector_load %arg9[%swap3A_791, %swap3A_792] {strides = array<i32>} : memref<16x1536xf32, #tpu.memory_space<vmem>>, vector<16xf32>,
      tpu.vector_store %arg9[%swap3A_791, %swap3A_792], %mul3A_790 {strides = array<i32>} : memref<16x1536xf32, #tpu.memory_space<vmem>>, vector<16xf32>,
      %get3A_794 = arith.constant 1488 : index
      %get3A_795 = tpu.vector_load %arg10[%get3A_794] {strides = array<i32>} : memref<1536xf32, #tpu.memory_space<vmem>>, vector<16xf32>,
      %mul3A_796 = arith.mulf %mul3A_237, %get3A_795 : vector<16xf32>
      %swap3A_797 = arith.index_cast %scan3A_227 : i32 to index
      %swap3A_798 = arith.constant 1488 : index
      %swap3A_799 = tpu.vector_load %arg9[%swap3A_797, %swap3A_798] {strides = array<i32>} : memref<16x1536xf32, #tpu.memory_space<vmem>>, vector<16xf32>,
      tpu.vector_store %arg9[%swap3A_797, %swap3A_798], %mul3A_796 {strides = array<i32>} : memref<16x1536xf32, #tpu.memory_space<vmem>>, vector<16xf32>,
      %get3A_800 = arith.constant 1504 : index
      %get3A_801 = tpu.vector_load %arg10[%get3A_800] {strides = array<i32>} : memref<1536xf32, #tpu.memory_space<vmem>>, vector<16xf32>,
      %mul3A_802 = arith.mulf %mul3A_237, %get3A_801 : vector<16xf32>
      %swap3A_803 = arith.index_cast %scan3A_227 : i32 to index
      %swap3A_804 = arith.constant 1504 : index
      %swap3A_805 = tpu.vector_load %arg9[%swap3A_803, %swap3A_804] {strides = array<i32>} : memref<16x1536xf32, #tpu.memory_space<vmem>>, vector<16xf32>,
      tpu.vector_store %arg9[%swap3A_803, %swap3A_804], %mul3A_802 {strides = array<i32>} : memref<16x1536xf32, #tpu.memory_space<vmem>>, vector<16xf32>,
      %get3A_806 = arith.constant 1520 : index
      %get3A_807 = tpu.vector_load %arg10[%get3A_806] {strides = array<i32>} : memref<1536xf32, #tpu.memory_space<vmem>>, vector<16xf32>,
      %mul3A_808 = arith.mulf %mul3A_237, %get3A_807 : vector<16xf32>
      %swap3A_809 = arith.index_cast %scan3A_227 : i32 to index
      %swap3A_810 = arith.constant 1520 : index
      %swap3A_811 = tpu.vector_load %arg9[%swap3A_809, %swap3A_810] {strides = array<i32>} : memref<16x1536xf32, #tpu.memory_space<vmem>>, vector<16xf32>,
      tpu.vector_store %arg9[%swap3A_809, %swap3A_810], %mul3A_808 {strides = array<i32>} : memref<16x1536xf32, #tpu.memory_space<vmem>>, vector<16xf32>,
      %scan3A_812 = arith.constant 0 : i32
      scf.yield %scan3A_812 : i32
    }
    %scan3A_220 = arith.constant 16 : i32
    %mul3A_221 = arith.constant 32 : i32
    %mul3A_222 = arith.muli %add3A, %mul3A_221 : i32
    %add3A_223 = arith.constant 25600 : i32
    %add3A_224 = arith.addi %add3A_223, %mul3A_222 : i32
    %add3A_225 = arith.constant 16 : i32
    %add3A_226 = arith.addi %add3A_224, %add3A_225 : i32
    "tpu.region"() ({
      %run_scoped3A = tpu.sem_alloc : memref<!tpu.dma_semaphore, #tpu.memory_space<semaphore_mem>>
      %dma_start3A_227 = arith.constant 0 : i32
      %dma_start3A_228 = tpu.memref_slice %arg6[%add3A_226, %dma_start3A_227] : memref<26624x1536xf32, #tpu.memory_space<hbm>> -> memref<16x1536xf32, #tpu.memory_space<hbm>>
      %dma_start3A_229 = arith.constant 0 : i32
      %dma_start3A_230 = tpu.memref_slice %arg6[%add3A_226, %dma_start3A_229] : memref<26624x1536xf32, #tpu.memory_space<hbm>> -> memref<16x1536xf32, #tpu.memory_space<hbm>>
      tpu.enqueue_dma source(%arg9 : memref<16x1536xf32, #tpu.memory_space<vmem>>) target(%dma_start3A_230 : memref<16x1536xf32, #tpu.memory_space<hbm>>) target_semaphore(%run_scoped3A : memref<!tpu.dma_semaphore, #tpu.memory_space<semaphore_mem>>)
      %dma_wait3A_231 = arith.constant 0 : i32
      %dma_wait3A_232 = tpu.memref_slice %arg6[%add3A_226, %dma_wait3A_231] : memref<26624x1536xf32, #tpu.memory_space<hbm>> -> memref<16x1536xf32, #tpu.memory_space<hbm>>
      %dma_wait3A_233 = arith.constant 0 : i32
      %dma_wait3A_234 = tpu.memref_slice %arg6[%add3A_226, %dma_wait3A_233] : memref<26624x1536xf32, #tpu.memory_space<hbm>> -> memref<16x1536xf32, #tpu.memory_space<hbm>>
      tpu.wait_dma2 semaphore(%run_scoped3A : memref<!tpu.dma_semaphore, #tpu.memory_space<semaphore_mem>>) src(%arg9 : memref<16x1536xf32, #tpu.memory_space<vmem>>) dst(%dma_wait3A_234 : memref<16x1536xf32, #tpu.memory_space<hbm>>)
      tpu.yield
    }) : () -> ()
    return
  }
}

</mosaic_0001>

<sc_bundles>
// kernel: _emb_layer.3.cloned.1.call-start
scs
__scs_entry_jumppad:
0x0: {  	(pc) =	sbr.rel $0x88, $3  }
0x1: {  	(tag) =	ssettag $0x0;
	lr =	simm.s32 $0x1  }
0x2: {  	[smem:$0x3F9D] =	sst lr;
	_ =	strace $0xD0000000  }
0x3: {  	_ = 	snop  }
0x4: {  	_ = 	snop  }
0x5: {  	_ = 	snop  }
0x6: {  	_ = 	snop  }
0x7: {  	_ = 	snop  }
__scs_overlays_trampoline_lowered:
0x8: {  	[smem:$0x3FAC] =	sst s0  }
0x9: {  	[smem:$0x3FAD] =	sst s1  }
0xa: {  	[smem:$0x3FAE] =	sst s2  }
0xb: {  	[smem:$0x3FAF] =	sst s3  }
0xc: {  	[smem:$0x3FB0] =	sst s4  }
0xd: {  	[smem:$0x3FB1] =	sst s5  }
0xe: {  	[smem:$0x3FB2] =	sst s6  }
0xf: {  	[smem:$0x3FB3] =	sst s7  }
0x10: {  	[smem:$0x3FB4] =	sst s8  }
0x11: {  	[smem:$0x3FB5] =	sst s9;
	s0 =	simm.s32 @!p0 $0x0  }
0x12: {  	s1 =	sld [smem:$0x3F9B];
	s0 =	simm.s32 @p0 $0x1  }
0x13: {  	[smem:$0x3FB6] =	sst s0;
	s0 =	simm.s32 @!p1 $0x0  }
0x14: {  	s2 =	sld [smem:$0x3F9A];
	s0 =	simm.s32 @p1 $0x1  }
0x15: {  	[smem:$0x3FB7] =	sst s0;
	s0 =	simm.s32 @!p2 $0x0  }
0x16: {  	s3 =	sld [smem:$0x3FDB];
	s0 =	simm.s32 @p2 $0x1  }
0x17: {  	s4 =	simm.s32 $0x1BF5;
	[smem:$0x3FB9] =	sst s0  }
0x18: {  	s0 =	sld [smem:$0x3F9C];
	_ =	swait.ge [sflag:s4], $0x0  }
0x19: {  	s7 =	sld [smem:$0x3F9D]  }
0x1a: {  	s8 =	sadd.s32 $0xFFFFE003, lr  }
0x1b: {  	s9 =	sadd.s32 $0xFFFFFEF7, lr;
	s5 =	simm.s32 $0xFFFFFFFF;
	p2 =	slt.u32 s8, $0xFFFFF086  }
0x1c: {  	p1 =	slt.u32 s9, $0xF7A;
	s5 =	simm.s32 @!p2 $0x0  }
0x1d: {  	s5 =	simm.s32 @p1 $0x1;
	p0 =	seq.s32 s7, s2  }
0x1e: {  	s7 =	smul.u32 @!p0 $0xF7A, s2;
	p2 =	seq.s32 @!p0 s5, $0x0  }
0x1f: {  	s9 =	smul.u32 $0xF7A, s1;
	s8 =	simm.s32 @!p0 $0x1BF5;
	p2 =	por !p2, p0  }
0x20: {  	[sflag:s8] =	ssyncset.s32 @!p0 $0xFFFFF086;
	s6 =	sadd.s32 @!p0 s3, s7;
	s7 =	simm.s32 @!p0 $0x108  }
0x21: {  	s3 =	sadd.s32 s3, s9;
	s6 =	sadd.s32 @!p0 $0x88, s6;
	s7 =	simm.s32 @p2 $0x1082  }
0x22: {  	[simem:s7], [sflag:s8] =	dma.local @!p0 [hbm:s6], $0xF7A  }
0x23: {  	s9 =	sor.u32 $0xD0000000, s2;
	s6 =	simm.s32 $0x108;
	_ =	swait.ge @!p0 [sflag:s8], $0x0  }
0x24: {  	s3 =	sadd.s32 $0x88, s3;
	s6 =	simm.s32 @!p1 $0x1082;
	[sflag:s4] =	ssyncset.s32 $0xFFFFF086  }
0x25: {  	[simem:s6], [sflag:s4] =	dma.local [hbm:s3], $0xF7A  }
0x26: {  	[smem:$0x3F9D] =	sst s1;
	(tag) =	ssettag s2;
	_ =	strace s9  }
0x27: {  	s1 =	sld [smem:$0x3FAD]  }
0x28: {  	s2 =	sld [smem:$0x3FAE]  }
0x29: {  	s4 =	sld [smem:$0x3FB0]  }
0x2a: {  	p0 =	seq.s32 s5, $0x0;
	s5 =	sld [smem:$0x3FB1]  }
0x2b: {  	s6 =	sld [smem:$0x3FB2]  }
0x2c: {  	s7 =	sld [smem:$0x3FB3]  }
0x2d: {  	s3 =	simm.s32 $0x108;
	s8 =	sld [smem:$0x3FB4]  }
0x2e: {  	s3 =	simm.s32 @!p0 $0x1082;
	s9 =	sld [smem:$0x3FB5]  }
0x2f: {  	lr =	sadd.s32 s0, s3;
	s0 =	sld [smem:$0x3FAC]  }
0x30: {  	s3 =	sld [smem:$0x3FAF]  }
0x31: {  	[smem:$0x3FB8] =	sst s10  }
0x32: {  	s10 =	sld [smem:$0x3FB6];
	_ =	sdelay $0x3  }
0x33: {  	p0 =	seq.s32 s10, $0x1;
	s10 =	sld [smem:$0x3FB8];
	_ =	sdelay $0x3  }
0x34: {  	[smem:$0x3FB8] =	sst s10  }
0x35: {  	s10 =	sld [smem:$0x3FB7];
	_ =	sdelay $0x3  }
0x36: {  	p1 =	seq.s32 s10, $0x1;
	s10 =	sld [smem:$0x3FB8];
	_ =	sdelay $0x3  }
0x37: {  	[smem:$0x3FB8] =	sst s10  }
0x38: {  	s10 =	sld [smem:$0x3FB9]  }
0x39: {  	_ = 	snop;
	(pc) =	sbr.ind lr, $3  }
0x3a: {  	_ = 	snop  }
0x3b: {  	_ = 	snop  }
0x3c: {  	p2 =	seq.s32 s10, $0x1;
	s10 =	sld [smem:$0x3FB8]  }
0x3d: {  	_ =	shalt  }
0x3e: {  	_ =	shalt  }
0x3f: {  	_ =	shalt  }
0x40: {  	_ =	shalt  }
0x41: {  	_ =	shalt  }
0x42: {  	_ =	shalt  }
0x43: {  	_ =	shalt  }
0x44: {  	_ =	shalt  }
0x45: {  	_ =	shalt  }
0x46: {  	_ =	shalt  }
0x47: {  	_ =	shalt  }
0x48: {  	_ =	shalt  }
0x49: {  	_ =	shalt  }
0x4a: {  	_ =	shalt  }
0x4b: {  	_ =	shalt  }
0x4c: {  	_ =	shalt  }
0x4d: {  	_ =	shalt  }
0x4e: {  	_ =	shalt  }
0x4f: {  	_ =	shalt  }
0x50: {  	_ =	shalt  }
0x51: {  	_ =	shalt  }
0x52: {  	_ =	shalt  }
0x53: {  	_ =	shalt  }
0x54: {  	_ =	shalt  }
0x55: {  	_ =	shalt  }
0x56: {  	_ =	shalt  }
0x57: {  	_ =	shalt  }
0x58: {  	_ =	shalt  }
0x59: {  	_ =	shalt  }
0x5a: {  	_ =	shalt  }
0x5b: {  	_ =	shalt  }
0x5c: {  	_ =	shalt  }
0x5d: {  	_ =	shalt  }
0x5e: {  	_ =	shalt  }
0x5f: {  	_ =	shalt  }
0x60: {  	_ =	shalt  }
0x61: {  	_ =	shalt  }
0x62: {  	_ =	shalt  }
0x63: {  	_ =	shalt  }
0x64: {  	_ =	shalt  }
0x65: {  	_ =	shalt  }
0x66: {  	_ =	shalt  }
0x67: {  	_ =	shalt  }
0x68: {  	_ =	shalt  }
0x69: {  	_ =	shalt  }
0x6a: {  	_ =	shalt  }
0x6b: {  	_ =	shalt  }
0x6c: {  	_ =	shalt  }
0x6d: {  	_ =	shalt  }
0x6e: {  	_ =	shalt  }
0x6f: {  	_ =	shalt  }
0x70: {  	_ =	shalt  }
0x71: {  	_ =	shalt  }
0x72: {  	_ =	shalt  }
0x73: {  	_ =	shalt  }
0x74: {  	_ =	shalt  }
0x75: {  	_ =	shalt  }
0x76: {  	_ =	shalt  }
0x77: {  	_ =	shalt  }
0x78: {  	_ =	shalt  }
0x79: {  	_ =	shalt  }
0x7a: {  	_ =	shalt  }
0x7b: {  	_ =	shalt  }
0x7c: {  	_ =	shalt  }
0x7d: {  	_ =	shalt  }
0x7e: {  	_ =	shalt  }
0x7f: {  	_ =	shalt  }
0x80: {  	_ =	shalt  }
0x81: {  	_ =	shalt  }
0x82: {  	_ =	shalt  }
0x83: {  	_ =	shalt  }
0x84: {  	_ =	shalt  }
0x85: {  	_ =	shalt  }
0x86: {  	_ =	shalt  }
0x87: {  	_ =	shalt  }
.Lfunc_end0:
.L_simem_size_0:
called_computation_lowered:
.L_overlay_start_0:
0x88: {  	s2 =	sld [smem:$0x3FD9]  }
0x89: {  	s3 =	sld [smem:$0x3FFE];
	_ =	sdelay $0x1  }
0x8a: {  	s1 =	srdreg.scid  }
0x8b: {  	s0 =	sand.u32 $0x1, s1  }
0x8c: {  	s18 =	sshll.u32 s0, $0xA;
	s2 =	sadd.s32 s3, s2  }
0x8d: {  	s2 =	sadd.s32 s2, s18  }
0x8e: {  	[smem:$0x3FC4] =	sst s2  }
0x8f: {  	_ = 	snop  }
0x90: {  	s2 =	sld [smem:$0x3FC9]  }
0x91: {  	s19 =	sld [smem:$0x3FC8]  }
0x92: {  	s4 =	sld [smem:$0x3FC7]  }
0x93: {  	s5 =	sld [smem:$0x3FC6]  }
0x94: {  	s6 =	sld [smem:$0x3FD0];
	(tm) =	ssettm $0x1  }
0x95: {  	s7 =	sld [smem:$0x3FFB];
	_ =	sdelay $0x3  }
0x96: {  	_ =	strace s7  }
0x97: {  	s7 =	sld [smem:$0x3FFC];
	_ =	sdelay $0x3  }
0x98: {  	_ =	strace s7  }
0x99: {  	s7 =	sld [smem:$0x3FFD];
	_ =	sdelay $0x3  }
0x9a: {  	_ =	strace s7  }
0x9b: {  	_ =	strace $0x8FFFFFFF  }
0x9c: {  	s20 =	sld [smem:$0x3FDB];
	_ =	sdelay $0x1  }
0x9d: {  	s8 =	simm.s32 $_scs_section_size  }
0x9e: {  	s9 =	simm.s32 $_size__tile_overlayer_lowered;
	s10 =	simm.s32 $_tile_overlayer_lowered  }
0x9f: {  	s23 =	simm.s32 $0x1BFF;
	s22 =	sshll.u32 s10, $0x1;
	s7 =	sadd.s32 s8, s20  }
0xa0: {  	s11 =	simm.s32 $0x0;
	s21 =	sshll.u32 s9, $0x1;
	s9 =	sadd.s32 s22, s7  }
0xa1: {  	[timem:s11], [sflag:s23] =	dma.local [hbm:s9], s21  }
0xa2: {  	_ =	swait.ge [sflag:s23], s21  }
0xa3: {  	s8 =	ssub.s32 $0x0, s21;
	[sflag:s23] =	ssyncset.done $0x0  }
0xa4: {  	[sflag:s23] =	ssyncadd.s32 s8;
	_ =	sdelay $0x1  }
0xa5: {  	s24 =	simm.s32 $0x1B8B  }
0xa6: {  	_ =	swait.ge [sflag:s24], $0x1  }
0xa7: {  	[sflag:s24] =	ssyncset.done $0x0  }
0xa8: {  	s25 =	simm.s32 $0x1B8E;
	[sflag:s24] =	ssyncadd.s32 $0xFFFFFFFF  }
0xa9: {  	s26 =	simm.s32 $execute0_lowered;
	[smem:$0x3FD2] =	sst s25  }
0xaa: {  	s8 =	sshll.u32 s26, $0x1;
	_ =	strace $0x80000046;
	[dreg:$0x1] =	wrdreg $0xFFFFFFFF  }
0xab: {  	s28 =	simm.s32 $_size_execute0_lowered;
	s7 =	sadd.s32 s7, s8;
	[dreg:$0x0] =	wrdreg $0x0  }
0xac: {  	s8 =	sshll.u32 s28, $0x1;
	[dreg:$0x2] =	wrdreg s7  }
0xad: {  	[dreg:$0x3] =	wrdreg s8  }
0xae: {  	[dreg:$0x4] =	wrdreg $0xC0  }
0xaf: {  	_ =	task [dreg:s11], $0x5FFFF  }
0xb0: {  	[dreg:$0x1] =	wrdreg $0xFFFFFFFF  }
0xb1: {  	[dreg:$0x0] =	wrdreg $0x60  }
0xb2: {  	[dreg:$0x2] =	wrdreg s2  }
0xb3: {  	[dreg:$0x3] =	wrdreg s19  }
0xb4: {  	[dreg:$0x4] =	wrdreg s4  }
0xb5: {  	[dreg:$0x5] =	wrdreg s5  }
0xb6: {  	[dreg:$0x6] =	wrdreg s6  }
0xb7: {  	[dreg:$0x7] =	wrdreg $0x9  }
0xb8: {  	_ =	task.clear_ibuf [dreg:s11], $0x8FFFF;
	_ =	strace $0x90000046  }
0xb9: {  	s29 =	simm.s32 $0x9;
	_ =	strace $0x80000048  }
0xba: {  	_ =	swait.ge [sflag:s29], $0x1  }
0xbb: {  	[sflag:s29] =	ssyncadd.s32 $0xFFFFFFFF  }
0xbc: {  	_ =	strace $0x90000048  }
0xbd: {  	_ =	sfence  }
0xbe: {  	s30 =	sld [smem:$0x0];
	_ =	sdelay $0x2  }
0xbf: {  	s31 =	sshll.u32 s1, $0xD;
	s1 =	sshrl.u32 s1, $0x2  }
0xc0: {  	s3 =	sand.u32 $0x4000, s31;
	s1 =	sadd.s32 s1, s30  }
0xc1: {  	s0 =	sor.u32 s3, s0;
	s1 =	sshll.u32 s1, $0x11  }
0xc2: {  	s0 =	sor.u32 s1, s0  }
0xc3: {  	s0 =	sadd.s32 $0x8F2B, s0  }
0xc4: {  	[sflag:s0] =	ssyncadd.remote.s32 $0x1  }
0xc5: {  	_ =	sfence.sel $0xFFFF  }
0xc6: {  	[dreg:$0x0] =	wrdreg $0xFFFFFFFF;
	(pc) =	sbr.abs _section_cstart, $3  }
0xc7: {  	[dreg:$0x1] =	wrdreg $0xFFFFFFFF  }
0xc8: {  	_ =	task.clear_ibuf [dreg:s11], $0x2FFFF;
	_ =	strace $0x9FFFFFFF  }
0xc9: {  	(tm) =	ssettm $0x7FFFFFFF  }
tec
execute0_lowered:
.L_overlay_start_1:
0x0: {  	(tag) =	ssettag $0x1  }
0x1: {  	s0 =	rddreg [dreg:$0x0]  }
0x2: {  	s1 =	srdreg.scid;
	s2 =	rddreg [dreg:$0x2]  }
0x3: {  	s15 =	stileid.u32;
	s16 =	rddreg [dreg:$0x4];
	s5 =	simm.s32 $0x0  }
0x4: {  	s17 =	simm.s32 $0x9;
	s19 =	simm.s32 $0x1E980;
	v0 =	vimm.s32 $0x76543210;
	s28 =	simm.s32 $0x11380  }
0x5: {  	v1 =	vimm.s32 $0xFEDCBA98;
	v2 =	vimm.s32 $0xBA98FEDC;
	s29 =	simm.s32 $0x11B80;
	s30 =	simm.s32 $0x7;
	s31 =	simm.s32 $0x8  }
0x6: {  	v3 =	vimm.s32 $0x32107654;
	v4 =	vimm.s32 $0xDCFE98BA;
	v5 =	vimm.s32 $0x54761032;
	s1 =	sand.u32 $0x1, s1;
	s3 =	sshll.u32 s15, $0x1;
	s4 =	sshrl.u32 s15, $0x2  }
0x7: {  	v6 =	vimm.s32 $0xEFCDAB89;
	[smem:$0x7FF] =	sst s5;
	s8 =	sadd.s32 $0x200, s2;
	s23 =	smul.u32 $0x640, s15  }
0x8: {  	v7 =	vimm.s32 $0x67452301;
	s9 =	sadd.s32 $0x300, s2;
	s10 =	sadd.s32 $0x400, s2;
	s11 =	sadd.s32 $0x500, s2  }
0x9: {  	vm0 =	vmmov $0xffff;
	s26 =	sshll.u32 s15, $0x6;
	v2 =	vunpack.c.l.s4.s8 v2;
	v3 =	vunpack.c.l.s4.s8 v3;
	s3 =	sor.u32 s1, s3;
	s4 =	smul.u32 $0x1C00, s4  }
0xa: {  	v0 =	vunpack.c.l.s4.s8 v0;
	v4 =	vunpack.c.l.s4.s8 v4;
	v5 =	vunpack.c.l.s4.s8 v5;
	s7 =	ssub.s32 $0x2, s1;
	_ =	strace $0x80000047;
	s6 =	sshll.u32 s3, $0x7  }
0xb: {  	v6 =	vunpack.c.l.s4.s8 v6;
	s24 =	smul.u32 $0x320, s1;
	s1 =	sshll.u32 s1, $0x5;
	v2 =	vunpack.c.0.s8.s32 v2;
	v3 =	vunpack.c.0.s8.s32 v3;
	s6 =	sand.u32 $0x380, s6  }
0xc: {  	v7 =	vunpack.c.l.s4.s8 v7;
	v1 =	vunpack.c.l.s4.s8 v1;
	s21 =	sshrl.u32 s7, $0x1;
	s22 =	smul.u32 $0x1800, s3;
	v4 =	vunpack.c.0.s8.s32 v4;
	s4 =	sor.u32 s4, s6  }
0xd: {  	s15 =	sor.u32 s1, s26;
	v5 =	vunpack.c.0.s8.s32 v5;
	s3 =	simm.s32 $0x5;
	v8 =	vcombine.low v3, v2;
	v2 =	vunpack.c.0.s8.s32 v6;
	s4 =	sshrl.u32 s4, $0x3  }
0xe: {  	s25 =	sadd.s32 s24, s23;
	v3 =	vunpack.c.0.s8.s32 v7;
	v6 =	vlaneseq.u32;
	v7 =	vunpack.c.0.s8.s32 v1;
	s6 =	sadd.s32 s0, s4;
	s0 =	sadd.s32 s22, s16  }
0xf: {  	v5 =	vcombine.low v5, v4;
	v4 =	vunpack.c.0.s8.s32 v0;
	v1 =	vshrl.u32 v6, $0x3;
	s12 =	sadd.s32 $0x4B0000, s0;
	s13 =	sadd.s32 $0x4B0C00, s0;
	s0 =	sshrl.u32 s25, $0x3  }
0x10: {  	s1 =	simm.s32 $0x18380;
	s14 =	ssub.s32 s7, s21;
	v0 =	vand.u32 $0x7, v6;
	v9 =	vcombine.low v3, v2;
	v1 =	vmul.u32 $0x8, v1;
	s0 =	smul.u32 $0x600, s0  }
0x11: {  	s7 =	sadd.s32 $0x100, s2;
	s24 =	sor.u32 $0x10, s15;
	s14 =	smax.u32 s14, $0x1;
	v3 =	vand.u32 $0xF, v7;
	v2 =	vor.u32 $0x8, v6;
	v5 =	vand.u32 $0xF, v5  }
0x12: {  	s4 =	simm.s32 $0x0;
	v3 =	vcombine.low v3, v4;
	v4 =	vand.u32 $0xF, v8;
	v6 =	vand.u32 $0xF, v9;
	s23 =	sadd.s32 s0, s16;
	s0 =	simm.s32 $0x6  }
.LBB2_1:
0x13: {  	s16 =	simm.s32 $0x400;
	s18 =	simm.s32 $0x80  }
0x14: {  	[tilespmem:s5], [sflag:$0x9] =	stream.strided.gather [hbm4b:s6+s18], $0x380, s16, s18, $0x38;
	[tilespmem:$0x1ED80] =	vst v63  }
0x15: {  	_ =	swait.ge [sflag:s17], $0x380  }
0x16: {  	[sflag:s17] =	ssyncset.done $0x0  }
0x17: {  	[sflag:s17] =	ssyncadd.s32 $0xFFFFFC80  }
0x18: {  	s26 =	simm.s32 $0x1E380;
	s25 =	rddreg [dreg:$0x3]  }
0x19: {  	[tilespmem:s26], [sflag:$0x9] =	stream.linear.gather [hbm4b:s25+s5], $0x600, $0x38;
	[tilespmem:$0x1ED80] =	vst v63  }
0x1a: {  	_ =	swait.ge [sflag:s17], $0x600  }
0x1b: {  	[sflag:s17] =	ssyncset.done $0x0  }
0x1c: {  	[sflag:s17] =	ssyncadd.s32 $0xFFFFFA00  }
0x1d: {  	s20 =	rddreg [dreg:$0x1]  }
0x1e: {  	[tilespmem:s19], [sflag:$0x9] =	stream.linear.gather [hbm4b:s20+s5], $0x400, $0x38;
	[tilespmem:$0x1ED80] =	vst v63  }
0x1f: {  	_ =	swait.ge [sflag:s17], $0x400  }
0x20: {  	[sflag:s17] =	ssyncset.done $0x0  }
0x21: {  	[sflag:s17] =	ssyncadd.s32 $0xFFFFFC00  }
0x22: {  	v7 =	vld [tilespmem:$0x0];
	_ =	sdelay $0x4  }
0x23: {  	v8 =	vshrl.u32 v7, $0x3  }
0x24: {  	v8 =	vmul.u32 $0x60, v8  }
0x25: {  	v7 =	vand.u32 $0x7, v7  }
0x26: {  	v7 =	vor.u32 v7, v8  }
0x27: {  	v8 =	vperm.xlane v7, v0;
	_ =	sdelay $0x1  }
0x28: {  	v8 =	vadd.s32 v1, v8;
	_ =	sdelay $0x3  }
0x29: {  	s21 =	simm.s32 $0x380  }
0x2a: {  	[tilespmem:s21], [sflag:$0x1] =	stream.indirect_vreg.gather [hbm4b:s2+s5], $0x80, v8, vm0, $0xb8;
	[tilespmem:$0x1ED80] =	vst v63  }
0x2b: {  	s22 =	simm.s32 $0xB80  }
0x2c: {  	[tilespmem:s22], [sflag:$0x1] =	stream.indirect_vreg.gather [hbm4b:s7+s5], $0x80, v8, vm0, $0xb8;
	[tilespmem:$0x1ED80] =	vst v63  }
0x2d: {  	s25 =	simm.s32 $0x1380  }
0x2e: {  	[tilespmem:s25], [sflag:$0x1] =	stream.indirect_vreg.gather [hbm4b:s8+s5], $0x80, v8, vm0, $0xb8;
	[tilespmem:$0x1ED80] =	vst v63  }
0x2f: {  	s26 =	simm.s32 $0x1B80;
	v7 =	vperm.xlane v7, v2  }
0x30: {  	[tilespmem:s26], [sflag:$0x1] =	stream.indirect_vreg.gather [hbm4b:s9+s5], $0x80, v8, vm0, $0xb8;
	[tilespmem:$0x1ED80] =	vst v63  }
0x31: {  	s18 =	simm.s32 $0x2380;
	v7 =	vadd.s32 v1, v7  }
0x32: {  	[tilespmem:s18], [sflag:$0x1] =	stream.indirect_vreg.gather [hbm4b:s10+s5], $0x80, v8, vm0, $0xb8;
	[tilespmem:$0x1ED80] =	vst v63  }
0x33: {  	s20 =	simm.s32 $0x2B80  }
0x34: {  	[tilespmem:s20], [sflag:$0x1] =	stream.indirect_vreg.gather [hbm4b:s11+s5], $0x80, v8, vm0, $0xb8;
	[tilespmem:$0x1ED80] =	vst v63  }
0x35: {  	s21 =	simm.s32 $0x3380  }
0x36: {  	[tilespmem:s21], [sflag:$0x1] =	stream.indirect_vreg.gather [hbm4b:s2+s5], $0x80, v7, vm0, $0xb8;
	[tilespmem:$0x1ED80] =	vst v63  }
0x37: {  	s22 =	simm.s32 $0x3B80  }
0x38: {  	[tilespmem:s22], [sflag:$0x1] =	stream.indirect_vreg.gather [hbm4b:s7+s5], $0x80, v7, vm0, $0xb8;
	[tilespmem:$0x1ED80] =	vst v63  }
0x39: {  	s25 =	simm.s32 $0x4380  }
0x3a: {  	[tilespmem:s25], [sflag:$0x1] =	stream.indirect_vreg.gather [hbm4b:s8+s5], $0x80, v7, vm0, $0xb8;
	[tilespmem:$0x1ED80] =	vst v63  }
0x3b: {  	s26 =	simm.s32 $0x4B80  }
0x3c: {  	[tilespmem:s26], [sflag:$0x1] =	stream.indirect_vreg.gather [hbm4b:s9+s5], $0x80, v7, vm0, $0xb8;
	[tilespmem:$0x1ED80] =	vst v63  }
0x3d: {  	s18 =	simm.s32 $0x5380  }
0x3e: {  	[tilespmem:s18], [sflag:$0x1] =	stream.indirect_vreg.gather [hbm4b:s10+s5], $0x80, v7, vm0, $0xb8;
	[tilespmem:$0x1ED80] =	vst v63  }
0x3f: {  	s20 =	simm.s32 $0x5B80  }
0x40: {  	[tilespmem:s20], [sflag:$0x1] =	stream.indirect_vreg.gather [hbm4b:s11+s5], $0x80, v7, vm0, $0xb8;
	[tilespmem:$0x1ED80] =	vst v63  }
0x41: {  	v7 =	vld [tilespmem:$0x10];
	_ =	sdelay $0x4  }
0x42: {  	v8 =	vshrl.u32 v7, $0x3  }
0x43: {  	v8 =	vmul.u32 $0x60, v8  }
0x44: {  	v7 =	vand.u32 $0x7, v7  }
0x45: {  	v7 =	vor.u32 v7, v8  }
0x46: {  	v8 =	vperm.xlane v7, v0;
	_ =	sdelay $0x1  }
0x47: {  	v8 =	vadd.s32 v1, v8;
	_ =	sdelay $0x3  }
0x48: {  	s21 =	simm.s32 $0x6380  }
0x49: {  	[tilespmem:s21], [sflag:$0x2] =	stream.indirect_vreg.gather [hbm4b:s2+s5], $0x80, v8, vm0, $0xb8;
	[tilespmem:$0x1ED80] =	vst v63  }
0x4a: {  	s22 =	simm.s32 $0x6B80  }
0x4b: {  	[tilespmem:s22], [sflag:$0x2] =	stream.indirect_vreg.gather [hbm4b:s7+s5], $0x80, v8, vm0, $0xb8;
	[tilespmem:$0x1ED80] =	vst v63  }
0x4c: {  	s25 =	simm.s32 $0x7380  }
0x4d: {  	[tilespmem:s25], [sflag:$0x2] =	stream.indirect_vreg.gather [hbm4b:s8+s5], $0x80, v8, vm0, $0xb8;
	[tilespmem:$0x1ED80] =	vst v63  }
0x4e: {  	s26 =	simm.s32 $0x7B80;
	v7 =	vperm.xlane v7, v2  }
0x4f: {  	[tilespmem:s26], [sflag:$0x2] =	stream.indirect_vreg.gather [hbm4b:s9+s5], $0x80, v8, vm0, $0xb8;
	[tilespmem:$0x1ED80] =	vst v63  }
0x50: {  	s18 =	simm.s32 $0x8380;
	v7 =	vadd.s32 v1, v7  }
0x51: {  	[tilespmem:s18], [sflag:$0x2] =	stream.indirect_vreg.gather [hbm4b:s10+s5], $0x80, v8, vm0, $0xb8;
	[tilespmem:$0x1ED80] =	vst v63  }
0x52: {  	s20 =	simm.s32 $0x8B80  }
0x53: {  	[tilespmem:s20], [sflag:$0x2] =	stream.indirect_vreg.gather [hbm4b:s11+s5], $0x80, v8, vm0, $0xb8;
	[tilespmem:$0x1ED80] =	vst v63  }
0x54: {  	s21 =	simm.s32 $0x9380  }
0x55: {  	[tilespmem:s21], [sflag:$0x2] =	stream.indirect_vreg.gather [hbm4b:s2+s5], $0x80, v7, vm0, $0xb8;
	[tilespmem:$0x1ED80] =	vst v63  }
0x56: {  	s22 =	simm.s32 $0x9B80  }
0x57: {  	[tilespmem:s22], [sflag:$0x2] =	stream.indirect_vreg.gather [hbm4b:s7+s5], $0x80, v7, vm0, $0xb8;
	[tilespmem:$0x1ED80] =	vst v63  }
0x58: {  	s25 =	simm.s32 $0xA380  }
0x59: {  	[tilespmem:s25], [sflag:$0x2] =	stream.indirect_vreg.gather [hbm4b:s8+s5], $0x80, v7, vm0, $0xb8;
	[tilespmem:$0x1ED80] =	vst v63  }
0x5a: {  	s26 =	simm.s32 $0xAB80  }
0x5b: {  	[tilespmem:s26], [sflag:$0x2] =	stream.indirect_vreg.gather [hbm4b:s9+s5], $0x80, v7, vm0, $0xb8;
	[tilespmem:$0x1ED80] =	vst v63  }
0x5c: {  	s18 =	simm.s32 $0xB380  }
0x5d: {  	[tilespmem:s18], [sflag:$0x2] =	stream.indirect_vreg.gather [hbm4b:s10+s5], $0x80, v7, vm0, $0xb8;
	[tilespmem:$0x1ED80] =	vst v63  }
0x5e: {  	s20 =	simm.s32 $0xBB80  }
0x5f: {  	[tilespmem:s20], [sflag:$0x2] =	stream.indirect_vreg.gather [hbm4b:s11+s5], $0x80, v7, vm0, $0xb8;
	[tilespmem:$0x1ED80] =	vst v63  }
0x60: {  	v7 =	vld [tilespmem:$0x20];
	_ =	sdelay $0x4  }
0x61: {  	v8 =	vshrl.u32 v7, $0x3  }
0x62: {  	v8 =	vmul.u32 $0x60, v8  }
0x63: {  	v7 =	vand.u32 $0x7, v7  }
0x64: {  	v7 =	vor.u32 v7, v8  }
0x65: {  	v8 =	vperm.xlane v7, v0;
	_ =	sdelay $0x1  }
0x66: {  	v8 =	vadd.s32 v1, v8;
	_ =	sdelay $0x3  }
0x67: {  	s21 =	simm.s32 $0xC380  }
0x68: {  	[tilespmem:s21], [sflag:$0x3] =	stream.indirect_vreg.gather [hbm4b:s2+s5], $0x80, v8, vm0, $0xb8;
	[tilespmem:$0x1ED80] =	vst v63  }
0x69: {  	s22 =	simm.s32 $0xCB80  }
0x6a: {  	[tilespmem:s22], [sflag:$0x3] =	stream.indirect_vreg.gather [hbm4b:s7+s5], $0x80, v8, vm0, $0xb8;
	[tilespmem:$0x1ED80] =	vst v63  }
0x6b: {  	s25 =	simm.s32 $0xD380  }
0x6c: {  	[tilespmem:s25], [sflag:$0x3] =	stream.indirect_vreg.gather [hbm4b:s8+s5], $0x80, v8, vm0, $0xb8;
	[tilespmem:$0x1ED80] =	vst v63  }
0x6d: {  	s26 =	simm.s32 $0xDB80;
	v7 =	vperm.xlane v7, v2  }
0x6e: {  	[tilespmem:s26], [sflag:$0x3] =	stream.indirect_vreg.gather [hbm4b:s9+s5], $0x80, v8, vm0, $0xb8;
	[tilespmem:$0x1ED80] =	vst v63  }
0x6f: {  	s18 =	simm.s32 $0xE380;
	v7 =	vadd.s32 v1, v7  }
0x70: {  	[tilespmem:s18], [sflag:$0x3] =	stream.indirect_vreg.gather [hbm4b:s10+s5], $0x80, v8, vm0, $0xb8;
	[tilespmem:$0x1ED80] =	vst v63  }
0x71: {  	s20 =	simm.s32 $0xEB80  }
0x72: {  	[tilespmem:s20], [sflag:$0x3] =	stream.indirect_vreg.gather [hbm4b:s11+s5], $0x80, v8, vm0, $0xb8;
	[tilespmem:$0x1ED80] =	vst v63  }
0x73: {  	s21 =	simm.s32 $0xF380  }
0x74: {  	[tilespmem:s21], [sflag:$0x3] =	stream.indirect_vreg.gather [hbm4b:s2+s5], $0x80, v7, vm0, $0xb8;
	[tilespmem:$0x1ED80] =	vst v63  }
0x75: {  	s22 =	simm.s32 $0xFB80  }
0x76: {  	[tilespmem:s22], [sflag:$0x3] =	stream.indirect_vreg.gather [hbm4b:s7+s5], $0x80, v7, vm0, $0xb8;
	[tilespmem:$0x1ED80] =	vst v63  }
0x77: {  	s25 =	simm.s32 $0x10380  }
0x78: {  	[tilespmem:s25], [sflag:$0x3] =	stream.indirect_vreg.gather [hbm4b:s8+s5], $0x80, v7, vm0, $0xb8;
	[tilespmem:$0x1ED80] =	vst v63  }
0x79: {  	s26 =	simm.s32 $0x10B80  }
0x7a: {  	[tilespmem:s26], [sflag:$0x3] =	stream.indirect_vreg.gather [hbm4b:s9+s5], $0x80, v7, vm0, $0xb8;
	[tilespmem:$0x1ED80] =	vst v63  }
0x7b: {  	_ = 	snop  }
0x7c: {  	[tilespmem:s28], [sflag:$0x3] =	stream.indirect_vreg.gather [hbm4b:s10+s5], $0x80, v7, vm0, $0xb8;
	[tilespmem:$0x1ED80] =	vst v63  }
0x7d: {  	s16 =	simm.s32 $0x30;
	s18 =	smov.u32 s23;
	s20 =	simm.s32 $0x0  }
0x7e: {  	[tilespmem:s29], [sflag:$0x3] =	stream.indirect_vreg.gather [hbm4b:s11+s5], $0x80, v7, vm0, $0xb8;
	[tilespmem:$0x1ED80] =	vst v63  }
.LBB2_2:
0x7f: {  	s21 =	sand.u32 $0x3, s20  }
0x80: {  	p0 =	sne.s32 s21, $0x0  }
0x81: {  	s22 =	simm.s32 @!p0 $0x1  }
0x82: {  	_ =	swait.ge @!p0 [sflag:s22], $0x6000  }
0x83: {  	s26 =	sadd.s32 $0xFFFFFFFF, s20;
	[sflag:s22] =	ssyncset.done @!p0 $0x0  }
0x84: {  	s25 =	simm.s32 @!p0 $0x380;
	[sflag:s22] =	ssyncadd.s32 @!p0 $0xFFFFA000;
	s22 =	simm.s32 @!p0 $0x0  }
0x85: {  	[hbm4b:s18+s22] =	stream.linear.scatter @!p0 [tilespmem:s25], [sflag:$0x5], $0x6000, $0x38;
	[tilespmem:$0x1ED80] =	vst v63  }
0x86: {  	p0 =	sgt.u32 s20, $0x2E;
	s22 =	sand.u32 $0x3, s26  }
0x87: {  	p2 =	sne.s32 @!p0 s22, $0x0  }
0x88: {  	p1 =	por p2, p0  }
0x89: {  	p3 =	seq.s32 @!p1 s20, $0x0  }
0x8a: {  	p2 =	por @!p0 p3, p2  }
0x8b: {  	p2 =	por p2, p0  }
0x8c: {  	s25 =	simm.s32 @!p2 $0x5  }
0x8d: {  	_ =	swait.ge @!p2 [sflag:s25], $0x6000  }
0x8e: {  	[sflag:s25] =	ssyncset.done @!p2 $0x0  }
0x8f: {  	[sflag:s25] =	ssyncadd.s32 @!p2 $0xFFFFA000  }
0x90: {  	v7 =	vld @!p1 [tilespmem:s16+$0x0];
	_ =	sdelay $0x4  }
0x91: {  	v8 =	vshrl.u32 @!p1 v7, $0x3  }
0x92: {  	v8 =	vmul.u32 @!p1 $0x60, v8  }
0x93: {  	v9 =	vlaneseq.u32 @!p1;
	v7 =	vand.u32 @!p1 $0x7, v7  }
0x94: {  	v10 =	vshrl.u32 @!p1 v9, $0x3;
	v7 =	vor.u32 @!p1 v7, v8;
	v8 =	vand.u32 @!p1 $0x7, v9  }
0x95: {  	v10 =	vmul.u32 @!p1 $0x8, v10;
	v8 =	vperm.xlane @!p1 v7, v8;
	_ =	sdelay $0x1  }
0x96: {  	v8 =	vadd.s32 @!p1 v10, v8;
	_ =	sdelay $0x3  }
0x97: {  	vm1 =	vmmov @!p1 $0xffff;
	s26 =	simm.s32 @!p1 $0x380;
	s25 =	simm.s32 @!p1 $0x0  }
0x98: {  	[tilespmem:s26], [sflag:$0x1] =	stream.indirect_vreg.gather @!p1 [hbm4b:s2+s25], $0x80, v8, vm1, $0xb8;
	[tilespmem:$0x1ED80] =	vst v63  }
0x99: {  	s26 =	simm.s32 @!p1 $0xB80  }
0x9a: {  	[tilespmem:s26], [sflag:$0x1] =	stream.indirect_vreg.gather @!p1 [hbm4b:s7+s25], $0x80, v8, vm1, $0xb8;
	[tilespmem:$0x1ED80] =	vst v63  }
0x9b: {  	s26 =	simm.s32 @!p1 $0x1380  }
0x9c: {  	v9 =	vor.u32 @!p1 $0x8, v9;
	[tilespmem:s26], [sflag:$0x1] =	stream.indirect_vreg.gather @!p1 [hbm4b:s8+s25], $0x80, v8, vm1, $0xb8;
	[tilespmem:$0x1ED80] =	vst v63  }
0x9d: {  	v7 =	vperm.xlane @!p1 v7, v9;
	s26 =	simm.s32 @!p1 $0x1B80  }
0x9e: {  	[tilespmem:s26], [sflag:$0x1] =	stream.indirect_vreg.gather @!p1 [hbm4b:s9+s25], $0x80, v8, vm1, $0xb8;
	[tilespmem:$0x1ED80] =	vst v63  }
0x9f: {  	v7 =	vadd.s32 @!p1 v10, v7;
	s26 =	simm.s32 @!p1 $0x2380  }
0xa0: {  	[tilespmem:s26], [sflag:$0x1] =	stream.indirect_vreg.gather @!p1 [hbm4b:s10+s25], $0x80, v8, vm1, $0xb8;
	[tilespmem:$0x1ED80] =	vst v63  }
0xa1: {  	s26 =	simm.s32 @!p1 $0x2B80  }
0xa2: {  	[tilespmem:s26], [sflag:$0x1] =	stream.indirect_vreg.gather @!p1 [hbm4b:s11+s25], $0x80, v8, vm1, $0xb8;
	[tilespmem:$0x1ED80] =	vst v63  }
0xa3: {  	s26 =	simm.s32 @!p1 $0x3380  }
0xa4: {  	[tilespmem:s26], [sflag:$0x1] =	stream.indirect_vreg.gather @!p1 [hbm4b:s2+s25], $0x80, v7, vm1, $0xb8;
	[tilespmem:$0x1ED80] =	vst v63  }
0xa5: {  	s26 =	simm.s32 @!p1 $0x3B80  }
0xa6: {  	[tilespmem:s26], [sflag:$0x1] =	stream.indirect_vreg.gather @!p1 [hbm4b:s7+s25], $0x80, v7, vm1, $0xb8;
	[tilespmem:$0x1ED80] =	vst v63  }
0xa7: {  	s26 =	simm.s32 @!p1 $0x4380  }
0xa8: {  	[tilespmem:s26], [sflag:$0x1] =	stream.indirect_vreg.gather @!p1 [hbm4b:s8+s25], $0x80, v7, vm1, $0xb8;
	[tilespmem:$0x1ED80] =	vst v63  }
0xa9: {  	s26 =	simm.s32 @!p1 $0x4B80  }
0xaa: {  	[tilespmem:s26], [sflag:$0x1] =	stream.indirect_vreg.gather @!p1 [hbm4b:s9+s25], $0x80, v7, vm1, $0xb8;
	[tilespmem:$0x1ED80] =	vst v63  }
0xab: {  	s26 =	simm.s32 @!p1 $0x5380  }
0xac: {  	[tilespmem:s26], [sflag:$0x1] =	stream.indirect_vreg.gather @!p1 [hbm4b:s10+s25], $0x80, v7, vm1, $0xb8;
	[tilespmem:$0x1ED80] =	vst v63  }
0xad: {  	s26 =	simm.s32 @!p1 $0x5B80  }
0xae: {  	[tilespmem:s26], [sflag:$0x1] =	stream.indirect_vreg.gather @!p1 [hbm4b:s11+s25], $0x80, v7, vm1, $0xb8;
	[tilespmem:$0x1ED80] =	vst v63  }
0xaf: {  	p1 =	sne.s32 s21, $0x1  }
0xb0: {  	s25 =	simm.s32 @!p1 $0x2  }
0xb1: {  	_ =	swait.ge @!p1 [sflag:s25], $0x6000  }
0xb2: {  	p2 =	sne.s32 @!p0 s22, $0x1;
	[sflag:s25] =	ssyncset.done @!p1 $0x0  }
0xb3: {  	s26 =	simm.s32 @!p1 $0x6380;
	[sflag:s25] =	ssyncadd.s32 @!p1 $0xFFFFA000;
	s25 =	simm.s32 @!p1 $0x0  }
0xb4: {  	[hbm4b:s18+s25] =	stream.linear.scatter @!p1 [tilespmem:s26], [sflag:$0x6], $0x6000, $0x38;
	[tilespmem:$0x1ED80] =	vst v63  }
0xb5: {  	p1 =	por p2, p0  }
0xb6: {  	p3 =	seq.s32 @!p1 s20, $0x0  }
0xb7: {  	p2 =	por @!p0 p3, p2  }
0xb8: {  	p2 =	por p2, p0  }
0xb9: {  	s25 =	simm.s32 @!p2 $0x6  }
0xba: {  	_ =	swait.ge @!p2 [sflag:s25], $0x6000  }
0xbb: {  	[sflag:s25] =	ssyncset.done @!p2 $0x0  }
0xbc: {  	[sflag:s25] =	ssyncadd.s32 @!p2 $0xFFFFA000  }
0xbd: {  	v7 =	vld @!p1 [tilespmem:s16+$0x0];
	_ =	sdelay $0x4  }
0xbe: {  	v8 =	vshrl.u32 @!p1 v7, $0x3  }
0xbf: {  	v8 =	vmul.u32 @!p1 $0x60, v8  }
0xc0: {  	v9 =	vlaneseq.u32 @!p1;
	v7 =	vand.u32 @!p1 $0x7, v7  }
0xc1: {  	v10 =	vshrl.u32 @!p1 v9, $0x3;
	v7 =	vor.u32 @!p1 v7, v8;
	v8 =	vand.u32 @!p1 $0x7, v9  }
0xc2: {  	v10 =	vmul.u32 @!p1 $0x8, v10;
	v8 =	vperm.xlane @!p1 v7, v8;
	_ =	sdelay $0x1  }
0xc3: {  	v8 =	vadd.s32 @!p1 v10, v8;
	_ =	sdelay $0x3  }
0xc4: {  	vm1 =	vmmov @!p1 $0xffff;
	s26 =	simm.s32 @!p1 $0x6380;
	s25 =	simm.s32 @!p1 $0x0  }
0xc5: {  	[tilespmem:s26], [sflag:$0x2] =	stream.indirect_vreg.gather @!p1 [hbm4b:s2+s25], $0x80, v8, vm1, $0xb8;
	[tilespmem:$0x1ED80] =	vst v63  }
0xc6: {  	s26 =	simm.s32 @!p1 $0x6B80  }
0xc7: {  	[tilespmem:s26], [sflag:$0x2] =	stream.indirect_vreg.gather @!p1 [hbm4b:s7+s25], $0x80, v8, vm1, $0xb8;
	[tilespmem:$0x1ED80] =	vst v63  }
0xc8: {  	s26 =	simm.s32 @!p1 $0x7380  }
0xc9: {  	v9 =	vor.u32 @!p1 $0x8, v9;
	[tilespmem:s26], [sflag:$0x2] =	stream.indirect_vreg.gather @!p1 [hbm4b:s8+s25], $0x80, v8, vm1, $0xb8;
	[tilespmem:$0x1ED80] =	vst v63  }
0xca: {  	v7 =	vperm.xlane @!p1 v7, v9;
	s26 =	simm.s32 @!p1 $0x7B80  }
0xcb: {  	[tilespmem:s26], [sflag:$0x2] =	stream.indirect_vreg.gather @!p1 [hbm4b:s9+s25], $0x80, v8, vm1, $0xb8;
	[tilespmem:$0x1ED80] =	vst v63  }
0xcc: {  	v7 =	vadd.s32 @!p1 v10, v7;
	s26 =	simm.s32 @!p1 $0x8380  }
0xcd: {  	[tilespmem:s26], [sflag:$0x2] =	stream.indirect_vreg.gather @!p1 [hbm4b:s10+s25], $0x80, v8, vm1, $0xb8;
	[tilespmem:$0x1ED80] =	vst v63  }
0xce: {  	s26 =	simm.s32 @!p1 $0x8B80  }
0xcf: {  	[tilespmem:s26], [sflag:$0x2] =	stream.indirect_vreg.gather @!p1 [hbm4b:s11+s25], $0x80, v8, vm1, $0xb8;
	[tilespmem:$0x1ED80] =	vst v63  }
0xd0: {  	s26 =	simm.s32 @!p1 $0x9380  }
0xd1: {  	[tilespmem:s26], [sflag:$0x2] =	stream.indirect_vreg.gather @!p1 [hbm4b:s2+s25], $0x80, v7, vm1, $0xb8;
	[tilespmem:$0x1ED80] =	vst v63  }
0xd2: {  	s26 =	simm.s32 @!p1 $0x9B80  }
0xd3: {  	[tilespmem:s26], [sflag:$0x2] =	stream.indirect_vreg.gather @!p1 [hbm4b:s7+s25], $0x80, v7, vm1, $0xb8;
	[tilespmem:$0x1ED80] =	vst v63  }
0xd4: {  	s26 =	simm.s32 @!p1 $0xA380  }
0xd5: {  	[tilespmem:s26], [sflag:$0x2] =	stream.indirect_vreg.gather @!p1 [hbm4b:s8+s25], $0x80, v7, vm1, $0xb8;
	[tilespmem:$0x1ED80] =	vst v63  }
0xd6: {  	s26 =	simm.s32 @!p1 $0xAB80  }
0xd7: {  	[tilespmem:s26], [sflag:$0x2] =	stream.indirect_vreg.gather @!p1 [hbm4b:s9+s25], $0x80, v7, vm1, $0xb8;
	[tilespmem:$0x1ED80] =	vst v63  }
0xd8: {  	s26 =	simm.s32 @!p1 $0xB380  }
0xd9: {  	[tilespmem:s26], [sflag:$0x2] =	stream.indirect_vreg.gather @!p1 [hbm4b:s10+s25], $0x80, v7, vm1, $0xb8;
	[tilespmem:$0x1ED80] =	vst v63  }
0xda: {  	s26 =	simm.s32 @!p1 $0xBB80  }
0xdb: {  	[tilespmem:s26], [sflag:$0x2] =	stream.indirect_vreg.gather @!p1 [hbm4b:s11+s25], $0x80, v7, vm1, $0xb8;
	[tilespmem:$0x1ED80] =	vst v63  }
0xdc: {  	p1 =	sne.s32 s21, $0x2  }
0xdd: {  	s25 =	simm.s32 @!p1 $0x3  }
0xde: {  	_ =	swait.ge @!p1 [sflag:s25], $0x6000  }
0xdf: {  	p2 =	sne.s32 @!p0 s22, $0x2;
	[sflag:s25] =	ssyncset.done @!p1 $0x0  }
0xe0: {  	s26 =	simm.s32 @!p1 $0xC380;
	[sflag:s25] =	ssyncadd.s32 @!p1 $0xFFFFA000;
	s25 =	simm.s32 @!p1 $0x0  }
0xe1: {  	[hbm4b:s18+s25] =	stream.linear.scatter @!p1 [tilespmem:s26], [sflag:$0x7], $0x6000, $0x38;
	[tilespmem:$0x1ED80] =	vst v63  }
0xe2: {  	p1 =	por p2, p0  }
0xe3: {  	p3 =	seq.s32 @!p1 s20, $0x0  }
0xe4: {  	p2 =	por @!p0 p3, p2  }
0xe5: {  	p2 =	por p2, p0  }
0xe6: {  	s25 =	simm.s32 @!p2 $0x7  }
0xe7: {  	_ =	swait.ge @!p2 [sflag:s25], $0x6000  }
0xe8: {  	[sflag:s25] =	ssyncset.done @!p2 $0x0  }
0xe9: {  	[sflag:s25] =	ssyncadd.s32 @!p2 $0xFFFFA000  }
0xea: {  	v7 =	vld @!p1 [tilespmem:s16+$0x0];
	_ =	sdelay $0x4  }
0xeb: {  	v8 =	vshrl.u32 @!p1 v7, $0x3  }
0xec: {  	v8 =	vmul.u32 @!p1 $0x60, v8  }
0xed: {  	v9 =	vlaneseq.u32 @!p1;
	v7 =	vand.u32 @!p1 $0x7, v7  }
0xee: {  	v10 =	vshrl.u32 @!p1 v9, $0x3;
	v7 =	vor.u32 @!p1 v7, v8;
	v8 =	vand.u32 @!p1 $0x7, v9  }
0xef: {  	v10 =	vmul.u32 @!p1 $0x8, v10;
	v8 =	vperm.xlane @!p1 v7, v8;
	_ =	sdelay $0x1  }
0xf0: {  	v8 =	vadd.s32 @!p1 v10, v8;
	_ =	sdelay $0x3  }
0xf1: {  	vm1 =	vmmov @!p1 $0xffff;
	s26 =	simm.s32 @!p1 $0xC380;
	s25 =	simm.s32 @!p1 $0x0  }
0xf2: {  	[tilespmem:s26], [sflag:$0x3] =	stream.indirect_vreg.gather @!p1 [hbm4b:s2+s25], $0x80, v8, vm1, $0xb8;
	[tilespmem:$0x1ED80] =	vst v63  }
0xf3: {  	s26 =	simm.s32 @!p1 $0xCB80  }
0xf4: {  	[tilespmem:s26], [sflag:$0x3] =	stream.indirect_vreg.gather @!p1 [hbm4b:s7+s25], $0x80, v8, vm1, $0xb8;
	[tilespmem:$0x1ED80] =	vst v63  }
0xf5: {  	s26 =	simm.s32 @!p1 $0xD380  }
0xf6: {  	v9 =	vor.u32 @!p1 $0x8, v9;
	[tilespmem:s26], [sflag:$0x3] =	stream.indirect_vreg.gather @!p1 [hbm4b:s8+s25], $0x80, v8, vm1, $0xb8;
	[tilespmem:$0x1ED80] =	vst v63  }
0xf7: {  	v7 =	vperm.xlane @!p1 v7, v9;
	s26 =	simm.s32 @!p1 $0xDB80  }
0xf8: {  	[tilespmem:s26], [sflag:$0x3] =	stream.indirect_vreg.gather @!p1 [hbm4b:s9+s25], $0x80, v8, vm1, $0xb8;
	[tilespmem:$0x1ED80] =	vst v63  }
0xf9: {  	v7 =	vadd.s32 @!p1 v10, v7;
	s26 =	simm.s32 @!p1 $0xE380  }
0xfa: {  	[tilespmem:s26], [sflag:$0x3] =	stream.indirect_vreg.gather @!p1 [hbm4b:s10+s25], $0x80, v8, vm1, $0xb8;
	[tilespmem:$0x1ED80] =	vst v63  }
0xfb: {  	s26 =	simm.s32 @!p1 $0xEB80  }
0xfc: {  	[tilespmem:s26], [sflag:$0x3] =	stream.indirect_vreg.gather @!p1 [hbm4b:s11+s25], $0x80, v8, vm1, $0xb8;
	[tilespmem:$0x1ED80] =	vst v63  }
0xfd: {  	s26 =	simm.s32 @!p1 $0xF380  }
0xfe: {  	[tilespmem:s26], [sflag:$0x3] =	stream.indirect_vreg.gather @!p1 [hbm4b:s2+s25], $0x80, v7, vm1, $0xb8;
	[tilespmem:$0x1ED80] =	vst v63  }
0xff: {  	s26 =	simm.s32 @!p1 $0xFB80  }
0x100: {  	[tilespmem:s26], [sflag:$0x3] =	stream.indirect_vreg.gather @!p1 [hbm4b:s7+s25], $0x80, v7, vm1, $0xb8;
	[tilespmem:$0x1ED80] =	vst v63  }
0x101: {  	s26 =	simm.s32 @!p1 $0x10380  }
0x102: {  	[tilespmem:s26], [sflag:$0x3] =	stream.indirect_vreg.gather @!p1 [hbm4b:s8+s25], $0x80, v7, vm1, $0xb8;
	[tilespmem:$0x1ED80] =	vst v63  }
0x103: {  	s26 =	simm.s32 @!p1 $0x10B80  }
0x104: {  	[tilespmem:s26], [sflag:$0x3] =	stream.indirect_vreg.gather @!p1 [hbm4b:s9+s25], $0x80, v7, vm1, $0xb8;
	[tilespmem:$0x1ED80] =	vst v63  }
0x105: {  	s26 =	simm.s32 @!p1 $0x11380  }
0x106: {  	[tilespmem:s26], [sflag:$0x3] =	stream.indirect_vreg.gather @!p1 [hbm4b:s10+s25], $0x80, v7, vm1, $0xb8;
	[tilespmem:$0x1ED80] =	vst v63  }
0x107: {  	s26 =	simm.s32 @!p1 $0x11B80  }
0x108: {  	[tilespmem:s26], [sflag:$0x3] =	stream.indirect_vreg.gather @!p1 [hbm4b:s11+s25], $0x80, v7, vm1, $0xb8;
	[tilespmem:$0x1ED80] =	vst v63  }
0x109: {  	p1 =	sne.s32 s21, $0x3  }
0x10a: {  	s21 =	simm.s32 @!p1 $0x4  }
0x10b: {  	_ =	swait.ge @!p1 [sflag:s21], $0x6000  }
0x10c: {  	p2 =	sne.s32 @!p0 s22, $0x3;
	[sflag:s21] =	ssyncset.done @!p1 $0x0  }
0x10d: {  	s25 =	simm.s32 @!p1 $0x12380;
	[sflag:s21] =	ssyncadd.s32 @!p1 $0xFFFFA000;
	s21 =	simm.s32 @!p1 $0x0  }
0x10e: {  	[hbm4b:s18+s21] =	stream.linear.scatter @!p1 [tilespmem:s25], [sflag:$0x8], $0x6000, $0x38;
	[tilespmem:$0x1ED80] =	vst v63  }
0x10f: {  	p1 =	por p2, p0  }
0x110: {  	p3 =	seq.s32 @!p1 s20, $0x0  }
0x111: {  	p2 =	por @!p0 p3, p2  }
0x112: {  	p0 =	por p2, p0  }
0x113: {  	s21 =	simm.s32 @!p0 $0x8  }
0x114: {  	_ =	swait.ge @!p0 [sflag:s21], $0x6000  }
0x115: {  	[sflag:s21] =	ssyncset.done @!p0 $0x0  }
0x116: {  	[sflag:s21] =	ssyncadd.s32 @!p0 $0xFFFFA000  }
0x117: {  	v7 =	vld @!p1 [tilespmem:s16+$0x0];
	_ =	sdelay $0x4  }
0x118: {  	v8 =	vshrl.u32 @!p1 v7, $0x3  }
0x119: {  	v8 =	vmul.u32 @!p1 $0x60, v8  }
0x11a: {  	v9 =	vlaneseq.u32 @!p1;
	v7 =	vand.u32 @!p1 $0x7, v7  }
0x11b: {  	v10 =	vshrl.u32 @!p1 v9, $0x3;
	v7 =	vor.u32 @!p1 v7, v8;
	v8 =	vand.u32 @!p1 $0x7, v9  }
0x11c: {  	v10 =	vmul.u32 @!p1 $0x8, v10;
	v8 =	vperm.xlane @!p1 v7, v8;
	_ =	sdelay $0x1  }
0x11d: {  	v8 =	vadd.s32 @!p1 v10, v8;
	_ =	sdelay $0x3  }
0x11e: {  	vm1 =	vmmov @!p1 $0xffff;
	s22 =	simm.s32 @!p1 $0x12380;
	s21 =	simm.s32 @!p1 $0x0  }
0x11f: {  	[tilespmem:s22], [sflag:$0x4] =	stream.indirect_vreg.gather @!p1 [hbm4b:s2+s21], $0x80, v8, vm1, $0xb8;
	[tilespmem:$0x1ED80] =	vst v63  }
0x120: {  	s22 =	simm.s32 @!p1 $0x12B80  }
0x121: {  	[tilespmem:s22], [sflag:$0x4] =	stream.indirect_vreg.gather @!p1 [hbm4b:s7+s21], $0x80, v8, vm1, $0xb8;
	[tilespmem:$0x1ED80] =	vst v63  }
0x122: {  	s22 =	simm.s32 @!p1 $0x13380  }
0x123: {  	v9 =	vor.u32 @!p1 $0x8, v9;
	[tilespmem:s22], [sflag:$0x4] =	stream.indirect_vreg.gather @!p1 [hbm4b:s8+s21], $0x80, v8, vm1, $0xb8;
	[tilespmem:$0x1ED80] =	vst v63  }
0x124: {  	v7 =	vperm.xlane @!p1 v7, v9;
	s22 =	simm.s32 @!p1 $0x13B80  }
0x125: {  	[tilespmem:s22], [sflag:$0x4] =	stream.indirect_vreg.gather @!p1 [hbm4b:s9+s21], $0x80, v8, vm1, $0xb8;
	[tilespmem:$0x1ED80] =	vst v63  }
0x126: {  	v7 =	vadd.s32 @!p1 v10, v7;
	s22 =	simm.s32 @!p1 $0x14380  }
0x127: {  	[tilespmem:s22], [sflag:$0x4] =	stream.indirect_vreg.gather @!p1 [hbm4b:s10+s21], $0x80, v8, vm1, $0xb8;
	[tilespmem:$0x1ED80] =	vst v63  }
0x128: {  	s22 =	simm.s32 @!p1 $0x14B80  }
0x129: {  	[tilespmem:s22], [sflag:$0x4] =	stream.indirect_vreg.gather @!p1 [hbm4b:s11+s21], $0x80, v8, vm1, $0xb8;
	[tilespmem:$0x1ED80] =	vst v63  }
0x12a: {  	s22 =	simm.s32 @!p1 $0x15380  }
0x12b: {  	[tilespmem:s22], [sflag:$0x4] =	stream.indirect_vreg.gather @!p1 [hbm4b:s2+s21], $0x80, v7, vm1, $0xb8;
	[tilespmem:$0x1ED80] =	vst v63  }
0x12c: {  	s22 =	simm.s32 @!p1 $0x15B80  }
0x12d: {  	[tilespmem:s22], [sflag:$0x4] =	stream.indirect_vreg.gather @!p1 [hbm4b:s7+s21], $0x80, v7, vm1, $0xb8;
	[tilespmem:$0x1ED80] =	vst v63  }
0x12e: {  	s20 =	sadd.s32 $0x1, s20;
	s22 =	simm.s32 @!p1 $0x16380  }
0x12f: {  	[tilespmem:s22], [sflag:$0x4] =	stream.indirect_vreg.gather @!p1 [hbm4b:s8+s21], $0x80, v7, vm1, $0xb8;
	[tilespmem:$0x1ED80] =	vst v63  }
0x130: {  	p0 =	sne.s32 s20, $0x32;
	s22 =	simm.s32 @!p1 $0x16B80  }
0x131: {  	[tilespmem:s22], [sflag:$0x4] =	stream.indirect_vreg.gather @!p1 [hbm4b:s9+s21], $0x80, v7, vm1, $0xb8;
	[tilespmem:$0x1ED80] =	vst v63  }
.Ltmp0:
0x132: {  	_ = 	snop;
	(pc) =	sbr.rel @p0 .LBB2_2-.Ltmp0, $4  }
0x133: {  	s22 =	simm.s32 @!p1 $0x17380  }
0x134: {  	[tilespmem:s22], [sflag:$0x4] =	stream.indirect_vreg.gather @!p1 [hbm4b:s10+s21], $0x80, v7, vm1, $0xb8;
	[tilespmem:$0x1ED80] =	vst v63  }
0x135: {  	s18 =	sadd.s32 $0xC00, s18;
	s16 =	sadd.s32 $0x10, s16;
	s22 =	simm.s32 @!p1 $0x17B80  }
0x136: {  	[tilespmem:s22], [sflag:$0x4] =	stream.indirect_vreg.gather @!p1 [hbm4b:s11+s21], $0x80, v7, vm1, $0xb8;
	[tilespmem:$0x1ED80] =	vst v63  }
0x137: {  	_ =	swait.ge [sflag:s30], $0x6000  }
0x138: {  	[sflag:s30] =	ssyncset.done $0x0  }
0x139: {  	[sflag:s30] =	ssyncadd.s32 $0xFFFFA000  }
0x13a: {  	_ =	swait.ge [sflag:s31], $0x6000  }
0x13b: {  	[sflag:s31] =	ssyncset.done $0x0  }
0x13c: {  	[sflag:s31] =	ssyncadd.s32 $0xFFFFA000  }
0x13d: {  	_ =	swait.ge [sflag:s3], $0x6000  }
0x13e: {  	[sflag:s3] =	ssyncset.done $0x0  }
0x13f: {  	[sflag:s3] =	ssyncadd.s32 $0xFFFFA000  }
0x140: {  	_ =	swait.ge [sflag:s0], $0x6000  }
0x141: {  	[sflag:s0] =	ssyncset.done $0x0  }
0x142: {  	s18 =	simm.s32 $0x0;
	[sflag:s0] =	ssyncadd.s32 $0xFFFFA000  }
0x143: {  	v9 =	vld [tilespmem:s18+$0x1E980]  }
0x144: {  	v7 =	vimm.f32 $0.0e+00;
	s16 =	simm.s32 $0x40;
	v8 =	vimm.f32 $0.0e+00  }
.LBB2_4:
0x145: {  	p0 =	sne.s32 s16, $0xFC0  }
.Ltmp1:
0x146: {  	_ = 	snop;
	(pc) =	sbr.rel @p0 .LBB2_4-.Ltmp1, $4  }
0x147: {  	_ = 	snop  }
0x148: {  	s18 =	sshra.s32 s16, $0x2;
	s16 =	sadd.s32 $0x40, s16;
	v7 =	vadd.f32 v9, v7;
	v10 =	vmul.f32 v9, v9  }
0x149: {  	v9 =	vld [tilespmem:s18+$0x1E980]  }
0x14a: {  	v8 =	vadd.f32 v10, v8  }
0x14b: {  	_ =	sdelay $0x2  }
0x14c: {  	v7 =	vadd.f32 v9, v7;
	v9 =	vmul.f32 v9, v9;
	_ =	sdelay $0x1  }
0x14d: {  	v8 =	vadd.f32 v9, v8;
	v9 =	vperm.xlane v7, v3;
	_ =	sdelay $0x1  }
0x14e: {  	v7 =	vadd.f32 v9, v7;
	v9 =	vperm.xlane v8, v3;
	_ =	sdelay $0x1  }
0x14f: {  	v10 =	vperm.xlane v7, v4;
	v8 =	vadd.f32 v9, v8;
	_ =	sdelay $0x1  }
0x150: {  	v7 =	vadd.f32 v10, v7;
	v9 =	vperm.xlane v8, v4;
	_ =	sdelay $0x1  }
0x151: {  	v10 =	vperm.xlane v7, v5;
	v8 =	vadd.f32 v9, v8;
	_ =	sdelay $0x1  }
0x152: {  	v7 =	vadd.f32 v10, v7;
	v9 =	vperm.xlane v8, v5;
	_ =	sdelay $0x1  }
0x153: {  	v10 =	vperm.xlane v7, v6;
	v8 =	vadd.f32 v9, v8;
	_ =	sdelay $0x1  }
0x154: {  	v7 =	vadd.f32 v10, v7;
	v9 =	vperm.xlane v8, v6;
	_ =	sdelay $0x1  }
0x155: {  	v7 =	vmul.f32 $9.765625000e-04, v7;
	v8 =	vadd.f32 v9, v8;
	_ =	sdelay $0x1  }
0x156: {  	v8 =	vmul.f32 $9.765625000e-04, v8;
	v9 =	vmul.f32 v7, v7;
	_ =	sdelay $0x1  }
0x157: {  	v8 =	vsub.f32 v8, v9;
	_ =	sdelay $0x1  }
0x158: {  	v8 =	vadd.f32 $9.999999740e-06, v8;
	_ =	sdelay $0x1  }
0x159: {  	v9 =	vshra.s32 v8, $0x1;
	v8 =	vmul.f32 $5.000000000e-01, v8  }
0x15a: {  	v9 =	vsub.s32 $0x5F3759DF, v9  }
0x15b: {  	v10 =	vmul.f32 v9, v8;
	_ =	sdelay $0x1  }
0x15c: {  	v10 =	vmul.f32 v9, v10;
	_ =	sdelay $0x1  }
0x15d: {  	v10 =	vsub.f32 $1.500000000e+00, v10;
	_ =	sdelay $0x1  }
0x15e: {  	v9 =	vmul.f32 v9, v10;
	_ =	sdelay $0x1  }
0x15f: {  	v10 =	vmul.f32 v9, v8;
	_ =	sdelay $0x1  }
0x160: {  	v10 =	vmul.f32 v10, v9;
	_ =	sdelay $0x1  }
0x161: {  	v10 =	vsub.f32 $1.500000000e+00, v10;
	_ =	sdelay $0x1  }
0x162: {  	v9 =	vmul.f32 v10, v9;
	_ =	sdelay $0x1  }
0x163: {  	v10 =	vmul.f32 v9, v8;
	_ =	sdelay $0x1  }
0x164: {  	v10 =	vmul.f32 v10, v9;
	_ =	sdelay $0x1  }
0x165: {  	v10 =	vsub.f32 $1.500000000e+00, v10;
	_ =	sdelay $0x1  }
0x166: {  	v9 =	vmul.f32 v10, v9;
	_ =	sdelay $0x1  }
0x167: {  	v8 =	vmul.f32 v9, v8;
	_ =	sdelay $0x1  }
0x168: {  	v8 =	vmul.f32 v8, v9;
	_ =	sdelay $0x1  }
0x169: {  	v8 =	vsub.f32 $1.500000000e+00, v8;
	_ =	sdelay $0x1  }
0x16a: {  	s16 =	simm.s32 $0x0;
	s18 =	simm.s32 $0x0;
	v8 =	vmul.f32 v8, v9  }
.LBB2_6:
0x16b: {  	s20 =	sadd.s32 s18, s15  }
0x16c: {  	v9 =	vmov s20;
	_ =	sdelay $0x4  }
0x16d: {  	v9 =	vld.idx.msk [tilespmem:v9+s19+$0x0], $0xffff;
	_ =	sdelay $0x3  }
0x16e: {  	v10 =	vld [tilespmem:$0x1E380]  }
0x16f: {  	v9 =	vsub.f32 v9, v7  }
0x170: {  	s25 =	sshrl.u32 s18, $0x3  }
0x171: {  	s20 =	smul.u32 $0xC000, s25;
	v9 =	vmul.f32 v9, v8;
	_ =	sdelay $0x1  }
0x172: {  	s21 =	sand.u32 $0x380, s16;
	s20 =	sshra.s32 s20, $0x2;
	v10 =	vmul.f32 v9, v10  }
0x173: {  	s20 =	sor.u32 s21, s20  }
0x174: {  	[tilespmem:s20+$0x18380] =	vst v10  }
0x175: {  	v10 =	vld [tilespmem:$0x1E390];
	_ =	sdelay $0x4  }
0x176: {  	v10 =	vmul.f32 v10, v9  }
0x177: {  	s21 =	sadd.s32 $0x18380, s20  }
0x178: {  	[tilespmem:s21+$0x10] =	vst v10  }
0x179: {  	v10 =	vld [tilespmem:$0x1E3A0];
	_ =	sdelay $0x4  }
0x17a: {  	v10 =	vmul.f32 v10, v9;
	_ =	sdelay $0x1  }
0x17b: {  	[tilespmem:s21+$0x20] =	vst v10  }
0x17c: {  	v10 =	vld [tilespmem:$0x1E3B0];
	_ =	sdelay $0x4  }
0x17d: {  	v10 =	vmul.f32 v10, v9;
	_ =	sdelay $0x1  }
0x17e: {  	[tilespmem:s21+$0x30] =	vst v10  }
0x17f: {  	v10 =	vld [tilespmem:$0x1E3C0];
	_ =	sdelay $0x4  }
0x180: {  	v10 =	vmul.f32 v10, v9;
	_ =	sdelay $0x1  }
0x181: {  	[tilespmem:s21+$0x40] =	vst v10  }
0x182: {  	v10 =	vld [tilespmem:$0x1E3D0];
	_ =	sdelay $0x4  }
0x183: {  	v10 =	vmul.f32 v10, v9;
	_ =	sdelay $0x1  }
0x184: {  	[tilespmem:s21+$0x50] =	vst v10  }
0x185: {  	v10 =	vld [tilespmem:$0x1E3E0];
	_ =	sdelay $0x4  }
0x186: {  	v10 =	vmul.f32 v10, v9;
	_ =	sdelay $0x1  }
0x187: {  	[tilespmem:s21+$0x60] =	vst v10  }
0x188: {  	v10 =	vld [tilespmem:$0x1E3F0];
	_ =	sdelay $0x4  }
0x189: {  	v10 =	vmul.f32 v10, v9;
	_ =	sdelay $0x1  }
0x18a: {  	[tilespmem:s21+$0x70] =	vst v10  }
0x18b: {  	v10 =	vld [tilespmem:$0x1E400];
	_ =	sdelay $0x4  }
0x18c: {  	v10 =	vmul.f32 v10, v9;
	_ =	sdelay $0x1  }
0x18d: {  	[tilespmem:s21+$0x400] =	vst v10  }
0x18e: {  	v10 =	vld [tilespmem:$0x1E410];
	_ =	sdelay $0x4  }
0x18f: {  	v10 =	vmul.f32 v10, v9;
	_ =	sdelay $0x1  }
0x190: {  	[tilespmem:s21+$0x410] =	vst v10  }
0x191: {  	v10 =	vld [tilespmem:$0x1E420];
	_ =	sdelay $0x4  }
0x192: {  	v10 =	vmul.f32 v10, v9;
	_ =	sdelay $0x1  }
0x193: {  	[tilespmem:s21+$0x420] =	vst v10  }
0x194: {  	v10 =	vld [tilespmem:$0x1E430];
	_ =	sdelay $0x4  }
0x195: {  	v10 =	vmul.f32 v10, v9;
	_ =	sdelay $0x1  }
0x196: {  	[tilespmem:s21+$0x430] =	vst v10  }
0x197: {  	v10 =	vld [tilespmem:$0x1E440];
	_ =	sdelay $0x4  }
0x198: {  	v10 =	vmul.f32 v10, v9;
	_ =	sdelay $0x1  }
0x199: {  	[tilespmem:s21+$0x440] =	vst v10  }
0x19a: {  	v10 =	vld [tilespmem:$0x1E450];
	_ =	sdelay $0x4  }
0x19b: {  	v10 =	vmul.f32 v10, v9;
	_ =	sdelay $0x1  }
0x19c: {  	[tilespmem:s21+$0x450] =	vst v10  }
0x19d: {  	v10 =	vld [tilespmem:$0x1E460];
	_ =	sdelay $0x4  }
0x19e: {  	v10 =	vmul.f32 v10, v9;
	_ =	sdelay $0x1  }
0x19f: {  	[tilespmem:s21+$0x460] =	vst v10  }
0x1a0: {  	v10 =	vld [tilespmem:$0x1E470];
	_ =	sdelay $0x4  }
0x1a1: {  	v10 =	vmul.f32 v10, v9;
	_ =	sdelay $0x1  }
0x1a2: {  	[tilespmem:s21+$0x470] =	vst v10  }
0x1a3: {  	v10 =	vld [tilespmem:$0x1E480];
	_ =	sdelay $0x4  }
0x1a4: {  	v10 =	vmul.f32 v10, v9;
	_ =	sdelay $0x1  }
0x1a5: {  	[tilespmem:s21+$0x800] =	vst v10  }
0x1a6: {  	v10 =	vld [tilespmem:$0x1E490];
	_ =	sdelay $0x4  }
0x1a7: {  	v10 =	vmul.f32 v10, v9;
	_ =	sdelay $0x1  }
0x1a8: {  	[tilespmem:s21+$0x810] =	vst v10  }
0x1a9: {  	v10 =	vld [tilespmem:$0x1E4A0];
	_ =	sdelay $0x4  }
0x1aa: {  	v10 =	vmul.f32 v10, v9;
	_ =	sdelay $0x1  }
0x1ab: {  	[tilespmem:s21+$0x820] =	vst v10  }
0x1ac: {  	v10 =	vld [tilespmem:$0x1E4B0];
	_ =	sdelay $0x4  }
0x1ad: {  	v10 =	vmul.f32 v10, v9;
	_ =	sdelay $0x1  }
0x1ae: {  	[tilespmem:s21+$0x830] =	vst v10  }
0x1af: {  	v10 =	vld [tilespmem:$0x1E4C0];
	_ =	sdelay $0x4  }
0x1b0: {  	v10 =	vmul.f32 v10, v9;
	_ =	sdelay $0x1  }
0x1b1: {  	[tilespmem:s21+$0x840] =	vst v10  }
0x1b2: {  	v10 =	vld [tilespmem:$0x1E4D0];
	_ =	sdelay $0x4  }
0x1b3: {  	v10 =	vmul.f32 v10, v9;
	_ =	sdelay $0x1  }
0x1b4: {  	[tilespmem:s21+$0x850] =	vst v10  }
0x1b5: {  	v10 =	vld [tilespmem:$0x1E4E0];
	_ =	sdelay $0x4  }
0x1b6: {  	v10 =	vmul.f32 v10, v9;
	_ =	sdelay $0x1  }
0x1b7: {  	[tilespmem:s21+$0x860] =	vst v10  }
0x1b8: {  	v10 =	vld [tilespmem:$0x1E4F0];
	_ =	sdelay $0x4  }
0x1b9: {  	v10 =	vmul.f32 v10, v9;
	_ =	sdelay $0x1  }
0x1ba: {  	[tilespmem:s21+$0x870] =	vst v10  }
0x1bb: {  	v10 =	vld [tilespmem:$0x1E500];
	_ =	sdelay $0x4  }
0x1bc: {  	v10 =	vmul.f32 v10, v9;
	_ =	sdelay $0x1  }
0x1bd: {  	[tilespmem:s21+$0xC00] =	vst v10  }
0x1be: {  	v10 =	vld [tilespmem:$0x1E510];
	_ =	sdelay $0x4  }
0x1bf: {  	v10 =	vmul.f32 v10, v9;
	_ =	sdelay $0x1  }
0x1c0: {  	[tilespmem:s21+$0xC10] =	vst v10  }
0x1c1: {  	v10 =	vld [tilespmem:$0x1E520];
	_ =	sdelay $0x4  }
0x1c2: {  	v10 =	vmul.f32 v10, v9;
	_ =	sdelay $0x1  }
0x1c3: {  	[tilespmem:s21+$0xC20] =	vst v10  }
0x1c4: {  	v10 =	vld [tilespmem:$0x1E530];
	_ =	sdelay $0x4  }
0x1c5: {  	v10 =	vmul.f32 v10, v9;
	_ =	sdelay $0x1  }
0x1c6: {  	[tilespmem:s21+$0xC30] =	vst v10  }
0x1c7: {  	v10 =	vld [tilespmem:$0x1E540];
	_ =	sdelay $0x4  }
0x1c8: {  	v10 =	vmul.f32 v10, v9;
	_ =	sdelay $0x1  }
0x1c9: {  	[tilespmem:s21+$0xC40] =	vst v10  }
0x1ca: {  	v10 =	vld [tilespmem:$0x1E550];
	_ =	sdelay $0x4  }
0x1cb: {  	v10 =	vmul.f32 v10, v9;
	_ =	sdelay $0x1  }
0x1cc: {  	[tilespmem:s21+$0xC50] =	vst v10  }
0x1cd: {  	v10 =	vld [tilespmem:$0x1E560];
	_ =	sdelay $0x4  }
0x1ce: {  	v10 =	vmul.f32 v10, v9;
	_ =	sdelay $0x1  }
0x1cf: {  	[tilespmem:s21+$0xC60] =	vst v10  }
0x1d0: {  	v10 =	vld [tilespmem:$0x1E570];
	_ =	sdelay $0x4  }
0x1d1: {  	v10 =	vmul.f32 v10, v9;
	_ =	sdelay $0x1  }
0x1d2: {  	[tilespmem:s21+$0xC70] =	vst v10  }
0x1d3: {  	v10 =	vld [tilespmem:$0x1E580];
	_ =	sdelay $0x4  }
0x1d4: {  	v10 =	vmul.f32 v10, v9;
	_ =	sdelay $0x1  }
0x1d5: {  	[tilespmem:s20+$0x19380] =	vst v10  }
0x1d6: {  	v10 =	vld [tilespmem:$0x1E590];
	_ =	sdelay $0x4  }
0x1d7: {  	v10 =	vmul.f32 v10, v9  }
0x1d8: {  	s26 =	sadd.s32 $0x19380, s20  }
0x1d9: {  	[tilespmem:s26+$0x10] =	vst v10  }
0x1da: {  	v10 =	vld [tilespmem:$0x1E5A0];
	_ =	sdelay $0x4  }
0x1db: {  	v10 =	vmul.f32 v10, v9;
	_ =	sdelay $0x1  }
0x1dc: {  	[tilespmem:s26+$0x20] =	vst v10  }
0x1dd: {  	v10 =	vld [tilespmem:$0x1E5B0];
	_ =	sdelay $0x4  }
0x1de: {  	v10 =	vmul.f32 v10, v9;
	_ =	sdelay $0x1  }
0x1df: {  	[tilespmem:s26+$0x30] =	vst v10  }
0x1e0: {  	v10 =	vld [tilespmem:$0x1E5C0];
	_ =	sdelay $0x4  }
0x1e1: {  	v10 =	vmul.f32 v10, v9;
	_ =	sdelay $0x1  }
0x1e2: {  	[tilespmem:s26+$0x40] =	vst v10  }
0x1e3: {  	v10 =	vld [tilespmem:$0x1E5D0];
	_ =	sdelay $0x4  }
0x1e4: {  	v10 =	vmul.f32 v10, v9;
	_ =	sdelay $0x1  }
0x1e5: {  	[tilespmem:s26+$0x50] =	vst v10  }
0x1e6: {  	v10 =	vld [tilespmem:$0x1E5E0];
	_ =	sdelay $0x4  }
0x1e7: {  	v10 =	vmul.f32 v10, v9;
	_ =	sdelay $0x1  }
0x1e8: {  	[tilespmem:s26+$0x60] =	vst v10  }
0x1e9: {  	v10 =	vld [tilespmem:$0x1E5F0];
	_ =	sdelay $0x4  }
0x1ea: {  	v10 =	vmul.f32 v10, v9;
	_ =	sdelay $0x1  }
0x1eb: {  	[tilespmem:s26+$0x70] =	vst v10  }
0x1ec: {  	v10 =	vld [tilespmem:$0x1E600];
	_ =	sdelay $0x4  }
0x1ed: {  	v10 =	vmul.f32 v10, v9;
	_ =	sdelay $0x1  }
0x1ee: {  	[tilespmem:s20+$0x19780] =	vst v10  }
0x1ef: {  	v10 =	vld [tilespmem:$0x1E610];
	_ =	sdelay $0x4  }
0x1f0: {  	v10 =	vmul.f32 v10, v9  }
0x1f1: {  	s22 =	sadd.s32 $0x19780, s20  }
0x1f2: {  	[tilespmem:s22+$0x10] =	vst v10  }
0x1f3: {  	v10 =	vld [tilespmem:$0x1E620];
	_ =	sdelay $0x4  }
0x1f4: {  	v10 =	vmul.f32 v10, v9;
	_ =	sdelay $0x1  }
0x1f5: {  	[tilespmem:s22+$0x20] =	vst v10  }
0x1f6: {  	v10 =	vld [tilespmem:$0x1E630];
	_ =	sdelay $0x4  }
0x1f7: {  	v10 =	vmul.f32 v10, v9;
	_ =	sdelay $0x1  }
0x1f8: {  	[tilespmem:s22+$0x30] =	vst v10  }
0x1f9: {  	v10 =	vld [tilespmem:$0x1E640];
	_ =	sdelay $0x4  }
0x1fa: {  	v10 =	vmul.f32 v10, v9;
	_ =	sdelay $0x1  }
0x1fb: {  	[tilespmem:s22+$0x40] =	vst v10  }
0x1fc: {  	v10 =	vld [tilespmem:$0x1E650];
	_ =	sdelay $0x4  }
0x1fd: {  	v10 =	vmul.f32 v10, v9;
	_ =	sdelay $0x1  }
0x1fe: {  	[tilespmem:s22+$0x50] =	vst v10  }
0x1ff: {  	v10 =	vld [tilespmem:$0x1E660];
	_ =	sdelay $0x4  }
0x200: {  	v10 =	vmul.f32 v10, v9;
	_ =	sdelay $0x1  }
0x201: {  	[tilespmem:s22+$0x60] =	vst v10  }
0x202: {  	v10 =	vld [tilespmem:$0x1E670];
	_ =	sdelay $0x4  }
0x203: {  	v10 =	vmul.f32 v10, v9;
	_ =	sdelay $0x1  }
0x204: {  	[tilespmem:s22+$0x70] =	vst v10  }
0x205: {  	v10 =	vld [tilespmem:$0x1E680];
	_ =	sdelay $0x4  }
0x206: {  	v10 =	vmul.f32 v10, v9;
	_ =	sdelay $0x1  }
0x207: {  	[tilespmem:s20+$0x19B80] =	vst v10  }
0x208: {  	v10 =	vld [tilespmem:$0x1E690];
	_ =	sdelay $0x4  }
0x209: {  	v10 =	vmul.f32 v10, v9  }
0x20a: {  	s25 =	sadd.s32 $0x19B80, s20  }
0x20b: {  	[tilespmem:s25+$0x10] =	vst v10  }
0x20c: {  	v10 =	vld [tilespmem:$0x1E6A0];
	_ =	sdelay $0x4  }
0x20d: {  	v10 =	vmul.f32 v10, v9;
	_ =	sdelay $0x1  }
0x20e: {  	[tilespmem:s25+$0x20] =	vst v10  }
0x20f: {  	v10 =	vld [tilespmem:$0x1E6B0];
	_ =	sdelay $0x4  }
0x210: {  	v10 =	vmul.f32 v10, v9;
	_ =	sdelay $0x1  }
0x211: {  	[tilespmem:s25+$0x30] =	vst v10  }
0x212: {  	v10 =	vld [tilespmem:$0x1E6C0];
	_ =	sdelay $0x4  }
0x213: {  	v10 =	vmul.f32 v10, v9;
	_ =	sdelay $0x1  }
0x214: {  	[tilespmem:s25+$0x40] =	vst v10  }
0x215: {  	v10 =	vld [tilespmem:$0x1E6D0];
	_ =	sdelay $0x4  }
0x216: {  	v10 =	vmul.f32 v10, v9;
	_ =	sdelay $0x1  }
0x217: {  	[tilespmem:s25+$0x50] =	vst v10  }
0x218: {  	v10 =	vld [tilespmem:$0x1E6E0];
	_ =	sdelay $0x4  }
0x219: {  	v10 =	vmul.f32 v10, v9;
	_ =	sdelay $0x1  }
0x21a: {  	[tilespmem:s25+$0x60] =	vst v10  }
0x21b: {  	v10 =	vld [tilespmem:$0x1E6F0];
	_ =	sdelay $0x4  }
0x21c: {  	v10 =	vmul.f32 v10, v9;
	_ =	sdelay $0x1  }
0x21d: {  	[tilespmem:s25+$0x70] =	vst v10  }
0x21e: {  	v10 =	vld [tilespmem:$0x1E700];
	_ =	sdelay $0x4  }
0x21f: {  	v10 =	vmul.f32 v10, v9;
	_ =	sdelay $0x1  }
0x220: {  	[tilespmem:s20+$0x19F80] =	vst v10  }
0x221: {  	v10 =	vld [tilespmem:$0x1E710];
	_ =	sdelay $0x4  }
0x222: {  	v10 =	vmul.f32 v10, v9  }
0x223: {  	s26 =	sadd.s32 $0x19F80, s20  }
0x224: {  	[tilespmem:s26+$0x10] =	vst v10  }
0x225: {  	v10 =	vld [tilespmem:$0x1E720];
	_ =	sdelay $0x4  }
0x226: {  	v10 =	vmul.f32 v10, v9;
	_ =	sdelay $0x1  }
0x227: {  	[tilespmem:s26+$0x20] =	vst v10  }
0x228: {  	v10 =	vld [tilespmem:$0x1E730];
	_ =	sdelay $0x4  }
0x229: {  	v10 =	vmul.f32 v10, v9;
	_ =	sdelay $0x1  }
0x22a: {  	[tilespmem:s26+$0x30] =	vst v10  }
0x22b: {  	v10 =	vld [tilespmem:$0x1E740];
	_ =	sdelay $0x4  }
0x22c: {  	v10 =	vmul.f32 v10, v9;
	_ =	sdelay $0x1  }
0x22d: {  	[tilespmem:s26+$0x40] =	vst v10  }
0x22e: {  	v10 =	vld [tilespmem:$0x1E750];
	_ =	sdelay $0x4  }
0x22f: {  	v10 =	vmul.f32 v10, v9;
	_ =	sdelay $0x1  }
0x230: {  	[tilespmem:s26+$0x50] =	vst v10  }
0x231: {  	v10 =	vld [tilespmem:$0x1E760];
	_ =	sdelay $0x4  }
0x232: {  	v10 =	vmul.f32 v10, v9;
	_ =	sdelay $0x1  }
0x233: {  	[tilespmem:s26+$0x60] =	vst v10  }
0x234: {  	v10 =	vld [tilespmem:$0x1E770];
	_ =	sdelay $0x4  }
0x235: {  	v10 =	vmul.f32 v10, v9;
	_ =	sdelay $0x1  }
0x236: {  	[tilespmem:s26+$0x70] =	vst v10  }
0x237: {  	v10 =	vld [tilespmem:$0x1E780];
	_ =	sdelay $0x4  }
0x238: {  	v10 =	vmul.f32 v10, v9;
	_ =	sdelay $0x1  }
0x239: {  	[tilespmem:s20+$0x1A380] =	vst v10  }
0x23a: {  	v10 =	vld [tilespmem:$0x1E790];
	_ =	sdelay $0x4  }
0x23b: {  	v10 =	vmul.f32 v10, v9  }
0x23c: {  	s22 =	sadd.s32 $0x1A380, s20  }
0x23d: {  	[tilespmem:s22+$0x10] =	vst v10  }
0x23e: {  	v10 =	vld [tilespmem:$0x1E7A0];
	_ =	sdelay $0x4  }
0x23f: {  	v10 =	vmul.f32 v10, v9;
	_ =	sdelay $0x1  }
0x240: {  	[tilespmem:s22+$0x20] =	vst v10  }
0x241: {  	v10 =	vld [tilespmem:$0x1E7B0];
	_ =	sdelay $0x4  }
0x242: {  	v10 =	vmul.f32 v10, v9;
	_ =	sdelay $0x1  }
0x243: {  	[tilespmem:s22+$0x30] =	vst v10  }
0x244: {  	v10 =	vld [tilespmem:$0x1E7C0];
	_ =	sdelay $0x4  }
0x245: {  	v10 =	vmul.f32 v10, v9;
	_ =	sdelay $0x1  }
0x246: {  	[tilespmem:s22+$0x40] =	vst v10  }
0x247: {  	v10 =	vld [tilespmem:$0x1E7D0];
	_ =	sdelay $0x4  }
0x248: {  	v10 =	vmul.f32 v10, v9;
	_ =	sdelay $0x1  }
0x249: {  	[tilespmem:s22+$0x50] =	vst v10  }
0x24a: {  	v10 =	vld [tilespmem:$0x1E7E0];
	_ =	sdelay $0x4  }
0x24b: {  	v10 =	vmul.f32 v10, v9;
	_ =	sdelay $0x1  }
0x24c: {  	[tilespmem:s22+$0x60] =	vst v10  }
0x24d: {  	v10 =	vld [tilespmem:$0x1E7F0];
	_ =	sdelay $0x4  }
0x24e: {  	v10 =	vmul.f32 v10, v9;
	_ =	sdelay $0x1  }
0x24f: {  	[tilespmem:s22+$0x70] =	vst v10  }
0x250: {  	v10 =	vld [tilespmem:$0x1E800];
	_ =	sdelay $0x4  }
0x251: {  	v10 =	vmul.f32 v10, v9;
	_ =	sdelay $0x1  }
0x252: {  	[tilespmem:s20+$0x1A780] =	vst v10  }
0x253: {  	v10 =	vld [tilespmem:$0x1E810];
	_ =	sdelay $0x4  }
0x254: {  	v10 =	vmul.f32 v10, v9  }
0x255: {  	s25 =	sadd.s32 $0x1A780, s20  }
0x256: {  	[tilespmem:s25+$0x10] =	vst v10  }
0x257: {  	v10 =	vld [tilespmem:$0x1E820];
	_ =	sdelay $0x4  }
0x258: {  	v10 =	vmul.f32 v10, v9;
	_ =	sdelay $0x1  }
0x259: {  	[tilespmem:s25+$0x20] =	vst v10  }
0x25a: {  	v10 =	vld [tilespmem:$0x1E830];
	_ =	sdelay $0x4  }
0x25b: {  	v10 =	vmul.f32 v10, v9;
	_ =	sdelay $0x1  }
0x25c: {  	[tilespmem:s25+$0x30] =	vst v10  }
0x25d: {  	v10 =	vld [tilespmem:$0x1E840];
	_ =	sdelay $0x4  }
0x25e: {  	v10 =	vmul.f32 v10, v9;
	_ =	sdelay $0x1  }
0x25f: {  	[tilespmem:s25+$0x40] =	vst v10  }
0x260: {  	v10 =	vld [tilespmem:$0x1E850];
	_ =	sdelay $0x4  }
0x261: {  	v10 =	vmul.f32 v10, v9;
	_ =	sdelay $0x1  }
0x262: {  	[tilespmem:s25+$0x50] =	vst v10  }
0x263: {  	v10 =	vld [tilespmem:$0x1E860];
	_ =	sdelay $0x4  }
0x264: {  	v10 =	vmul.f32 v10, v9;
	_ =	sdelay $0x1  }
0x265: {  	[tilespmem:s25+$0x60] =	vst v10  }
0x266: {  	v10 =	vld [tilespmem:$0x1E870];
	_ =	sdelay $0x4  }
0x267: {  	v10 =	vmul.f32 v10, v9;
	_ =	sdelay $0x1  }
0x268: {  	[tilespmem:s25+$0x70] =	vst v10  }
0x269: {  	v10 =	vld [tilespmem:$0x1E880];
	_ =	sdelay $0x4  }
0x26a: {  	v10 =	vmul.f32 v10, v9;
	_ =	sdelay $0x1  }
0x26b: {  	[tilespmem:s20+$0x1AB80] =	vst v10  }
0x26c: {  	v10 =	vld [tilespmem:$0x1E890];
	_ =	sdelay $0x4  }
0x26d: {  	v10 =	vmul.f32 v10, v9  }
0x26e: {  	s26 =	sadd.s32 $0x1AB80, s20  }
0x26f: {  	[tilespmem:s26+$0x10] =	vst v10  }
0x270: {  	v10 =	vld [tilespmem:$0x1E8A0];
	_ =	sdelay $0x4  }
0x271: {  	v10 =	vmul.f32 v10, v9;
	_ =	sdelay $0x1  }
0x272: {  	[tilespmem:s26+$0x20] =	vst v10  }
0x273: {  	v10 =	vld [tilespmem:$0x1E8B0];
	_ =	sdelay $0x4  }
0x274: {  	v10 =	vmul.f32 v10, v9;
	_ =	sdelay $0x1  }
0x275: {  	[tilespmem:s26+$0x30] =	vst v10  }
0x276: {  	v10 =	vld [tilespmem:$0x1E8C0];
	_ =	sdelay $0x4  }
0x277: {  	v10 =	vmul.f32 v10, v9;
	_ =	sdelay $0x1  }
0x278: {  	[tilespmem:s26+$0x40] =	vst v10  }
0x279: {  	v10 =	vld [tilespmem:$0x1E8D0];
	_ =	sdelay $0x4  }
0x27a: {  	v10 =	vmul.f32 v10, v9;
	_ =	sdelay $0x1  }
0x27b: {  	[tilespmem:s26+$0x50] =	vst v10  }
0x27c: {  	v10 =	vld [tilespmem:$0x1E8E0];
	_ =	sdelay $0x4  }
0x27d: {  	v10 =	vmul.f32 v10, v9;
	_ =	sdelay $0x1  }
0x27e: {  	[tilespmem:s26+$0x60] =	vst v10  }
0x27f: {  	v10 =	vld [tilespmem:$0x1E8F0];
	_ =	sdelay $0x4  }
0x280: {  	v10 =	vmul.f32 v10, v9;
	_ =	sdelay $0x1  }
0x281: {  	[tilespmem:s26+$0x70] =	vst v10  }
0x282: {  	v10 =	vld [tilespmem:$0x1E900];
	_ =	sdelay $0x4  }
0x283: {  	v10 =	vmul.f32 v10, v9;
	_ =	sdelay $0x1  }
0x284: {  	[tilespmem:s20+$0x1AF80] =	vst v10  }
0x285: {  	v10 =	vld [tilespmem:$0x1E910];
	_ =	sdelay $0x4  }
0x286: {  	v10 =	vmul.f32 v10, v9  }
0x287: {  	s20 =	sadd.s32 $0x1AF80, s20  }
0x288: {  	[tilespmem:s20+$0x10] =	vst v10  }
0x289: {  	v10 =	vld [tilespmem:$0x1E920];
	_ =	sdelay $0x4  }
0x28a: {  	v10 =	vmul.f32 v10, v9;
	_ =	sdelay $0x1  }
0x28b: {  	[tilespmem:s20+$0x20] =	vst v10  }
0x28c: {  	v10 =	vld [tilespmem:$0x1E930];
	_ =	sdelay $0x4  }
0x28d: {  	v10 =	vmul.f32 v10, v9;
	_ =	sdelay $0x1  }
0x28e: {  	[tilespmem:s20+$0x30] =	vst v10  }
0x28f: {  	v10 =	vld [tilespmem:$0x1E940];
	_ =	sdelay $0x4  }
0x290: {  	v10 =	vmul.f32 v10, v9;
	_ =	sdelay $0x1  }
0x291: {  	[tilespmem:s20+$0x40] =	vst v10  }
0x292: {  	v10 =	vld [tilespmem:$0x1E950];
	_ =	sdelay $0x4  }
0x293: {  	v10 =	vmul.f32 v10, v9;
	_ =	sdelay $0x1  }
0x294: {  	[tilespmem:s20+$0x50] =	vst v10  }
0x295: {  	v10 =	vld [tilespmem:$0x1E960];
	_ =	sdelay $0x4  }
0x296: {  	v10 =	vmul.f32 v10, v9;
	_ =	sdelay $0x1  }
0x297: {  	[tilespmem:s20+$0x60] =	vst v10  }
0x298: {  	v10 =	vld [tilespmem:$0x1E970];
	_ =	sdelay $0x1  }
0x299: {  	p0 =	sne.s32 s18, $0xF  }
.Ltmp2:
0x29a: {  	_ = 	snop;
	(pc) =	sbr.rel @p0 .LBB2_6-.Ltmp2, $3  }
0x29b: {  	_ = 	snop  }
0x29c: {  	v9 =	vmul.f32 v10, v9;
	_ =	sdelay $0x1  }
0x29d: {  	s16 =	sadd.s32 $0x80, s16;
	s18 =	sadd.s32 $0x1, s18;
	[tilespmem:s20+$0x70] =	vst v9  }
0x29e: {  	s16 =	simm.s32 $0x0  }
0x29f: {  	[hbm4b:s12+s16] =	stream.linear.scatter [tilespmem:s1], [sflag:$0x9], $0x6000, $0x38;
	[tilespmem:$0x1ED80] =	vst v63  }
0x2a0: {  	_ =	swait.ge [sflag:s17], $0x6000  }
0x2a1: {  	[sflag:s17] =	ssyncset.done $0x0  }
0x2a2: {  	s18 =	simm.s32 $0x0;
	[sflag:s17] =	ssyncadd.s32 $0xFFFFA000  }
.LBB2_8:
0x2a3: {  	s20 =	sadd.s32 s18, s24  }
0x2a4: {  	v9 =	vmov s20;
	_ =	sdelay $0x4  }
0x2a5: {  	v9 =	vld.idx.msk [tilespmem:v9+s19+$0x0], $0xffff;
	_ =	sdelay $0x3  }
0x2a6: {  	v10 =	vld [tilespmem:$0x1E380]  }
0x2a7: {  	v9 =	vsub.f32 v9, v7  }
0x2a8: {  	s25 =	sshrl.u32 s18, $0x3  }
0x2a9: {  	s20 =	smul.u32 $0xC000, s25;
	v9 =	vmul.f32 v9, v8;
	_ =	sdelay $0x1  }
0x2aa: {  	s21 =	sand.u32 $0x380, s16;
	s20 =	sshra.s32 s20, $0x2;
	v10 =	vmul.f32 v9, v10  }
0x2ab: {  	s20 =	sor.u32 s21, s20  }
0x2ac: {  	[tilespmem:s20+$0x18380] =	vst v10  }
0x2ad: {  	v10 =	vld [tilespmem:$0x1E390];
	_ =	sdelay $0x4  }
0x2ae: {  	v10 =	vmul.f32 v10, v9  }
0x2af: {  	s21 =	sadd.s32 $0x18380, s20  }
0x2b0: {  	[tilespmem:s21+$0x10] =	vst v10  }
0x2b1: {  	v10 =	vld [tilespmem:$0x1E3A0];
	_ =	sdelay $0x4  }
0x2b2: {  	v10 =	vmul.f32 v10, v9;
	_ =	sdelay $0x1  }
0x2b3: {  	[tilespmem:s21+$0x20] =	vst v10  }
0x2b4: {  	v10 =	vld [tilespmem:$0x1E3B0];
	_ =	sdelay $0x4  }
0x2b5: {  	v10 =	vmul.f32 v10, v9;
	_ =	sdelay $0x1  }
0x2b6: {  	[tilespmem:s21+$0x30] =	vst v10  }
0x2b7: {  	v10 =	vld [tilespmem:$0x1E3C0];
	_ =	sdelay $0x4  }
0x2b8: {  	v10 =	vmul.f32 v10, v9;
	_ =	sdelay $0x1  }
0x2b9: {  	[tilespmem:s21+$0x40] =	vst v10  }
0x2ba: {  	v10 =	vld [tilespmem:$0x1E3D0];
	_ =	sdelay $0x4  }
0x2bb: {  	v10 =	vmul.f32 v10, v9;
	_ =	sdelay $0x1  }
0x2bc: {  	[tilespmem:s21+$0x50] =	vst v10  }
0x2bd: {  	v10 =	vld [tilespmem:$0x1E3E0];
	_ =	sdelay $0x4  }
0x2be: {  	v10 =	vmul.f32 v10, v9;
	_ =	sdelay $0x1  }
0x2bf: {  	[tilespmem:s21+$0x60] =	vst v10  }
0x2c0: {  	v10 =	vld [tilespmem:$0x1E3F0];
	_ =	sdelay $0x4  }
0x2c1: {  	v10 =	vmul.f32 v10, v9;
	_ =	sdelay $0x1  }
0x2c2: {  	[tilespmem:s21+$0x70] =	vst v10  }
0x2c3: {  	v10 =	vld [tilespmem:$0x1E400];
	_ =	sdelay $0x4  }
0x2c4: {  	v10 =	vmul.f32 v10, v9;
	_ =	sdelay $0x1  }
0x2c5: {  	[tilespmem:s21+$0x400] =	vst v10  }
0x2c6: {  	v10 =	vld [tilespmem:$0x1E410];
	_ =	sdelay $0x4  }
0x2c7: {  	v10 =	vmul.f32 v10, v9;
	_ =	sdelay $0x1  }
0x2c8: {  	[tilespmem:s21+$0x410] =	vst v10  }
0x2c9: {  	v10 =	vld [tilespmem:$0x1E420];
	_ =	sdelay $0x4  }
0x2ca: {  	v10 =	vmul.f32 v10, v9;
	_ =	sdelay $0x1  }
0x2cb: {  	[tilespmem:s21+$0x420] =	vst v10  }
0x2cc: {  	v10 =	vld [tilespmem:$0x1E430];
	_ =	sdelay $0x4  }
0x2cd: {  	v10 =	vmul.f32 v10, v9;
	_ =	sdelay $0x1  }
0x2ce: {  	[tilespmem:s21+$0x430] =	vst v10  }
0x2cf: {  	v10 =	vld [tilespmem:$0x1E440];
	_ =	sdelay $0x4  }
0x2d0: {  	v10 =	vmul.f32 v10, v9;
	_ =	sdelay $0x1  }
0x2d1: {  	[tilespmem:s21+$0x440] =	vst v10  }
0x2d2: {  	v10 =	vld [tilespmem:$0x1E450];
	_ =	sdelay $0x4  }
0x2d3: {  	v10 =	vmul.f32 v10, v9;
	_ =	sdelay $0x1  }
0x2d4: {  	[tilespmem:s21+$0x450] =	vst v10  }
0x2d5: {  	v10 =	vld [tilespmem:$0x1E460];
	_ =	sdelay $0x4  }
0x2d6: {  	v10 =	vmul.f32 v10, v9;
	_ =	sdelay $0x1  }
0x2d7: {  	[tilespmem:s21+$0x460] =	vst v10  }
0x2d8: {  	v10 =	vld [tilespmem:$0x1E470];
	_ =	sdelay $0x4  }
0x2d9: {  	v10 =	vmul.f32 v10, v9;
	_ =	sdelay $0x1  }
0x2da: {  	[tilespmem:s21+$0x470] =	vst v10  }
0x2db: {  	v10 =	vld [tilespmem:$0x1E480];
	_ =	sdelay $0x4  }
0x2dc: {  	v10 =	vmul.f32 v10, v9;
	_ =	sdelay $0x1  }
0x2dd: {  	[tilespmem:s21+$0x800] =	vst v10  }
0x2de: {  	v10 =	vld [tilespmem:$0x1E490];
	_ =	sdelay $0x4  }
0x2df: {  	v10 =	vmul.f32 v10, v9;
	_ =	sdelay $0x1  }
0x2e0: {  	[tilespmem:s21+$0x810] =	vst v10  }
0x2e1: {  	v10 =	vld [tilespmem:$0x1E4A0];
	_ =	sdelay $0x4  }
0x2e2: {  	v10 =	vmul.f32 v10, v9;
	_ =	sdelay $0x1  }
0x2e3: {  	[tilespmem:s21+$0x820] =	vst v10  }
0x2e4: {  	v10 =	vld [tilespmem:$0x1E4B0];
	_ =	sdelay $0x4  }
0x2e5: {  	v10 =	vmul.f32 v10, v9;
	_ =	sdelay $0x1  }
0x2e6: {  	[tilespmem:s21+$0x830] =	vst v10  }
0x2e7: {  	v10 =	vld [tilespmem:$0x1E4C0];
	_ =	sdelay $0x4  }
0x2e8: {  	v10 =	vmul.f32 v10, v9;
	_ =	sdelay $0x1  }
0x2e9: {  	[tilespmem:s21+$0x840] =	vst v10  }
0x2ea: {  	v10 =	vld [tilespmem:$0x1E4D0];
	_ =	sdelay $0x4  }
0x2eb: {  	v10 =	vmul.f32 v10, v9;
	_ =	sdelay $0x1  }
0x2ec: {  	[tilespmem:s21+$0x850] =	vst v10  }
0x2ed: {  	v10 =	vld [tilespmem:$0x1E4E0];
	_ =	sdelay $0x4  }
0x2ee: {  	v10 =	vmul.f32 v10, v9;
	_ =	sdelay $0x1  }
0x2ef: {  	[tilespmem:s21+$0x860] =	vst v10  }
0x2f0: {  	v10 =	vld [tilespmem:$0x1E4F0];
	_ =	sdelay $0x4  }
0x2f1: {  	v10 =	vmul.f32 v10, v9;
	_ =	sdelay $0x1  }
0x2f2: {  	[tilespmem:s21+$0x870] =	vst v10  }
0x2f3: {  	v10 =	vld [tilespmem:$0x1E500];
	_ =	sdelay $0x4  }
0x2f4: {  	v10 =	vmul.f32 v10, v9;
	_ =	sdelay $0x1  }
0x2f5: {  	[tilespmem:s21+$0xC00] =	vst v10  }
0x2f6: {  	v10 =	vld [tilespmem:$0x1E510];
	_ =	sdelay $0x4  }
0x2f7: {  	v10 =	vmul.f32 v10, v9;
	_ =	sdelay $0x1  }
0x2f8: {  	[tilespmem:s21+$0xC10] =	vst v10  }
0x2f9: {  	v10 =	vld [tilespmem:$0x1E520];
	_ =	sdelay $0x4  }
0x2fa: {  	v10 =	vmul.f32 v10, v9;
	_ =	sdelay $0x1  }
0x2fb: {  	[tilespmem:s21+$0xC20] =	vst v10  }
0x2fc: {  	v10 =	vld [tilespmem:$0x1E530];
	_ =	sdelay $0x4  }
0x2fd: {  	v10 =	vmul.f32 v10, v9;
	_ =	sdelay $0x1  }
0x2fe: {  	[tilespmem:s21+$0xC30] =	vst v10  }
0x2ff: {  	v10 =	vld [tilespmem:$0x1E540];
	_ =	sdelay $0x4  }
0x300: {  	v10 =	vmul.f32 v10, v9;
	_ =	sdelay $0x1  }
0x301: {  	[tilespmem:s21+$0xC40] =	vst v10  }
0x302: {  	v10 =	vld [tilespmem:$0x1E550];
	_ =	sdelay $0x4  }
0x303: {  	v10 =	vmul.f32 v10, v9;
	_ =	sdelay $0x1  }
0x304: {  	[tilespmem:s21+$0xC50] =	vst v10  }
0x305: {  	v10 =	vld [tilespmem:$0x1E560];
	_ =	sdelay $0x4  }
0x306: {  	v10 =	vmul.f32 v10, v9;
	_ =	sdelay $0x1  }
0x307: {  	[tilespmem:s21+$0xC60] =	vst v10  }
0x308: {  	v10 =	vld [tilespmem:$0x1E570];
	_ =	sdelay $0x4  }
0x309: {  	v10 =	vmul.f32 v10, v9;
	_ =	sdelay $0x1  }
0x30a: {  	[tilespmem:s21+$0xC70] =	vst v10  }
0x30b: {  	v10 =	vld [tilespmem:$0x1E580];
	_ =	sdelay $0x4  }
0x30c: {  	v10 =	vmul.f32 v10, v9;
	_ =	sdelay $0x1  }
0x30d: {  	[tilespmem:s20+$0x19380] =	vst v10  }
0x30e: {  	v10 =	vld [tilespmem:$0x1E590];
	_ =	sdelay $0x4  }
0x30f: {  	v10 =	vmul.f32 v10, v9  }
0x310: {  	s26 =	sadd.s32 $0x19380, s20  }
0x311: {  	[tilespmem:s26+$0x10] =	vst v10  }
0x312: {  	v10 =	vld [tilespmem:$0x1E5A0];
	_ =	sdelay $0x4  }
0x313: {  	v10 =	vmul.f32 v10, v9;
	_ =	sdelay $0x1  }
0x314: {  	[tilespmem:s26+$0x20] =	vst v10  }
0x315: {  	v10 =	vld [tilespmem:$0x1E5B0];
	_ =	sdelay $0x4  }
0x316: {  	v10 =	vmul.f32 v10, v9;
	_ =	sdelay $0x1  }
0x317: {  	[tilespmem:s26+$0x30] =	vst v10  }
0x318: {  	v10 =	vld [tilespmem:$0x1E5C0];
	_ =	sdelay $0x4  }
0x319: {  	v10 =	vmul.f32 v10, v9;
	_ =	sdelay $0x1  }
0x31a: {  	[tilespmem:s26+$0x40] =	vst v10  }
0x31b: {  	v10 =	vld [tilespmem:$0x1E5D0];
	_ =	sdelay $0x4  }
0x31c: {  	v10 =	vmul.f32 v10, v9;
	_ =	sdelay $0x1  }
0x31d: {  	[tilespmem:s26+$0x50] =	vst v10  }
0x31e: {  	v10 =	vld [tilespmem:$0x1E5E0];
	_ =	sdelay $0x4  }
0x31f: {  	v10 =	vmul.f32 v10, v9;
	_ =	sdelay $0x1  }
0x320: {  	[tilespmem:s26+$0x60] =	vst v10  }
0x321: {  	v10 =	vld [tilespmem:$0x1E5F0];
	_ =	sdelay $0x4  }
0x322: {  	v10 =	vmul.f32 v10, v9;
	_ =	sdelay $0x1  }
0x323: {  	[tilespmem:s26+$0x70] =	vst v10  }
0x324: {  	v10 =	vld [tilespmem:$0x1E600];
	_ =	sdelay $0x4  }
0x325: {  	v10 =	vmul.f32 v10, v9;
	_ =	sdelay $0x1  }
0x326: {  	[tilespmem:s20+$0x19780] =	vst v10  }
0x327: {  	v10 =	vld [tilespmem:$0x1E610];
	_ =	sdelay $0x4  }
0x328: {  	v10 =	vmul.f32 v10, v9  }
0x329: {  	s22 =	sadd.s32 $0x19780, s20  }
0x32a: {  	[tilespmem:s22+$0x10] =	vst v10  }
0x32b: {  	v10 =	vld [tilespmem:$0x1E620];
	_ =	sdelay $0x4  }
0x32c: {  	v10 =	vmul.f32 v10, v9;
	_ =	sdelay $0x1  }
0x32d: {  	[tilespmem:s22+$0x20] =	vst v10  }
0x32e: {  	v10 =	vld [tilespmem:$0x1E630];
	_ =	sdelay $0x4  }
0x32f: {  	v10 =	vmul.f32 v10, v9;
	_ =	sdelay $0x1  }
0x330: {  	[tilespmem:s22+$0x30] =	vst v10  }
0x331: {  	v10 =	vld [tilespmem:$0x1E640];
	_ =	sdelay $0x4  }
0x332: {  	v10 =	vmul.f32 v10, v9;
	_ =	sdelay $0x1  }
0x333: {  	[tilespmem:s22+$0x40] =	vst v10  }
0x334: {  	v10 =	vld [tilespmem:$0x1E650];
	_ =	sdelay $0x4  }
0x335: {  	v10 =	vmul.f32 v10, v9;
	_ =	sdelay $0x1  }
0x336: {  	[tilespmem:s22+$0x50] =	vst v10  }
0x337: {  	v10 =	vld [tilespmem:$0x1E660];
	_ =	sdelay $0x4  }
0x338: {  	v10 =	vmul.f32 v10, v9;
	_ =	sdelay $0x1  }
0x339: {  	[tilespmem:s22+$0x60] =	vst v10  }
0x33a: {  	v10 =	vld [tilespmem:$0x1E670];
	_ =	sdelay $0x4  }
0x33b: {  	v10 =	vmul.f32 v10, v9;
	_ =	sdelay $0x1  }
0x33c: {  	[tilespmem:s22+$0x70] =	vst v10  }
0x33d: {  	v10 =	vld [tilespmem:$0x1E680];
	_ =	sdelay $0x4  }
0x33e: {  	v10 =	vmul.f32 v10, v9;
	_ =	sdelay $0x1  }
0x33f: {  	[tilespmem:s20+$0x19B80] =	vst v10  }
0x340: {  	v10 =	vld [tilespmem:$0x1E690];
	_ =	sdelay $0x4  }
0x341: {  	v10 =	vmul.f32 v10, v9  }
0x342: {  	s25 =	sadd.s32 $0x19B80, s20  }
0x343: {  	[tilespmem:s25+$0x10] =	vst v10  }
0x344: {  	v10 =	vld [tilespmem:$0x1E6A0];
	_ =	sdelay $0x4  }
0x345: {  	v10 =	vmul.f32 v10, v9;
	_ =	sdelay $0x1  }
0x346: {  	[tilespmem:s25+$0x20] =	vst v10  }
0x347: {  	v10 =	vld [tilespmem:$0x1E6B0];
	_ =	sdelay $0x4  }
0x348: {  	v10 =	vmul.f32 v10, v9;
	_ =	sdelay $0x1  }
0x349: {  	[tilespmem:s25+$0x30] =	vst v10  }
0x34a: {  	v10 =	vld [tilespmem:$0x1E6C0];
	_ =	sdelay $0x4  }
0x34b: {  	v10 =	vmul.f32 v10, v9;
	_ =	sdelay $0x1  }
0x34c: {  	[tilespmem:s25+$0x40] =	vst v10  }
0x34d: {  	v10 =	vld [tilespmem:$0x1E6D0];
	_ =	sdelay $0x4  }
0x34e: {  	v10 =	vmul.f32 v10, v9;
	_ =	sdelay $0x1  }
0x34f: {  	[tilespmem:s25+$0x50] =	vst v10  }
0x350: {  	v10 =	vld [tilespmem:$0x1E6E0];
	_ =	sdelay $0x4  }
0x351: {  	v10 =	vmul.f32 v10, v9;
	_ =	sdelay $0x1  }
0x352: {  	[tilespmem:s25+$0x60] =	vst v10  }
0x353: {  	v10 =	vld [tilespmem:$0x1E6F0];
	_ =	sdelay $0x4  }
0x354: {  	v10 =	vmul.f32 v10, v9;
	_ =	sdelay $0x1  }
0x355: {  	[tilespmem:s25+$0x70] =	vst v10  }
0x356: {  	v10 =	vld [tilespmem:$0x1E700];
	_ =	sdelay $0x4  }
0x357: {  	v10 =	vmul.f32 v10, v9;
	_ =	sdelay $0x1  }
0x358: {  	[tilespmem:s20+$0x19F80] =	vst v10  }
0x359: {  	v10 =	vld [tilespmem:$0x1E710];
	_ =	sdelay $0x4  }
0x35a: {  	v10 =	vmul.f32 v10, v9  }
0x35b: {  	s26 =	sadd.s32 $0x19F80, s20  }
0x35c: {  	[tilespmem:s26+$0x10] =	vst v10  }
0x35d: {  	v10 =	vld [tilespmem:$0x1E720];
	_ =	sdelay $0x4  }
0x35e: {  	v10 =	vmul.f32 v10, v9;
	_ =	sdelay $0x1  }
0x35f: {  	[tilespmem:s26+$0x20] =	vst v10  }
0x360: {  	v10 =	vld [tilespmem:$0x1E730];
	_ =	sdelay $0x4  }
0x361: {  	v10 =	vmul.f32 v10, v9;
	_ =	sdelay $0x1  }
0x362: {  	[tilespmem:s26+$0x30] =	vst v10  }
0x363: {  	v10 =	vld [tilespmem:$0x1E740];
	_ =	sdelay $0x4  }
0x364: {  	v10 =	vmul.f32 v10, v9;
	_ =	sdelay $0x1  }
0x365: {  	[tilespmem:s26+$0x40] =	vst v10  }
0x366: {  	v10 =	vld [tilespmem:$0x1E750];
	_ =	sdelay $0x4  }
0x367: {  	v10 =	vmul.f32 v10, v9;
	_ =	sdelay $0x1  }
0x368: {  	[tilespmem:s26+$0x50] =	vst v10  }
0x369: {  	v10 =	vld [tilespmem:$0x1E760];
	_ =	sdelay $0x4  }
0x36a: {  	v10 =	vmul.f32 v10, v9;
	_ =	sdelay $0x1  }
0x36b: {  	[tilespmem:s26+$0x60] =	vst v10  }
0x36c: {  	v10 =	vld [tilespmem:$0x1E770];
	_ =	sdelay $0x4  }
0x36d: {  	v10 =	vmul.f32 v10, v9;
	_ =	sdelay $0x1  }
0x36e: {  	[tilespmem:s26+$0x70] =	vst v10  }
0x36f: {  	v10 =	vld [tilespmem:$0x1E780];
	_ =	sdelay $0x4  }
0x370: {  	v10 =	vmul.f32 v10, v9;
	_ =	sdelay $0x1  }
0x371: {  	[tilespmem:s20+$0x1A380] =	vst v10  }
0x372: {  	v10 =	vld [tilespmem:$0x1E790];
	_ =	sdelay $0x4  }
0x373: {  	v10 =	vmul.f32 v10, v9  }
0x374: {  	s22 =	sadd.s32 $0x1A380, s20  }
0x375: {  	[tilespmem:s22+$0x10] =	vst v10  }
0x376: {  	v10 =	vld [tilespmem:$0x1E7A0];
	_ =	sdelay $0x4  }
0x377: {  	v10 =	vmul.f32 v10, v9;
	_ =	sdelay $0x1  }
0x378: {  	[tilespmem:s22+$0x20] =	vst v10  }
0x379: {  	v10 =	vld [tilespmem:$0x1E7B0];
	_ =	sdelay $0x4  }
0x37a: {  	v10 =	vmul.f32 v10, v9;
	_ =	sdelay $0x1  }
0x37b: {  	[tilespmem:s22+$0x30] =	vst v10  }
0x37c: {  	v10 =	vld [tilespmem:$0x1E7C0];
	_ =	sdelay $0x4  }
0x37d: {  	v10 =	vmul.f32 v10, v9;
	_ =	sdelay $0x1  }
0x37e: {  	[tilespmem:s22+$0x40] =	vst v10  }
0x37f: {  	v10 =	vld [tilespmem:$0x1E7D0];
	_ =	sdelay $0x4  }
0x380: {  	v10 =	vmul.f32 v10, v9;
	_ =	sdelay $0x1  }
0x381: {  	[tilespmem:s22+$0x50] =	vst v10  }
0x382: {  	v10 =	vld [tilespmem:$0x1E7E0];
	_ =	sdelay $0x4  }
0x383: {  	v10 =	vmul.f32 v10, v9;
	_ =	sdelay $0x1  }
0x384: {  	[tilespmem:s22+$0x60] =	vst v10  }
0x385: {  	v10 =	vld [tilespmem:$0x1E7F0];
	_ =	sdelay $0x4  }
0x386: {  	v10 =	vmul.f32 v10, v9;
	_ =	sdelay $0x1  }
0x387: {  	[tilespmem:s22+$0x70] =	vst v10  }
0x388: {  	v10 =	vld [tilespmem:$0x1E800];
	_ =	sdelay $0x4  }
0x389: {  	v10 =	vmul.f32 v10, v9;
	_ =	sdelay $0x1  }
0x38a: {  	[tilespmem:s20+$0x1A780] =	vst v10  }
0x38b: {  	v10 =	vld [tilespmem:$0x1E810];
	_ =	sdelay $0x4  }
0x38c: {  	v10 =	vmul.f32 v10, v9  }
0x38d: {  	s25 =	sadd.s32 $0x1A780, s20  }
0x38e: {  	[tilespmem:s25+$0x10] =	vst v10  }
0x38f: {  	v10 =	vld [tilespmem:$0x1E820];
	_ =	sdelay $0x4  }
0x390: {  	v10 =	vmul.f32 v10, v9;
	_ =	sdelay $0x1  }
0x391: {  	[tilespmem:s25+$0x20] =	vst v10  }
0x392: {  	v10 =	vld [tilespmem:$0x1E830];
	_ =	sdelay $0x4  }
0x393: {  	v10 =	vmul.f32 v10, v9;
	_ =	sdelay $0x1  }
0x394: {  	[tilespmem:s25+$0x30] =	vst v10  }
0x395: {  	v10 =	vld [tilespmem:$0x1E840];
	_ =	sdelay $0x4  }
0x396: {  	v10 =	vmul.f32 v10, v9;
	_ =	sdelay $0x1  }
0x397: {  	[tilespmem:s25+$0x40] =	vst v10  }
0x398: {  	v10 =	vld [tilespmem:$0x1E850];
	_ =	sdelay $0x4  }
0x399: {  	v10 =	vmul.f32 v10, v9;
	_ =	sdelay $0x1  }
0x39a: {  	[tilespmem:s25+$0x50] =	vst v10  }
0x39b: {  	v10 =	vld [tilespmem:$0x1E860];
	_ =	sdelay $0x4  }
0x39c: {  	v10 =	vmul.f32 v10, v9;
	_ =	sdelay $0x1  }
0x39d: {  	[tilespmem:s25+$0x60] =	vst v10  }
0x39e: {  	v10 =	vld [tilespmem:$0x1E870];
	_ =	sdelay $0x4  }
0x39f: {  	v10 =	vmul.f32 v10, v9;
	_ =	sdelay $0x1  }
0x3a0: {  	[tilespmem:s25+$0x70] =	vst v10  }
0x3a1: {  	v10 =	vld [tilespmem:$0x1E880];
	_ =	sdelay $0x4  }
0x3a2: {  	v10 =	vmul.f32 v10, v9;
	_ =	sdelay $0x1  }
0x3a3: {  	[tilespmem:s20+$0x1AB80] =	vst v10  }
0x3a4: {  	v10 =	vld [tilespmem:$0x1E890];
	_ =	sdelay $0x4  }
0x3a5: {  	v10 =	vmul.f32 v10, v9  }
0x3a6: {  	s26 =	sadd.s32 $0x1AB80, s20  }
0x3a7: {  	[tilespmem:s26+$0x10] =	vst v10  }
0x3a8: {  	v10 =	vld [tilespmem:$0x1E8A0];
	_ =	sdelay $0x4  }
0x3a9: {  	v10 =	vmul.f32 v10, v9;
	_ =	sdelay $0x1  }
0x3aa: {  	[tilespmem:s26+$0x20] =	vst v10  }
0x3ab: {  	v10 =	vld [tilespmem:$0x1E8B0];
	_ =	sdelay $0x4  }
0x3ac: {  	v10 =	vmul.f32 v10, v9;
	_ =	sdelay $0x1  }
0x3ad: {  	[tilespmem:s26+$0x30] =	vst v10  }
0x3ae: {  	v10 =	vld [tilespmem:$0x1E8C0];
	_ =	sdelay $0x4  }
0x3af: {  	v10 =	vmul.f32 v10, v9;
	_ =	sdelay $0x1  }
0x3b0: {  	[tilespmem:s26+$0x40] =	vst v10  }
0x3b1: {  	v10 =	vld [tilespmem:$0x1E8D0];
	_ =	sdelay $0x4  }
0x3b2: {  	v10 =	vmul.f32 v10, v9;
	_ =	sdelay $0x1  }
0x3b3: {  	[tilespmem:s26+$0x50] =	vst v10  }
0x3b4: {  	v10 =	vld [tilespmem:$0x1E8E0];
	_ =	sdelay $0x4  }
0x3b5: {  	v10 =	vmul.f32 v10, v9;
	_ =	sdelay $0x1  }
0x3b6: {  	[tilespmem:s26+$0x60] =	vst v10  }
0x3b7: {  	v10 =	vld [tilespmem:$0x1E8F0];
	_ =	sdelay $0x4  }
0x3b8: {  	v10 =	vmul.f32 v10, v9;
	_ =	sdelay $0x1  }
0x3b9: {  	[tilespmem:s26+$0x70] =	vst v10  }
0x3ba: {  	v10 =	vld [tilespmem:$0x1E900];
	_ =	sdelay $0x4  }
0x3bb: {  	v10 =	vmul.f32 v10, v9;
	_ =	sdelay $0x1  }
0x3bc: {  	[tilespmem:s20+$0x1AF80] =	vst v10  }
0x3bd: {  	v10 =	vld [tilespmem:$0x1E910];
	_ =	sdelay $0x4  }
0x3be: {  	v10 =	vmul.f32 v10, v9  }
0x3bf: {  	s20 =	sadd.s32 $0x1AF80, s20  }
0x3c0: {  	[tilespmem:s20+$0x10] =	vst v10  }
0x3c1: {  	v10 =	vld [tilespmem:$0x1E920];
	_ =	sdelay $0x4  }
0x3c2: {  	v10 =	vmul.f32 v10, v9;
	_ =	sdelay $0x1  }
0x3c3: {  	[tilespmem:s20+$0x20] =	vst v10  }
0x3c4: {  	v10 =	vld [tilespmem:$0x1E930];
	_ =	sdelay $0x4  }
0x3c5: {  	v10 =	vmul.f32 v10, v9;
	_ =	sdelay $0x1  }
0x3c6: {  	[tilespmem:s20+$0x30] =	vst v10  }
0x3c7: {  	v10 =	vld [tilespmem:$0x1E940];
	_ =	sdelay $0x4  }
0x3c8: {  	v10 =	vmul.f32 v10, v9;
	_ =	sdelay $0x1  }
0x3c9: {  	[tilespmem:s20+$0x40] =	vst v10  }
0x3ca: {  	v10 =	vld [tilespmem:$0x1E950];
	_ =	sdelay $0x4  }
0x3cb: {  	v10 =	vmul.f32 v10, v9;
	_ =	sdelay $0x1  }
0x3cc: {  	[tilespmem:s20+$0x50] =	vst v10  }
0x3cd: {  	v10 =	vld [tilespmem:$0x1E960];
	_ =	sdelay $0x4  }
0x3ce: {  	v10 =	vmul.f32 v10, v9;
	_ =	sdelay $0x1  }
0x3cf: {  	[tilespmem:s20+$0x60] =	vst v10  }
0x3d0: {  	v10 =	vld [tilespmem:$0x1E970];
	_ =	sdelay $0x1  }
0x3d1: {  	p0 =	sne.s32 s18, $0xF  }
.Ltmp3:
0x3d2: {  	_ = 	snop;
	(pc) =	sbr.rel @p0 .LBB2_8-.Ltmp3, $3  }
0x3d3: {  	_ = 	snop  }
0x3d4: {  	v9 =	vmul.f32 v10, v9;
	_ =	sdelay $0x1  }
0x3d5: {  	s16 =	sadd.s32 $0x80, s16;
	s18 =	sadd.s32 $0x1, s18;
	[tilespmem:s20+$0x70] =	vst v9  }
0x3d6: {  	s4 =	sadd.s32 $0x1, s4  }
0x3d7: {  	p0 =	sne.s32 s4, s14  }
.Ltmp4:
0x3d8: {  	_ = 	snop;
	(pc) =	sbr.rel @p0 .LBB2_1-.Ltmp4, $4  }
0x3d9: {  	[hbm4b:s13+s5] =	stream.linear.scatter [tilespmem:s1], [sflag:$0x9], $0x6000, $0x38;
	[tilespmem:$0x1ED80] =	vst v63  }
0x3da: {  	_ =	swait.ge [sflag:s17], $0x6000  }
0x3db: {  	[sflag:s17] =	ssyncset.done $0x0  }
0x3dc: {  	[sflag:s17] =	ssyncadd.s32 $0xFFFFA000  }
0x3dd: {  	_ =	sfence.sel $0x180000  }
0x3de: {  	[bflag:$0x0] =	sbarrier.arrive $0xFFFF  }
0x3df: {  	_ =	strace $0x90000047  }
0x3e0: {  	s0 =	stileid.u32;
	[bflag:$0x2] =	sbarrier.arrive $0xFFFF  }
0x3e1: {  	p0 =	sne.s32 s0, $0x0;
	s0 =	rddreg [dreg:$0x5]  }
0x3e2: {  	s0 =	sadd.s32 @!p0 $0x100000, s0  }
0x3e3: {  	[sflag:s0] =	ssyncadd.tile.s32 @!p0 $0x1;
	_ =	shalt  }
.Lfunc_end2:
_tile_overlayer_lowered:
.L_overlay_start_2:
0x3e4: {  	(tag) =	ssettag $0x2  }
0x3e5: {  	s0 =	rddreg [dreg:$0x0];
	s2 =	stileid.u32  }
0x3e6: {  	s1 =	rddreg [dreg:$0x1];
	p0 =	sne.s32 s2, $0x0  }
0x3e7: {  	s3 =	rddreg [dreg:$0x2];
	[bflag:$0x3] =	sbarrier.arrive $0xFFFF;
	s2 =	simm.s32 @!p0 $0x1C09  }
0x3e8: {  	[timem:s3], [sflag:s2] =	dma.local @!p0 [hbm:s0], s1  }
0x3e9: {  	s0 =	simm.s32 @!p0 $0x9  }
0x3ea: {  	_ =	swait.ge @!p0 [sflag:s0], s1  }
0x3eb: {  	s1 =	ssub.s32 @!p0 $0x0, s1;
	[sflag:s0] =	ssyncset.done @!p0 $0x0  }
0x3ec: {  	[sflag:s0] =	ssyncadd.s32 @!p0 s1  }
0x3ed: {  	[bflag:$0x3] =	sbarrier.arrive $0xFFFF  }
0x3ee: {  	_ =	shalt  }

</sc_bundles>
